<compile_context>
chip_gen: v7x
topology: tpu7x:2x2x1
jax: 0.10.2.dev20260603
libtpu: 0.0.44.dev20260713+nightly
codegen_flags: <defaults>
</compile_context>

<pallas_src>
import functools

import jax
import jax.numpy as jnp
from jax import lax
from jax.experimental import pallas as pl
from jax.experimental.pallas import tpu as pltpu
from jax.experimental.pallas import tpu_sc as plsc

_S = 196
_B = 64
_C = 2048
_CTC = 1536
_CSC = 512
_NS = 16
_SCHUNK = 14
_WBLK = 128
_SC_NRG = 7
_SC_NCC = 4
_SC_SPG = _S // _SC_NRG
_SC_PASSES = 4
_SC_SPP = _SC_SPG // _SC_PASSES
_SC_PROWS = _SC_SPP * _B


def _sc_maxpool_body(feat_ref, out_ref, buf0, buf1, acc_ref, sem0, sem1):
    wid = lax.axis_index("s") * 2 + lax.axis_index("c")
    rg = wid // _SC_NCC
    cc = lax.rem(wid, _SC_NCC)
    c0 = _CTC + cc * 128
    r0 = rg * (_SC_SPG * _B)

    @pl.when(wid < _SC_NRG * _SC_NCC)
    def _active():
        def slab(g):
            return feat_ref.at[pl.ds(r0 + g * _SC_PROWS, _SC_PROWS),
                               pl.ds(c0, 128)]

        bufs = [buf0, buf1]
        sems = [sem0, sem1]
        copies = [pltpu.async_copy(slab(0), buf0, sem0),
                  pltpu.async_copy(slab(1), buf1, sem1)]

        def fold(buf, first):
            def body(b, _):
                for v in range(8):
                    cs = pl.ds(v * 16, 16)
                    if first:
                        x = buf[b, cs]
                        lo = 1
                    else:
                        x = acc_ref[b, cs]
                        lo = 0
                    for s_ in range(lo, _SC_SPP):
                        x = jnp.maximum(x, buf[s_ * _B + b, cs])
                    acc_ref[b, cs] = x
                return 0

            lax.fori_loop(0, _B, body, 0)

        for g in range(_SC_PASSES):
            copies[g % 2].wait()
            fold(bufs[g % 2], first=(g == 0))
            if g + 2 < _SC_PASSES:
                copies[g % 2] = pltpu.async_copy(slab(g + 2), bufs[g % 2],
                                                 sems[g % 2])

        pltpu.sync_copy(acc_ref, out_ref.at[rg, :, pl.ds(cc * 128, 128)])


_sc_maxpool = functools.partial(
    pl.kernel,
    out_type=jax.ShapeDtypeStruct((_SC_NRG, _B, _CSC), jnp.float32),
    mesh=plsc.VectorSubcoreMesh(core_axis_name="c", subcore_axis_name="s"),
    scratch_types=[
        pltpu.VMEM((_SC_PROWS, 128), jnp.float32),
        pltpu.VMEM((_SC_PROWS, 128), jnp.float32),
        pltpu.VMEM((_B, 128), jnp.float32),
        pltpu.SemaphoreType.DMA,
        pltpu.SemaphoreType.DMA,
    ],
)(_sc_maxpool_body)


def _fused(feat_ref, x0_ref, A_ref, Wl1_ref, bl1_ref, Wr1_ref,
           Wl2_ref, bl2_ref, Wr2_ref, out_ref, x2sc_ref, x1_ref, agg1_ref,
           facc_ref, x2_ref):
    i = pl.program_id(0)

    @pl.when(i == 0)
    def _prologue():
        A = A_ref[...]
        rs_col = jnp.sum(A, axis=1, keepdims=True)
        rs_row = jnp.sum(A.T, axis=0, keepdims=True)
        adj = lax.rsqrt(rs_col) * A.T * lax.rsqrt(rs_row)
        maskf = (adj.astype(jnp.int32) != 0).astype(jnp.float32)
        cnt = jnp.maximum(jnp.sum(maskf, axis=0, keepdims=True), 1.0)
        maskn = maskf / cnt
        x0 = x0_ref[...]
        agg0 = lax.dot_general(maskn, x0, (((0,), (0,)), ((), ())),
                               preferred_element_type=jnp.float32)
        x1 = (jnp.dot(agg0, Wl1_ref[...], preferred_element_type=jnp.float32)
              + bl1_ref[...]
              + jnp.dot(x0, Wr1_ref[...], preferred_element_type=jnp.float32))
        x1 = jnp.where(x1 > 0, x1, 0.2 * x1)
        x1_ref[...] = x1
        agg1_ref[...] = lax.dot_general(maskn, x1, (((0,), (0,)), ((), ())),
                                        preferred_element_type=jnp.float32)

    slab_max = jnp.max(feat_ref[...], axis=0)

    @pl.when(i == 0)
    def _init_max():
        facc_ref[...] = slab_max

    @pl.when(i > 0)
    def _fold_max():
        facc_ref[...] = jnp.maximum(facc_ref[...], slab_max)

    x2_ref[:, pl.ds(i * _WBLK, _WBLK)] = (
        jnp.dot(agg1_ref[...], Wl2_ref[...], preferred_element_type=jnp.float32)
        + bl2_ref[...]
        + jnp.dot(x1_ref[...], Wr2_ref[...], preferred_element_type=jnp.float32))

    @pl.when(i == _NS - 1)
    def _classify():
        out_ref[...] = lax.dot_general(
            facc_ref[...], x2_ref[:, :_CTC], (((1,), (1,)), ((), ())),
            preferred_element_type=jnp.float32)
        x2sc_ref[...] = x2_ref[:, _CTC:]


def _combine(out_tc_ref, fsc_ref, x2sc_ref, out_ref):
    fsc = jnp.max(fsc_ref[...], axis=0)
    out_ref[...] = out_tc_ref[...] + lax.dot_general(
        fsc, x2sc_ref[...], (((1,), (1,)), ((), ())),
        preferred_element_type=jnp.float32)


def kernel(feature, inp, A, Wl1, bl1, Wr1, Wl2, bl2, Wr2):
    B, C = feature.shape[0], feature.shape[1]
    N = A.shape[0]
    H1 = Wl1.shape[1]
    featT = jnp.transpose(feature, (2, 3, 0, 1)).reshape(_S, B, C)
    feat2 = featT.reshape(_S * B, C)
    x0 = inp[0]
    nslab = _S // _SCHUNK

    fsc = _sc_maxpool(feat2)

    out_tc, x2sc = pl.pallas_call(
        _fused,
        grid=(_NS,),
        in_specs=[
            pl.BlockSpec((_SCHUNK, B, _CTC), lambda i: (jnp.minimum(i, nslab - 1), 0, 0)),
            pl.BlockSpec(x0.shape, lambda i: (0, 0)),
            pl.BlockSpec(A.shape, lambda i: (0, 0)),
            pl.BlockSpec(Wl1.shape, lambda i: (0, 0)),
            pl.BlockSpec((1, H1), lambda i: (0, 0)),
            pl.BlockSpec(Wr1.shape, lambda i: (0, 0)),
            pl.BlockSpec((Wl2.shape[0], _WBLK), lambda i: (0, i)),
            pl.BlockSpec((1, _WBLK), lambda i: (0, i)),
            pl.BlockSpec((Wl2.shape[0], _WBLK), lambda i: (0, i)),
        ],
        out_specs=[
            pl.BlockSpec((B, N), lambda i: (0, 0)),
            pl.BlockSpec((N, _CSC), lambda i: (0, 0)),
        ],
        out_shape=[
            jax.ShapeDtypeStruct((B, N), jnp.float32),
            jax.ShapeDtypeStruct((N, _CSC), jnp.float32),
        ],
        scratch_shapes=[
            pltpu.VMEM((N, H1), jnp.float32),
            pltpu.VMEM((N, H1), jnp.float32),
            pltpu.VMEM((B, _CTC), jnp.float32),
            pltpu.VMEM((N, _C), jnp.float32),
        ],
        compiler_params=pltpu.CompilerParams(
            dimension_semantics=("arbitrary",),
        ),
    )(featT, x0, A, Wl1, bl1.reshape(1, -1), Wr1,
      Wl2, bl2.reshape(1, -1), Wr2)

    return pl.pallas_call(
        _combine,
        out_shape=jax.ShapeDtypeStruct((B, N), jnp.float32),
    )(out_tc, fsc, x2sc)

# --- scband reference (transcript-rebuilt; emitter-appended) ---
"""Pipeline reference for scband-sage-clf-30288109371889 (READ-ONLY COPY).

The authoritative reference and input builder live on the scoring server;
editing this copy changes nothing except your own understanding.
"""

import jax, jax.numpy as jnp
import numpy as np

NUM_CLASSES = 80
IN_CHANNEL = 300
H1 = 1024
H2 = 2048


def setup_inputs(seed: int = 0) -> dict:
    key = jax.random.key(seed)
    ks = jax.random.split(key, 8)
    B = 64
    feature = jax.random.normal(ks[0], (B, 2048, 14, 14), dtype=jnp.float32)
    inp = jax.random.normal(ks[1], (1, NUM_CLASSES, IN_CHANNEL), dtype=jnp.float32)
    # Learned adjacency parameter A. With A = I, gen_adj(A) = I exactly, so the
    # .long() threshold + nonzero yields self-loop edges (deterministic, nonempty).
    A = jnp.eye(NUM_CLASSES, dtype=jnp.float32)
    s1 = 1.0 / np.sqrt(IN_CHANNEL)
    Wl1 = jax.random.uniform(ks[2], (IN_CHANNEL, H1), minval=-s1, maxval=s1, dtype=jnp.float32)
    bl1 = jnp.zeros((H1,), dtype=jnp.float32)
    Wr1 = jax.random.uniform(ks[3], (IN_CHANNEL, H1), minval=-s1, maxval=s1, dtype=jnp.float32)
    s2 = 1.0 / np.sqrt(H1)
    Wl2 = jax.random.uniform(ks[4], (H1, H2), minval=-s2, maxval=s2, dtype=jnp.float32)
    bl2 = jnp.zeros((H2,), dtype=jnp.float32)
    Wr2 = jax.random.uniform(ks[5], (H1, H2), minval=-s2, maxval=s2, dtype=jnp.float32)
    return {"feature": feature, "inp": inp, "A": A,
            "Wl1": Wl1, "bl1": bl1, "Wr1": Wr1,
            "Wl2": Wl2, "bl2": bl2, "Wr2": Wr2}


def gen_adj(A):
    D = jnp.power(jnp.sum(A, axis=1), -0.5)
    D = jnp.diag(D)
    return jnp.matmul(jnp.matmul(A, D).T, D)


def sage_conv(x, mask, Wl, bl, Wr):
    # PyG SAGEConv: out = lin_l(mean_{j in N(i)} x_j) + lin_r(x_i)
    agg = jnp.matmul(mask.T, x)
    cnt = jnp.sum(mask, axis=0)
    agg = agg / jnp.maximum(cnt, 1.0)[:, None]
    return jnp.matmul(agg, Wl) + bl + jnp.matmul(x, Wr)


def reference(feature, inp, A, Wl1, bl1, Wr1, Wl2, bl2, Wr2):
    # self.features is the backbone; modeled as identity on precomputed feature maps.
    B = feature.shape[0]
    C = feature.shape[1]
    # nn.MaxPool2d(14, 14) on a 14x14 map == global max pool per channel
    feat = jnp.max(feature.reshape(B, C, -1), axis=-1)
    feat = feat.reshape(B, -1)
    x0 = inp[0]
    adj = gen_adj(A)
    adj_int = adj.astype(jnp.int32)
    mask = (adj_int != 0).astype(x0.dtype)
    x = sage_conv(x0, mask, Wl1, bl1, Wr1)
    x = jnp.where(x > 0, x, 0.2 * x)  # LeakyReLU(0.2)
    x = sage_conv(x, mask, Wl2, bl2, Wr2)
    x = x.T
    return jnp.matmul(feat, x)

if __name__ == "__main__":
    import jax
    _d = setup_inputs()
    print(jax.jit(kernel)(*tuple(_d.values())))

</pallas_src>

<mosaic_0001>
#map = affine_map<(d0, d1) -> (0, 0)>
#map1 = affine_map<(d0, d1) -> (0, 0, 0)>
module attributes {stable_mosaic.version = 14 : i64} {
  func.func @_sc_maxpool_body(%arg0: i32, %arg1: i32, %arg2: memref<12544x2048xf32, #tpu.memory_space<hbm>>, %arg3: memref<7x64x512xf32, #tpu.memory_space<hbm>>, %arg4: memref<448x128xf32, #tpu.memory_space<vmem>>, %arg5: memref<448x128xf32, #tpu.memory_space<vmem>>, %arg6: memref<64x128xf32, #tpu.memory_space<vmem>>, %arg7: memref<!tpu.dma_semaphore, #tpu.memory_space<semaphore_mem>>, %arg8: memref<!tpu.dma_semaphore, #tpu.memory_space<semaphore_mem>>) attributes {dimension_semantics = [#tpu.dimension_semantics<core_parallel>, #tpu.dimension_semantics<subcore_parallel>], iteration_bounds = array<i64: 2, 16>, scalar_prefetch = 0 : i64, scratch_operands = 5 : i64, tpu.core_type = #tpu.core_type<sc_vector_subcore>, window_params = [{transform_indices = #map}, {transform_indices = #map1}]} {
    %mul3A = arith.constant 2 : i32
    %mul3A_0 = arith.muli %arg1, %mul3A : i32
    %add3A = arith.addi %mul3A_0, %arg0 : i32
    %jit3A = arith.constant 4 : i32
    %div3A = arith.divsi %add3A, %jit3A : i32
    %sign3A = arith.constant 0 : i32
    %sign3A_1 = arith.cmpi sgt, %add3A, %sign3A : i32
    %sign3A_2 = arith.extui %sign3A_1 : i1 to i32
    %sign3A_3 = arith.constant 0 : i32
    %sign3A_4 = arith.cmpi slt, %add3A, %sign3A_3 : i32
    %sign3A_5 = arith.extui %sign3A_4 : i1 to i32
    %sign3A_6 = arith.subi %sign3A_2, %sign3A_5 : i32
    %sign3A_7 = arith.constant 0 : i32
    %sign3A_8 = arith.cmpi sgt, %jit3A, %sign3A_7 : i32
    %sign3A_9 = arith.extui %sign3A_8 : i1 to i32
    %sign3A_10 = arith.constant 0 : i32
    %sign3A_11 = arith.cmpi slt, %jit3A, %sign3A_10 : i32
    %sign3A_12 = arith.extui %sign3A_11 : i1 to i32
    %sign3A_13 = arith.subi %sign3A_9, %sign3A_12 : i32
    %ne3A = arith.cmpi ne, %sign3A_6, %sign3A_13 : i32
    %rem3A = arith.remsi %add3A, %jit3A : i32
    %ne3A_14 = arith.constant 0 : i32
    %ne3A_15 = arith.cmpi ne, %rem3A, %ne3A_14 : i32
    %and3A = arith.andi %ne3A, %ne3A_15 : i1
    %sub3A = arith.constant 1 : i32
    %sub3A_16 = arith.subi %div3A, %sub3A : i32
    %select_n3A = arith.select %and3A, %sub3A_16, %div3A : i32
    %rem3A_17 = arith.constant 4 : i32
    %rem3A_18 = arith.remsi %add3A, %rem3A_17 : i32
    %mul3A_19 = arith.constant 128 : i32
    %mul3A_20 = arith.muli %rem3A_18, %mul3A_19 : i32
    %add3A_21 = arith.constant 1536 : i32
    %add3A_22 = arith.addi %add3A_21, %mul3A_20 : i32
    %mul3A_23 = arith.constant 1792 : i32
    %mul3A_24 = arith.muli %select_n3A, %mul3A_23 : i32
    %lt3A = arith.constant 28 : i32
    %lt3A_25 = arith.cmpi slt, %add3A, %lt3A : i32
    %convert_element_type3A = arith.extui %lt3A_25 : i1 to i32
    %cond3A = arith.constant 0 : i32
    %cond3A_26 = arith.cmpi ne, %convert_element_type3A, %cond3A : i32
    scf.if %cond3A_26 {
      %add3A_27 = arith.constant 0 : i32
      %add3A_28 = arith.addi %mul3A_24, %add3A_27 : i32
      %dma_start3A = tpu.memref_slice %arg2[%add3A_28, %add3A_22] : memref<12544x2048xf32, #tpu.memory_space<hbm>> -> memref<448x128xf32, #tpu.memory_space<hbm>>
      %dma_start3A_29 = tpu.memref_slice %arg2[%add3A_28, %add3A_22] : memref<12544x2048xf32, #tpu.memory_space<hbm>> -> memref<448x128xf32, #tpu.memory_space<hbm>>
      tpu.enqueue_dma source(%dma_start3A_29 : memref<448x128xf32, #tpu.memory_space<hbm>>) target(%arg4 : memref<448x128xf32, #tpu.memory_space<vmem>>) target_semaphore(%arg7 : memref<!tpu.dma_semaphore, #tpu.memory_space<semaphore_mem>>)
      %add3A_30 = arith.constant 448 : i32
      %add3A_31 = arith.addi %mul3A_24, %add3A_30 : i32
      %dma_start3A_32 = tpu.memref_slice %arg2[%add3A_31, %add3A_22] : memref<12544x2048xf32, #tpu.memory_space<hbm>> -> memref<448x128xf32, #tpu.memory_space<hbm>>
      %dma_start3A_33 = tpu.memref_slice %arg2[%add3A_31, %add3A_22] : memref<12544x2048xf32, #tpu.memory_space<hbm>> -> memref<448x128xf32, #tpu.memory_space<hbm>>
      tpu.enqueue_dma source(%dma_start3A_33 : memref<448x128xf32, #tpu.memory_space<hbm>>) target(%arg5 : memref<448x128xf32, #tpu.memory_space<vmem>>) target_semaphore(%arg8 : memref<!tpu.dma_semaphore, #tpu.memory_space<semaphore_mem>>)
      %dma_wait3A = tpu.memref_slice %arg2[%add3A_28, %add3A_22] : memref<12544x2048xf32, #tpu.memory_space<hbm>> -> memref<448x128xf32, #tpu.memory_space<hbm>>
      %dma_wait3A_34 = tpu.memref_slice %arg2[%add3A_28, %add3A_22] : memref<12544x2048xf32, #tpu.memory_space<hbm>> -> memref<448x128xf32, #tpu.memory_space<hbm>>
      tpu.wait_dma2 semaphore(%arg7 : memref<!tpu.dma_semaphore, #tpu.memory_space<semaphore_mem>>) src(%dma_wait3A_34 : memref<448x128xf32, #tpu.memory_space<hbm>>) dst(%arg4 : memref<448x128xf32, #tpu.memory_space<vmem>>)
      %scan3A = arith.constant 0 : i32
      %scan3A_35 = arith.constant 0 : i32
      %scan3A_36 = arith.constant 64 : i32
      %scan3A_37 = arith.addi %scan3A_35, %scan3A_36 : i32
      %scan3A_38 = arith.constant 1 : i32
      %scan3A_39 = scf.for %scan3A_78 = %scan3A_35 to %scan3A_37 step %scan3A_38 iter_args(%scan3A_79 = %scan3A) -> (i32)  : i32 {
        %get3A = arith.index_cast %scan3A_78 : i32 to index
        %get3A_80 = arith.constant 0 : index
        %get3A_81 = tpu.vector_load %arg4[%get3A, %get3A_80] {strides = array<i32>} : memref<448x128xf32, #tpu.memory_space<vmem>>, vector<1x16xf32>,
        %get3A_82 = vector.shape_cast %get3A_81 : vector<1x16xf32> to vector<16xf32>
        %add3A_83 = arith.constant 64 : i32
        %add3A_84 = arith.addi %add3A_83, %scan3A_78 : i32
        %get3A_85 = arith.index_cast %add3A_84 : i32 to index
        %get3A_86 = arith.constant 0 : index
        %get3A_87 = tpu.vector_load %arg4[%get3A_85, %get3A_86] {strides = array<i32>} : memref<448x128xf32, #tpu.memory_space<vmem>>, vector<1x16xf32>,
        %get3A_88 = vector.shape_cast %get3A_87 : vector<1x16xf32> to vector<16xf32>
        %max3A = arith.maximumf %get3A_82, %get3A_88 : vector<16xf32>
        %add3A_89 = arith.constant 128 : i32
        %add3A_90 = arith.addi %add3A_89, %scan3A_78 : i32
        %get3A_91 = arith.index_cast %add3A_90 : i32 to index
        %get3A_92 = arith.constant 0 : index
        %get3A_93 = tpu.vector_load %arg4[%get3A_91, %get3A_92] {strides = array<i32>} : memref<448x128xf32, #tpu.memory_space<vmem>>, vector<1x16xf32>,
        %get3A_94 = vector.shape_cast %get3A_93 : vector<1x16xf32> to vector<16xf32>
        %max3A_95 = arith.maximumf %max3A, %get3A_94 : vector<16xf32>
        %add3A_96 = arith.constant 192 : i32
        %add3A_97 = arith.addi %add3A_96, %scan3A_78 : i32
        %get3A_98 = arith.index_cast %add3A_97 : i32 to index
        %get3A_99 = arith.constant 0 : index
        %get3A_100 = tpu.vector_load %arg4[%get3A_98, %get3A_99] {strides = array<i32>} : memref<448x128xf32, #tpu.memory_space<vmem>>, vector<1x16xf32>,
        %get3A_101 = vector.shape_cast %get3A_100 : vector<1x16xf32> to vector<16xf32>
        %max3A_102 = arith.maximumf %max3A_95, %get3A_101 : vector<16xf32>
        %add3A_103 = arith.constant 256 : i32
        %add3A_104 = arith.addi %add3A_103, %scan3A_78 : i32
        %get3A_105 = arith.index_cast %add3A_104 : i32 to index
        %get3A_106 = arith.constant 0 : index
        %get3A_107 = tpu.vector_load %arg4[%get3A_105, %get3A_106] {strides = array<i32>} : memref<448x128xf32, #tpu.memory_space<vmem>>, vector<1x16xf32>,
        %get3A_108 = vector.shape_cast %get3A_107 : vector<1x16xf32> to vector<16xf32>
        %max3A_109 = arith.maximumf %max3A_102, %get3A_108 : vector<16xf32>
        %add3A_110 = arith.constant 320 : i32
        %add3A_111 = arith.addi %add3A_110, %scan3A_78 : i32
        %get3A_112 = arith.index_cast %add3A_111 : i32 to index
        %get3A_113 = arith.constant 0 : index
        %get3A_114 = tpu.vector_load %arg4[%get3A_112, %get3A_113] {strides = array<i32>} : memref<448x128xf32, #tpu.memory_space<vmem>>, vector<1x16xf32>,
        %get3A_115 = vector.shape_cast %get3A_114 : vector<1x16xf32> to vector<16xf32>
        %max3A_116 = arith.maximumf %max3A_109, %get3A_115 : vector<16xf32>
        %add3A_117 = arith.constant 384 : i32
        %add3A_118 = arith.addi %add3A_117, %scan3A_78 : i32
        %get3A_119 = arith.index_cast %add3A_118 : i32 to index
        %get3A_120 = arith.constant 0 : index
        %get3A_121 = tpu.vector_load %arg4[%get3A_119, %get3A_120] {strides = array<i32>} : memref<448x128xf32, #tpu.memory_space<vmem>>, vector<1x16xf32>,
        %get3A_122 = vector.shape_cast %get3A_121 : vector<1x16xf32> to vector<16xf32>
        %max3A_123 = arith.maximumf %max3A_116, %get3A_122 : vector<16xf32>
        %swap3A = arith.index_cast %scan3A_78 : i32 to index
        %swap3A_124 = arith.constant 0 : index
        %swap3A_125 = tpu.vector_load %arg6[%swap3A, %swap3A_124] {strides = array<i32>} : memref<64x128xf32, #tpu.memory_space<vmem>>, vector<1x16xf32>,
        %swap3A_126 = vector.shape_cast %swap3A_125 : vector<1x16xf32> to vector<16xf32>
        %swap3A_127 = vector.shape_cast %max3A_123 : vector<16xf32> to vector<1x16xf32>
        tpu.vector_store %arg6[%swap3A, %swap3A_124], %swap3A_127 {strides = array<i32>} : memref<64x128xf32, #tpu.memory_space<vmem>>, vector<1x16xf32>,
        %get3A_128 = arith.index_cast %scan3A_78 : i32 to index
        %get3A_129 = arith.constant 16 : index
        %get3A_130 = tpu.vector_load %arg4[%get3A_128, %get3A_129] {strides = array<i32>} : memref<448x128xf32, #tpu.memory_space<vmem>>, vector<1x16xf32>,
        %get3A_131 = vector.shape_cast %get3A_130 : vector<1x16xf32> to vector<16xf32>
        %add3A_132 = arith.constant 64 : i32
        %add3A_133 = arith.addi %add3A_132, %scan3A_78 : i32
        %get3A_134 = arith.index_cast %add3A_133 : i32 to index
        %get3A_135 = arith.constant 16 : index
        %get3A_136 = tpu.vector_load %arg4[%get3A_134, %get3A_135] {strides = array<i32>} : memref<448x128xf32, #tpu.memory_space<vmem>>, vector<1x16xf32>,
        %get3A_137 = vector.shape_cast %get3A_136 : vector<1x16xf32> to vector<16xf32>
        %max3A_138 = arith.maximumf %get3A_131, %get3A_137 : vector<16xf32>
        %add3A_139 = arith.constant 128 : i32
        %add3A_140 = arith.addi %add3A_139, %scan3A_78 : i32
        %get3A_141 = arith.index_cast %add3A_140 : i32 to index
        %get3A_142 = arith.constant 16 : index
        %get3A_143 = tpu.vector_load %arg4[%get3A_141, %get3A_142] {strides = array<i32>} : memref<448x128xf32, #tpu.memory_space<vmem>>, vector<1x16xf32>,
        %get3A_144 = vector.shape_cast %get3A_143 : vector<1x16xf32> to vector<16xf32>
        %max3A_145 = arith.maximumf %max3A_138, %get3A_144 : vector<16xf32>
        %add3A_146 = arith.constant 192 : i32
        %add3A_147 = arith.addi %add3A_146, %scan3A_78 : i32
        %get3A_148 = arith.index_cast %add3A_147 : i32 to index
        %get3A_149 = arith.constant 16 : index
        %get3A_150 = tpu.vector_load %arg4[%get3A_148, %get3A_149] {strides = array<i32>} : memref<448x128xf32, #tpu.memory_space<vmem>>, vector<1x16xf32>,
        %get3A_151 = vector.shape_cast %get3A_150 : vector<1x16xf32> to vector<16xf32>
        %max3A_152 = arith.maximumf %max3A_145, %get3A_151 : vector<16xf32>
        %add3A_153 = arith.constant 256 : i32
        %add3A_154 = arith.addi %add3A_153, %scan3A_78 : i32
        %get3A_155 = arith.index_cast %add3A_154 : i32 to index
        %get3A_156 = arith.constant 16 : index
        %get3A_157 = tpu.vector_load %arg4[%get3A_155, %get3A_156] {strides = array<i32>} : memref<448x128xf32, #tpu.memory_space<vmem>>, vector<1x16xf32>,
        %get3A_158 = vector.shape_cast %get3A_157 : vector<1x16xf32> to vector<16xf32>
        %max3A_159 = arith.maximumf %max3A_152, %get3A_158 : vector<16xf32>
        %add3A_160 = arith.constant 320 : i32
        %add3A_161 = arith.addi %add3A_160, %scan3A_78 : i32
        %get3A_162 = arith.index_cast %add3A_161 : i32 to index
        %get3A_163 = arith.constant 16 : index
        %get3A_164 = tpu.vector_load %arg4[%get3A_162, %get3A_163] {strides = array<i32>} : memref<448x128xf32, #tpu.memory_space<vmem>>, vector<1x16xf32>,
        %get3A_165 = vector.shape_cast %get3A_164 : vector<1x16xf32> to vector<16xf32>
        %max3A_166 = arith.maximumf %max3A_159, %get3A_165 : vector<16xf32>
        %add3A_167 = arith.constant 384 : i32
        %add3A_168 = arith.addi %add3A_167, %scan3A_78 : i32
        %get3A_169 = arith.index_cast %add3A_168 : i32 to index
        %get3A_170 = arith.constant 16 : index
        %get3A_171 = tpu.vector_load %arg4[%get3A_169, %get3A_170] {strides = array<i32>} : memref<448x128xf32, #tpu.memory_space<vmem>>, vector<1x16xf32>,
        %get3A_172 = vector.shape_cast %get3A_171 : vector<1x16xf32> to vector<16xf32>
        %max3A_173 = arith.maximumf %max3A_166, %get3A_172 : vector<16xf32>
        %swap3A_174 = arith.index_cast %scan3A_78 : i32 to index
        %swap3A_175 = arith.constant 16 : index
        %swap3A_176 = tpu.vector_load %arg6[%swap3A_174, %swap3A_175] {strides = array<i32>} : memref<64x128xf32, #tpu.memory_space<vmem>>, vector<1x16xf32>,
        %swap3A_177 = vector.shape_cast %swap3A_176 : vector<1x16xf32> to vector<16xf32>
        %swap3A_178 = vector.shape_cast %max3A_173 : vector<16xf32> to vector<1x16xf32>
        tpu.vector_store %arg6[%swap3A_174, %swap3A_175], %swap3A_178 {strides = array<i32>} : memref<64x128xf32, #tpu.memory_space<vmem>>, vector<1x16xf32>,
        %get3A_179 = arith.index_cast %scan3A_78 : i32 to index
        %get3A_180 = arith.constant 32 : index
        %get3A_181 = tpu.vector_load %arg4[%get3A_179, %get3A_180] {strides = array<i32>} : memref<448x128xf32, #tpu.memory_space<vmem>>, vector<1x16xf32>,
        %get3A_182 = vector.shape_cast %get3A_181 : vector<1x16xf32> to vector<16xf32>
        %add3A_183 = arith.constant 64 : i32
        %add3A_184 = arith.addi %add3A_183, %scan3A_78 : i32
        %get3A_185 = arith.index_cast %add3A_184 : i32 to index
        %get3A_186 = arith.constant 32 : index
        %get3A_187 = tpu.vector_load %arg4[%get3A_185, %get3A_186] {strides = array<i32>} : memref<448x128xf32, #tpu.memory_space<vmem>>, vector<1x16xf32>,
        %get3A_188 = vector.shape_cast %get3A_187 : vector<1x16xf32> to vector<16xf32>
        %max3A_189 = arith.maximumf %get3A_182, %get3A_188 : vector<16xf32>
        %add3A_190 = arith.constant 128 : i32
        %add3A_191 = arith.addi %add3A_190, %scan3A_78 : i32
        %get3A_192 = arith.index_cast %add3A_191 : i32 to index
        %get3A_193 = arith.constant 32 : index
        %get3A_194 = tpu.vector_load %arg4[%get3A_192, %get3A_193] {strides = array<i32>} : memref<448x128xf32, #tpu.memory_space<vmem>>, vector<1x16xf32>,
        %get3A_195 = vector.shape_cast %get3A_194 : vector<1x16xf32> to vector<16xf32>
        %max3A_196 = arith.maximumf %max3A_189, %get3A_195 : vector<16xf32>
        %add3A_197 = arith.constant 192 : i32
        %add3A_198 = arith.addi %add3A_197, %scan3A_78 : i32
        %get3A_199 = arith.index_cast %add3A_198 : i32 to index
        %get3A_200 = arith.constant 32 : index
        %get3A_201 = tpu.vector_load %arg4[%get3A_199, %get3A_200] {strides = array<i32>} : memref<448x128xf32, #tpu.memory_space<vmem>>, vector<1x16xf32>,
        %get3A_202 = vector.shape_cast %get3A_201 : vector<1x16xf32> to vector<16xf32>
        %max3A_203 = arith.maximumf %max3A_196, %get3A_202 : vector<16xf32>
        %add3A_204 = arith.constant 256 : i32
        %add3A_205 = arith.addi %add3A_204, %scan3A_78 : i32
        %get3A_206 = arith.index_cast %add3A_205 : i32 to index
        %get3A_207 = arith.constant 32 : index
        %get3A_208 = tpu.vector_load %arg4[%get3A_206, %get3A_207] {strides = array<i32>} : memref<448x128xf32, #tpu.memory_space<vmem>>, vector<1x16xf32>,
        %get3A_209 = vector.shape_cast %get3A_208 : vector<1x16xf32> to vector<16xf32>
        %max3A_210 = arith.maximumf %max3A_203, %get3A_209 : vector<16xf32>
        %add3A_211 = arith.constant 320 : i32
        %add3A_212 = arith.addi %add3A_211, %scan3A_78 : i32
        %get3A_213 = arith.index_cast %add3A_212 : i32 to index
        %get3A_214 = arith.constant 32 : index
        %get3A_215 = tpu.vector_load %arg4[%get3A_213, %get3A_214] {strides = array<i32>} : memref<448x128xf32, #tpu.memory_space<vmem>>, vector<1x16xf32>,
        %get3A_216 = vector.shape_cast %get3A_215 : vector<1x16xf32> to vector<16xf32>
        %max3A_217 = arith.maximumf %max3A_210, %get3A_216 : vector<16xf32>
        %add3A_218 = arith.constant 384 : i32
        %add3A_219 = arith.addi %add3A_218, %scan3A_78 : i32
        %get3A_220 = arith.index_cast %add3A_219 : i32 to index
        %get3A_221 = arith.constant 32 : index
        %get3A_222 = tpu.vector_load %arg4[%get3A_220, %get3A_221] {strides = array<i32>} : memref<448x128xf32, #tpu.memory_space<vmem>>, vector<1x16xf32>,
        %get3A_223 = vector.shape_cast %get3A_222 : vector<1x16xf32> to vector<16xf32>
        %max3A_224 = arith.maximumf %max3A_217, %get3A_223 : vector<16xf32>
        %swap3A_225 = arith.index_cast %scan3A_78 : i32 to index
        %swap3A_226 = arith.constant 32 : index
        %swap3A_227 = tpu.vector_load %arg6[%swap3A_225, %swap3A_226] {strides = array<i32>} : memref<64x128xf32, #tpu.memory_space<vmem>>, vector<1x16xf32>,
        %swap3A_228 = vector.shape_cast %swap3A_227 : vector<1x16xf32> to vector<16xf32>
        %swap3A_229 = vector.shape_cast %max3A_224 : vector<16xf32> to vector<1x16xf32>
        tpu.vector_store %arg6[%swap3A_225, %swap3A_226], %swap3A_229 {strides = array<i32>} : memref<64x128xf32, #tpu.memory_space<vmem>>, vector<1x16xf32>,
        %get3A_230 = arith.index_cast %scan3A_78 : i32 to index
        %get3A_231 = arith.constant 48 : index
        %get3A_232 = tpu.vector_load %arg4[%get3A_230, %get3A_231] {strides = array<i32>} : memref<448x128xf32, #tpu.memory_space<vmem>>, vector<1x16xf32>,
        %get3A_233 = vector.shape_cast %get3A_232 : vector<1x16xf32> to vector<16xf32>
        %add3A_234 = arith.constant 64 : i32
        %add3A_235 = arith.addi %add3A_234, %scan3A_78 : i32
        %get3A_236 = arith.index_cast %add3A_235 : i32 to index
        %get3A_237 = arith.constant 48 : index
        %get3A_238 = tpu.vector_load %arg4[%get3A_236, %get3A_237] {strides = array<i32>} : memref<448x128xf32, #tpu.memory_space<vmem>>, vector<1x16xf32>,
        %get3A_239 = vector.shape_cast %get3A_238 : vector<1x16xf32> to vector<16xf32>
        %max3A_240 = arith.maximumf %get3A_233, %get3A_239 : vector<16xf32>
        %add3A_241 = arith.constant 128 : i32
        %add3A_242 = arith.addi %add3A_241, %scan3A_78 : i32
        %get3A_243 = arith.index_cast %add3A_242 : i32 to index
        %get3A_244 = arith.constant 48 : index
        %get3A_245 = tpu.vector_load %arg4[%get3A_243, %get3A_244] {strides = array<i32>} : memref<448x128xf32, #tpu.memory_space<vmem>>, vector<1x16xf32>,
        %get3A_246 = vector.shape_cast %get3A_245 : vector<1x16xf32> to vector<16xf32>
        %max3A_247 = arith.maximumf %max3A_240, %get3A_246 : vector<16xf32>
        %add3A_248 = arith.constant 192 : i32
        %add3A_249 = arith.addi %add3A_248, %scan3A_78 : i32
        %get3A_250 = arith.index_cast %add3A_249 : i32 to index
        %get3A_251 = arith.constant 48 : index
        %get3A_252 = tpu.vector_load %arg4[%get3A_250, %get3A_251] {strides = array<i32>} : memref<448x128xf32, #tpu.memory_space<vmem>>, vector<1x16xf32>,
        %get3A_253 = vector.shape_cast %get3A_252 : vector<1x16xf32> to vector<16xf32>
        %max3A_254 = arith.maximumf %max3A_247, %get3A_253 : vector<16xf32>
        %add3A_255 = arith.constant 256 : i32
        %add3A_256 = arith.addi %add3A_255, %scan3A_78 : i32
        %get3A_257 = arith.index_cast %add3A_256 : i32 to index
        %get3A_258 = arith.constant 48 : index
        %get3A_259 = tpu.vector_load %arg4[%get3A_257, %get3A_258] {strides = array<i32>} : memref<448x128xf32, #tpu.memory_space<vmem>>, vector<1x16xf32>,
        %get3A_260 = vector.shape_cast %get3A_259 : vector<1x16xf32> to vector<16xf32>
        %max3A_261 = arith.maximumf %max3A_254, %get3A_260 : vector<16xf32>
        %add3A_262 = arith.constant 320 : i32
        %add3A_263 = arith.addi %add3A_262, %scan3A_78 : i32
        %get3A_264 = arith.index_cast %add3A_263 : i32 to index
        %get3A_265 = arith.constant 48 : index
        %get3A_266 = tpu.vector_load %arg4[%get3A_264, %get3A_265] {strides = array<i32>} : memref<448x128xf32, #tpu.memory_space<vmem>>, vector<1x16xf32>,
        %get3A_267 = vector.shape_cast %get3A_266 : vector<1x16xf32> to vector<16xf32>
        %max3A_268 = arith.maximumf %max3A_261, %get3A_267 : vector<16xf32>
        %add3A_269 = arith.constant 384 : i32
        %add3A_270 = arith.addi %add3A_269, %scan3A_78 : i32
        %get3A_271 = arith.index_cast %add3A_270 : i32 to index
        %get3A_272 = arith.constant 48 : index
        %get3A_273 = tpu.vector_load %arg4[%get3A_271, %get3A_272] {strides = array<i32>} : memref<448x128xf32, #tpu.memory_space<vmem>>, vector<1x16xf32>,
        %get3A_274 = vector.shape_cast %get3A_273 : vector<1x16xf32> to vector<16xf32>
        %max3A_275 = arith.maximumf %max3A_268, %get3A_274 : vector<16xf32>
        %swap3A_276 = arith.index_cast %scan3A_78 : i32 to index
        %swap3A_277 = arith.constant 48 : index
        %swap3A_278 = tpu.vector_load %arg6[%swap3A_276, %swap3A_277] {strides = array<i32>} : memref<64x128xf32, #tpu.memory_space<vmem>>, vector<1x16xf32>,
        %swap3A_279 = vector.shape_cast %swap3A_278 : vector<1x16xf32> to vector<16xf32>
        %swap3A_280 = vector.shape_cast %max3A_275 : vector<16xf32> to vector<1x16xf32>
        tpu.vector_store %arg6[%swap3A_276, %swap3A_277], %swap3A_280 {strides = array<i32>} : memref<64x128xf32, #tpu.memory_space<vmem>>, vector<1x16xf32>,
        %get3A_281 = arith.index_cast %scan3A_78 : i32 to index
        %get3A_282 = arith.constant 64 : index
        %get3A_283 = tpu.vector_load %arg4[%get3A_281, %get3A_282] {strides = array<i32>} : memref<448x128xf32, #tpu.memory_space<vmem>>, vector<1x16xf32>,
        %get3A_284 = vector.shape_cast %get3A_283 : vector<1x16xf32> to vector<16xf32>
        %add3A_285 = arith.constant 64 : i32
        %add3A_286 = arith.addi %add3A_285, %scan3A_78 : i32
        %get3A_287 = arith.index_cast %add3A_286 : i32 to index
        %get3A_288 = arith.constant 64 : index
        %get3A_289 = tpu.vector_load %arg4[%get3A_287, %get3A_288] {strides = array<i32>} : memref<448x128xf32, #tpu.memory_space<vmem>>, vector<1x16xf32>,
        %get3A_290 = vector.shape_cast %get3A_289 : vector<1x16xf32> to vector<16xf32>
        %max3A_291 = arith.maximumf %get3A_284, %get3A_290 : vector<16xf32>
        %add3A_292 = arith.constant 128 : i32
        %add3A_293 = arith.addi %add3A_292, %scan3A_78 : i32
        %get3A_294 = arith.index_cast %add3A_293 : i32 to index
        %get3A_295 = arith.constant 64 : index
        %get3A_296 = tpu.vector_load %arg4[%get3A_294, %get3A_295] {strides = array<i32>} : memref<448x128xf32, #tpu.memory_space<vmem>>, vector<1x16xf32>,
        %get3A_297 = vector.shape_cast %get3A_296 : vector<1x16xf32> to vector<16xf32>
        %max3A_298 = arith.maximumf %max3A_291, %get3A_297 : vector<16xf32>
        %add3A_299 = arith.constant 192 : i32
        %add3A_300 = arith.addi %add3A_299, %scan3A_78 : i32
        %get3A_301 = arith.index_cast %add3A_300 : i32 to index
        %get3A_302 = arith.constant 64 : index
        %get3A_303 = tpu.vector_load %arg4[%get3A_301, %get3A_302] {strides = array<i32>} : memref<448x128xf32, #tpu.memory_space<vmem>>, vector<1x16xf32>,
        %get3A_304 = vector.shape_cast %get3A_303 : vector<1x16xf32> to vector<16xf32>
        %max3A_305 = arith.maximumf %max3A_298, %get3A_304 : vector<16xf32>
        %add3A_306 = arith.constant 256 : i32
        %add3A_307 = arith.addi %add3A_306, %scan3A_78 : i32
        %get3A_308 = arith.index_cast %add3A_307 : i32 to index
        %get3A_309 = arith.constant 64 : index
        %get3A_310 = tpu.vector_load %arg4[%get3A_308, %get3A_309] {strides = array<i32>} : memref<448x128xf32, #tpu.memory_space<vmem>>, vector<1x16xf32>,
        %get3A_311 = vector.shape_cast %get3A_310 : vector<1x16xf32> to vector<16xf32>
        %max3A_312 = arith.maximumf %max3A_305, %get3A_311 : vector<16xf32>
        %add3A_313 = arith.constant 320 : i32
        %add3A_314 = arith.addi %add3A_313, %scan3A_78 : i32
        %get3A_315 = arith.index_cast %add3A_314 : i32 to index
        %get3A_316 = arith.constant 64 : index
        %get3A_317 = tpu.vector_load %arg4[%get3A_315, %get3A_316] {strides = array<i32>} : memref<448x128xf32, #tpu.memory_space<vmem>>, vector<1x16xf32>,
        %get3A_318 = vector.shape_cast %get3A_317 : vector<1x16xf32> to vector<16xf32>
        %max3A_319 = arith.maximumf %max3A_312, %get3A_318 : vector<16xf32>
        %add3A_320 = arith.constant 384 : i32
        %add3A_321 = arith.addi %add3A_320, %scan3A_78 : i32
        %get3A_322 = arith.index_cast %add3A_321 : i32 to index
        %get3A_323 = arith.constant 64 : index
        %get3A_324 = tpu.vector_load %arg4[%get3A_322, %get3A_323] {strides = array<i32>} : memref<448x128xf32, #tpu.memory_space<vmem>>, vector<1x16xf32>,
        %get3A_325 = vector.shape_cast %get3A_324 : vector<1x16xf32> to vector<16xf32>
        %max3A_326 = arith.maximumf %max3A_319, %get3A_325 : vector<16xf32>
        %swap3A_327 = arith.index_cast %scan3A_78 : i32 to index
        %swap3A_328 = arith.constant 64 : index
        %swap3A_329 = tpu.vector_load %arg6[%swap3A_327, %swap3A_328] {strides = array<i32>} : memref<64x128xf32, #tpu.memory_space<vmem>>, vector<1x16xf32>,
        %swap3A_330 = vector.shape_cast %swap3A_329 : vector<1x16xf32> to vector<16xf32>
        %swap3A_331 = vector.shape_cast %max3A_326 : vector<16xf32> to vector<1x16xf32>
        tpu.vector_store %arg6[%swap3A_327, %swap3A_328], %swap3A_331 {strides = array<i32>} : memref<64x128xf32, #tpu.memory_space<vmem>>, vector<1x16xf32>,
        %get3A_332 = arith.index_cast %scan3A_78 : i32 to index
        %get3A_333 = arith.constant 80 : index
        %get3A_334 = tpu.vector_load %arg4[%get3A_332, %get3A_333] {strides = array<i32>} : memref<448x128xf32, #tpu.memory_space<vmem>>, vector<1x16xf32>,
        %get3A_335 = vector.shape_cast %get3A_334 : vector<1x16xf32> to vector<16xf32>
        %add3A_336 = arith.constant 64 : i32
        %add3A_337 = arith.addi %add3A_336, %scan3A_78 : i32
        %get3A_338 = arith.index_cast %add3A_337 : i32 to index
        %get3A_339 = arith.constant 80 : index
        %get3A_340 = tpu.vector_load %arg4[%get3A_338, %get3A_339] {strides = array<i32>} : memref<448x128xf32, #tpu.memory_space<vmem>>, vector<1x16xf32>,
        %get3A_341 = vector.shape_cast %get3A_340 : vector<1x16xf32> to vector<16xf32>
        %max3A_342 = arith.maximumf %get3A_335, %get3A_341 : vector<16xf32>
        %add3A_343 = arith.constant 128 : i32
        %add3A_344 = arith.addi %add3A_343, %scan3A_78 : i32
        %get3A_345 = arith.index_cast %add3A_344 : i32 to index
        %get3A_346 = arith.constant 80 : index
        %get3A_347 = tpu.vector_load %arg4[%get3A_345, %get3A_346] {strides = array<i32>} : memref<448x128xf32, #tpu.memory_space<vmem>>, vector<1x16xf32>,
        %get3A_348 = vector.shape_cast %get3A_347 : vector<1x16xf32> to vector<16xf32>
        %max3A_349 = arith.maximumf %max3A_342, %get3A_348 : vector<16xf32>
        %add3A_350 = arith.constant 192 : i32
        %add3A_351 = arith.addi %add3A_350, %scan3A_78 : i32
        %get3A_352 = arith.index_cast %add3A_351 : i32 to index
        %get3A_353 = arith.constant 80 : index
        %get3A_354 = tpu.vector_load %arg4[%get3A_352, %get3A_353] {strides = array<i32>} : memref<448x128xf32, #tpu.memory_space<vmem>>, vector<1x16xf32>,
        %get3A_355 = vector.shape_cast %get3A_354 : vector<1x16xf32> to vector<16xf32>
        %max3A_356 = arith.maximumf %max3A_349, %get3A_355 : vector<16xf32>
        %add3A_357 = arith.constant 256 : i32
        %add3A_358 = arith.addi %add3A_357, %scan3A_78 : i32
        %get3A_359 = arith.index_cast %add3A_358 : i32 to index
        %get3A_360 = arith.constant 80 : index
        %get3A_361 = tpu.vector_load %arg4[%get3A_359, %get3A_360] {strides = array<i32>} : memref<448x128xf32, #tpu.memory_space<vmem>>, vector<1x16xf32>,
        %get3A_362 = vector.shape_cast %get3A_361 : vector<1x16xf32> to vector<16xf32>
        %max3A_363 = arith.maximumf %max3A_356, %get3A_362 : vector<16xf32>
        %add3A_364 = arith.constant 320 : i32
        %add3A_365 = arith.addi %add3A_364, %scan3A_78 : i32
        %get3A_366 = arith.index_cast %add3A_365 : i32 to index
        %get3A_367 = arith.constant 80 : index
        %get3A_368 = tpu.vector_load %arg4[%get3A_366, %get3A_367] {strides = array<i32>} : memref<448x128xf32, #tpu.memory_space<vmem>>, vector<1x16xf32>,
        %get3A_369 = vector.shape_cast %get3A_368 : vector<1x16xf32> to vector<16xf32>
        %max3A_370 = arith.maximumf %max3A_363, %get3A_369 : vector<16xf32>
        %add3A_371 = arith.constant 384 : i32
        %add3A_372 = arith.addi %add3A_371, %scan3A_78 : i32
        %get3A_373 = arith.index_cast %add3A_372 : i32 to index
        %get3A_374 = arith.constant 80 : index
        %get3A_375 = tpu.vector_load %arg4[%get3A_373, %get3A_374] {strides = array<i32>} : memref<448x128xf32, #tpu.memory_space<vmem>>, vector<1x16xf32>,
        %get3A_376 = vector.shape_cast %get3A_375 : vector<1x16xf32> to vector<16xf32>
        %max3A_377 = arith.maximumf %max3A_370, %get3A_376 : vector<16xf32>
        %swap3A_378 = arith.index_cast %scan3A_78 : i32 to index
        %swap3A_379 = arith.constant 80 : index
        %swap3A_380 = tpu.vector_load %arg6[%swap3A_378, %swap3A_379] {strides = array<i32>} : memref<64x128xf32, #tpu.memory_space<vmem>>, vector<1x16xf32>,
        %swap3A_381 = vector.shape_cast %swap3A_380 : vector<1x16xf32> to vector<16xf32>
        %swap3A_382 = vector.shape_cast %max3A_377 : vector<16xf32> to vector<1x16xf32>
        tpu.vector_store %arg6[%swap3A_378, %swap3A_379], %swap3A_382 {strides = array<i32>} : memref<64x128xf32, #tpu.memory_space<vmem>>, vector<1x16xf32>,
        %get3A_383 = arith.index_cast %scan3A_78 : i32 to index
        %get3A_384 = arith.constant 96 : index
        %get3A_385 = tpu.vector_load %arg4[%get3A_383, %get3A_384] {strides = array<i32>} : memref<448x128xf32, #tpu.memory_space<vmem>>, vector<1x16xf32>,
        %get3A_386 = vector.shape_cast %get3A_385 : vector<1x16xf32> to vector<16xf32>
        %add3A_387 = arith.constant 64 : i32
        %add3A_388 = arith.addi %add3A_387, %scan3A_78 : i32
        %get3A_389 = arith.index_cast %add3A_388 : i32 to index
        %get3A_390 = arith.constant 96 : index
        %get3A_391 = tpu.vector_load %arg4[%get3A_389, %get3A_390] {strides = array<i32>} : memref<448x128xf32, #tpu.memory_space<vmem>>, vector<1x16xf32>,
        %get3A_392 = vector.shape_cast %get3A_391 : vector<1x16xf32> to vector<16xf32>
        %max3A_393 = arith.maximumf %get3A_386, %get3A_392 : vector<16xf32>
        %add3A_394 = arith.constant 128 : i32
        %add3A_395 = arith.addi %add3A_394, %scan3A_78 : i32
        %get3A_396 = arith.index_cast %add3A_395 : i32 to index
        %get3A_397 = arith.constant 96 : index
        %get3A_398 = tpu.vector_load %arg4[%get3A_396, %get3A_397] {strides = array<i32>} : memref<448x128xf32, #tpu.memory_space<vmem>>, vector<1x16xf32>,
        %get3A_399 = vector.shape_cast %get3A_398 : vector<1x16xf32> to vector<16xf32>
        %max3A_400 = arith.maximumf %max3A_393, %get3A_399 : vector<16xf32>
        %add3A_401 = arith.constant 192 : i32
        %add3A_402 = arith.addi %add3A_401, %scan3A_78 : i32
        %get3A_403 = arith.index_cast %add3A_402 : i32 to index
        %get3A_404 = arith.constant 96 : index
        %get3A_405 = tpu.vector_load %arg4[%get3A_403, %get3A_404] {strides = array<i32>} : memref<448x128xf32, #tpu.memory_space<vmem>>, vector<1x16xf32>,
        %get3A_406 = vector.shape_cast %get3A_405 : vector<1x16xf32> to vector<16xf32>
        %max3A_407 = arith.maximumf %max3A_400, %get3A_406 : vector<16xf32>
        %add3A_408 = arith.constant 256 : i32
        %add3A_409 = arith.addi %add3A_408, %scan3A_78 : i32
        %get3A_410 = arith.index_cast %add3A_409 : i32 to index
        %get3A_411 = arith.constant 96 : index
        %get3A_412 = tpu.vector_load %arg4[%get3A_410, %get3A_411] {strides = array<i32>} : memref<448x128xf32, #tpu.memory_space<vmem>>, vector<1x16xf32>,
        %get3A_413 = vector.shape_cast %get3A_412 : vector<1x16xf32> to vector<16xf32>
        %max3A_414 = arith.maximumf %max3A_407, %get3A_413 : vector<16xf32>
        %add3A_415 = arith.constant 320 : i32
        %add3A_416 = arith.addi %add3A_415, %scan3A_78 : i32
        %get3A_417 = arith.index_cast %add3A_416 : i32 to index
        %get3A_418 = arith.constant 96 : index
        %get3A_419 = tpu.vector_load %arg4[%get3A_417, %get3A_418] {strides = array<i32>} : memref<448x128xf32, #tpu.memory_space<vmem>>, vector<1x16xf32>,
        %get3A_420 = vector.shape_cast %get3A_419 : vector<1x16xf32> to vector<16xf32>
        %max3A_421 = arith.maximumf %max3A_414, %get3A_420 : vector<16xf32>
        %add3A_422 = arith.constant 384 : i32
        %add3A_423 = arith.addi %add3A_422, %scan3A_78 : i32
        %get3A_424 = arith.index_cast %add3A_423 : i32 to index
        %get3A_425 = arith.constant 96 : index
        %get3A_426 = tpu.vector_load %arg4[%get3A_424, %get3A_425] {strides = array<i32>} : memref<448x128xf32, #tpu.memory_space<vmem>>, vector<1x16xf32>,
        %get3A_427 = vector.shape_cast %get3A_426 : vector<1x16xf32> to vector<16xf32>
        %max3A_428 = arith.maximumf %max3A_421, %get3A_427 : vector<16xf32>
        %swap3A_429 = arith.index_cast %scan3A_78 : i32 to index
        %swap3A_430 = arith.constant 96 : index
        %swap3A_431 = tpu.vector_load %arg6[%swap3A_429, %swap3A_430] {strides = array<i32>} : memref<64x128xf32, #tpu.memory_space<vmem>>, vector<1x16xf32>,
        %swap3A_432 = vector.shape_cast %swap3A_431 : vector<1x16xf32> to vector<16xf32>
        %swap3A_433 = vector.shape_cast %max3A_428 : vector<16xf32> to vector<1x16xf32>
        tpu.vector_store %arg6[%swap3A_429, %swap3A_430], %swap3A_433 {strides = array<i32>} : memref<64x128xf32, #tpu.memory_space<vmem>>, vector<1x16xf32>,
        %get3A_434 = arith.index_cast %scan3A_78 : i32 to index
        %get3A_435 = arith.constant 112 : index
        %get3A_436 = tpu.vector_load %arg4[%get3A_434, %get3A_435] {strides = array<i32>} : memref<448x128xf32, #tpu.memory_space<vmem>>, vector<1x16xf32>,
        %get3A_437 = vector.shape_cast %get3A_436 : vector<1x16xf32> to vector<16xf32>
        %add3A_438 = arith.constant 64 : i32
        %add3A_439 = arith.addi %add3A_438, %scan3A_78 : i32
        %get3A_440 = arith.index_cast %add3A_439 : i32 to index
        %get3A_441 = arith.constant 112 : index
        %get3A_442 = tpu.vector_load %arg4[%get3A_440, %get3A_441] {strides = array<i32>} : memref<448x128xf32, #tpu.memory_space<vmem>>, vector<1x16xf32>,
        %get3A_443 = vector.shape_cast %get3A_442 : vector<1x16xf32> to vector<16xf32>
        %max3A_444 = arith.maximumf %get3A_437, %get3A_443 : vector<16xf32>
        %add3A_445 = arith.constant 128 : i32
        %add3A_446 = arith.addi %add3A_445, %scan3A_78 : i32
        %get3A_447 = arith.index_cast %add3A_446 : i32 to index
        %get3A_448 = arith.constant 112 : index
        %get3A_449 = tpu.vector_load %arg4[%get3A_447, %get3A_448] {strides = array<i32>} : memref<448x128xf32, #tpu.memory_space<vmem>>, vector<1x16xf32>,
        %get3A_450 = vector.shape_cast %get3A_449 : vector<1x16xf32> to vector<16xf32>
        %max3A_451 = arith.maximumf %max3A_444, %get3A_450 : vector<16xf32>
        %add3A_452 = arith.constant 192 : i32
        %add3A_453 = arith.addi %add3A_452, %scan3A_78 : i32
        %get3A_454 = arith.index_cast %add3A_453 : i32 to index
        %get3A_455 = arith.constant 112 : index
        %get3A_456 = tpu.vector_load %arg4[%get3A_454, %get3A_455] {strides = array<i32>} : memref<448x128xf32, #tpu.memory_space<vmem>>, vector<1x16xf32>,
        %get3A_457 = vector.shape_cast %get3A_456 : vector<1x16xf32> to vector<16xf32>
        %max3A_458 = arith.maximumf %max3A_451, %get3A_457 : vector<16xf32>
        %add3A_459 = arith.constant 256 : i32
        %add3A_460 = arith.addi %add3A_459, %scan3A_78 : i32
        %get3A_461 = arith.index_cast %add3A_460 : i32 to index
        %get3A_462 = arith.constant 112 : index
        %get3A_463 = tpu.vector_load %arg4[%get3A_461, %get3A_462] {strides = array<i32>} : memref<448x128xf32, #tpu.memory_space<vmem>>, vector<1x16xf32>,
        %get3A_464 = vector.shape_cast %get3A_463 : vector<1x16xf32> to vector<16xf32>
        %max3A_465 = arith.maximumf %max3A_458, %get3A_464 : vector<16xf32>
        %add3A_466 = arith.constant 320 : i32
        %add3A_467 = arith.addi %add3A_466, %scan3A_78 : i32
        %get3A_468 = arith.index_cast %add3A_467 : i32 to index
        %get3A_469 = arith.constant 112 : index
        %get3A_470 = tpu.vector_load %arg4[%get3A_468, %get3A_469] {strides = array<i32>} : memref<448x128xf32, #tpu.memory_space<vmem>>, vector<1x16xf32>,
        %get3A_471 = vector.shape_cast %get3A_470 : vector<1x16xf32> to vector<16xf32>
        %max3A_472 = arith.maximumf %max3A_465, %get3A_471 : vector<16xf32>
        %add3A_473 = arith.constant 384 : i32
        %add3A_474 = arith.addi %add3A_473, %scan3A_78 : i32
        %get3A_475 = arith.index_cast %add3A_474 : i32 to index
        %get3A_476 = arith.constant 112 : index
        %get3A_477 = tpu.vector_load %arg4[%get3A_475, %get3A_476] {strides = array<i32>} : memref<448x128xf32, #tpu.memory_space<vmem>>, vector<1x16xf32>,
        %get3A_478 = vector.shape_cast %get3A_477 : vector<1x16xf32> to vector<16xf32>
        %max3A_479 = arith.maximumf %max3A_472, %get3A_478 : vector<16xf32>
        %swap3A_480 = arith.index_cast %scan3A_78 : i32 to index
        %swap3A_481 = arith.constant 112 : index
        %swap3A_482 = tpu.vector_load %arg6[%swap3A_480, %swap3A_481] {strides = array<i32>} : memref<64x128xf32, #tpu.memory_space<vmem>>, vector<1x16xf32>,
        %swap3A_483 = vector.shape_cast %swap3A_482 : vector<1x16xf32> to vector<16xf32>
        %swap3A_484 = vector.shape_cast %max3A_479 : vector<16xf32> to vector<1x16xf32>
        tpu.vector_store %arg6[%swap3A_480, %swap3A_481], %swap3A_484 {strides = array<i32>} : memref<64x128xf32, #tpu.memory_space<vmem>>, vector<1x16xf32>,
        %scan3A_485 = arith.constant 0 : i32
        scf.yield %scan3A_485 : i32
      }
      %scan3A_40 = arith.constant 64 : i32
      %add3A_41 = arith.constant 896 : i32
      %add3A_42 = arith.addi %mul3A_24, %add3A_41 : i32
      %dma_start3A_43 = tpu.memref_slice %arg2[%add3A_42, %add3A_22] : memref<12544x2048xf32, #tpu.memory_space<hbm>> -> memref<448x128xf32, #tpu.memory_space<hbm>>
      %dma_start3A_44 = tpu.memref_slice %arg2[%add3A_42, %add3A_22] : memref<12544x2048xf32, #tpu.memory_space<hbm>> -> memref<448x128xf32, #tpu.memory_space<hbm>>
      tpu.enqueue_dma source(%dma_start3A_44 : memref<448x128xf32, #tpu.memory_space<hbm>>) target(%arg4 : memref<448x128xf32, #tpu.memory_space<vmem>>) target_semaphore(%arg7 : memref<!tpu.dma_semaphore, #tpu.memory_space<semaphore_mem>>)
      %dma_wait3A_45 = tpu.memref_slice %arg2[%add3A_31, %add3A_22] : memref<12544x2048xf32, #tpu.memory_space<hbm>> -> memref<448x128xf32, #tpu.memory_space<hbm>>
      %dma_wait3A_46 = tpu.memref_slice %arg2[%add3A_31, %add3A_22] : memref<12544x2048xf32, #tpu.memory_space<hbm>> -> memref<448x128xf32, #tpu.memory_space<hbm>>
      tpu.wait_dma2 semaphore(%arg8 : memref<!tpu.dma_semaphore, #tpu.memory_space<semaphore_mem>>) src(%dma_wait3A_46 : memref<448x128xf32, #tpu.memory_space<hbm>>) dst(%arg5 : memref<448x128xf32, #tpu.memory_space<vmem>>)
      %scan3A_47 = arith.constant 0 : i32
      %scan3A_48 = arith.constant 0 : i32
      %scan3A_49 = arith.constant 64 : i32
      %scan3A_50 = arith.addi %scan3A_48, %scan3A_49 : i32
      %scan3A_51 = arith.constant 1 : i32
      %scan3A_52 = scf.for %scan3A_78 = %scan3A_48 to %scan3A_50 step %scan3A_51 iter_args(%scan3A_79 = %scan3A_47) -> (i32)  : i32 {
        %get3A = arith.index_cast %scan3A_78 : i32 to index
        %get3A_80 = arith.constant 0 : index
        %get3A_81 = tpu.vector_load %arg6[%get3A, %get3A_80] {strides = array<i32>} : memref<64x128xf32, #tpu.memory_space<vmem>>, vector<1x16xf32>,
        %get3A_82 = vector.shape_cast %get3A_81 : vector<1x16xf32> to vector<16xf32>
        %add3A_83 = arith.constant 0 : i32
        %add3A_84 = arith.addi %add3A_83, %scan3A_78 : i32
        %get3A_85 = arith.index_cast %add3A_84 : i32 to index
        %get3A_86 = arith.constant 0 : index
        %get3A_87 = tpu.vector_load %arg5[%get3A_85, %get3A_86] {strides = array<i32>} : memref<448x128xf32, #tpu.memory_space<vmem>>, vector<1x16xf32>,
        %get3A_88 = vector.shape_cast %get3A_87 : vector<1x16xf32> to vector<16xf32>
        %max3A = arith.maximumf %get3A_82, %get3A_88 : vector<16xf32>
        %add3A_89 = arith.constant 64 : i32
        %add3A_90 = arith.addi %add3A_89, %scan3A_78 : i32
        %get3A_91 = arith.index_cast %add3A_90 : i32 to index
        %get3A_92 = arith.constant 0 : index
        %get3A_93 = tpu.vector_load %arg5[%get3A_91, %get3A_92] {strides = array<i32>} : memref<448x128xf32, #tpu.memory_space<vmem>>, vector<1x16xf32>,
        %get3A_94 = vector.shape_cast %get3A_93 : vector<1x16xf32> to vector<16xf32>
        %max3A_95 = arith.maximumf %max3A, %get3A_94 : vector<16xf32>
        %add3A_96 = arith.constant 128 : i32
        %add3A_97 = arith.addi %add3A_96, %scan3A_78 : i32
        %get3A_98 = arith.index_cast %add3A_97 : i32 to index
        %get3A_99 = arith.constant 0 : index
        %get3A_100 = tpu.vector_load %arg5[%get3A_98, %get3A_99] {strides = array<i32>} : memref<448x128xf32, #tpu.memory_space<vmem>>, vector<1x16xf32>,
        %get3A_101 = vector.shape_cast %get3A_100 : vector<1x16xf32> to vector<16xf32>
        %max3A_102 = arith.maximumf %max3A_95, %get3A_101 : vector<16xf32>
        %add3A_103 = arith.constant 192 : i32
        %add3A_104 = arith.addi %add3A_103, %scan3A_78 : i32
        %get3A_105 = arith.index_cast %add3A_104 : i32 to index
        %get3A_106 = arith.constant 0 : index
        %get3A_107 = tpu.vector_load %arg5[%get3A_105, %get3A_106] {strides = array<i32>} : memref<448x128xf32, #tpu.memory_space<vmem>>, vector<1x16xf32>,
        %get3A_108 = vector.shape_cast %get3A_107 : vector<1x16xf32> to vector<16xf32>
        %max3A_109 = arith.maximumf %max3A_102, %get3A_108 : vector<16xf32>
        %add3A_110 = arith.constant 256 : i32
        %add3A_111 = arith.addi %add3A_110, %scan3A_78 : i32
        %get3A_112 = arith.index_cast %add3A_111 : i32 to index
        %get3A_113 = arith.constant 0 : index
        %get3A_114 = tpu.vector_load %arg5[%get3A_112, %get3A_113] {strides = array<i32>} : memref<448x128xf32, #tpu.memory_space<vmem>>, vector<1x16xf32>,
        %get3A_115 = vector.shape_cast %get3A_114 : vector<1x16xf32> to vector<16xf32>
        %max3A_116 = arith.maximumf %max3A_109, %get3A_115 : vector<16xf32>
        %add3A_117 = arith.constant 320 : i32
        %add3A_118 = arith.addi %add3A_117, %scan3A_78 : i32
        %get3A_119 = arith.index_cast %add3A_118 : i32 to index
        %get3A_120 = arith.constant 0 : index
        %get3A_121 = tpu.vector_load %arg5[%get3A_119, %get3A_120] {strides = array<i32>} : memref<448x128xf32, #tpu.memory_space<vmem>>, vector<1x16xf32>,
        %get3A_122 = vector.shape_cast %get3A_121 : vector<1x16xf32> to vector<16xf32>
        %max3A_123 = arith.maximumf %max3A_116, %get3A_122 : vector<16xf32>
        %add3A_124 = arith.constant 384 : i32
        %add3A_125 = arith.addi %add3A_124, %scan3A_78 : i32
        %get3A_126 = arith.index_cast %add3A_125 : i32 to index
        %get3A_127 = arith.constant 0 : index
        %get3A_128 = tpu.vector_load %arg5[%get3A_126, %get3A_127] {strides = array<i32>} : memref<448x128xf32, #tpu.memory_space<vmem>>, vector<1x16xf32>,
        %get3A_129 = vector.shape_cast %get3A_128 : vector<1x16xf32> to vector<16xf32>
        %max3A_130 = arith.maximumf %max3A_123, %get3A_129 : vector<16xf32>
        %swap3A = arith.index_cast %scan3A_78 : i32 to index
        %swap3A_131 = arith.constant 0 : index
        %swap3A_132 = tpu.vector_load %arg6[%swap3A, %swap3A_131] {strides = array<i32>} : memref<64x128xf32, #tpu.memory_space<vmem>>, vector<1x16xf32>,
        %swap3A_133 = vector.shape_cast %swap3A_132 : vector<1x16xf32> to vector<16xf32>
        %swap3A_134 = vector.shape_cast %max3A_130 : vector<16xf32> to vector<1x16xf32>
        tpu.vector_store %arg6[%swap3A, %swap3A_131], %swap3A_134 {strides = array<i32>} : memref<64x128xf32, #tpu.memory_space<vmem>>, vector<1x16xf32>,
        %get3A_135 = arith.index_cast %scan3A_78 : i32 to index
        %get3A_136 = arith.constant 16 : index
        %get3A_137 = tpu.vector_load %arg6[%get3A_135, %get3A_136] {strides = array<i32>} : memref<64x128xf32, #tpu.memory_space<vmem>>, vector<1x16xf32>,
        %get3A_138 = vector.shape_cast %get3A_137 : vector<1x16xf32> to vector<16xf32>
        %add3A_139 = arith.constant 0 : i32
        %add3A_140 = arith.addi %add3A_139, %scan3A_78 : i32
        %get3A_141 = arith.index_cast %add3A_140 : i32 to index
        %get3A_142 = arith.constant 16 : index
        %get3A_143 = tpu.vector_load %arg5[%get3A_141, %get3A_142] {strides = array<i32>} : memref<448x128xf32, #tpu.memory_space<vmem>>, vector<1x16xf32>,
        %get3A_144 = vector.shape_cast %get3A_143 : vector<1x16xf32> to vector<16xf32>
        %max3A_145 = arith.maximumf %get3A_138, %get3A_144 : vector<16xf32>
        %add3A_146 = arith.constant 64 : i32
        %add3A_147 = arith.addi %add3A_146, %scan3A_78 : i32
        %get3A_148 = arith.index_cast %add3A_147 : i32 to index
        %get3A_149 = arith.constant 16 : index
        %get3A_150 = tpu.vector_load %arg5[%get3A_148, %get3A_149] {strides = array<i32>} : memref<448x128xf32, #tpu.memory_space<vmem>>, vector<1x16xf32>,
        %get3A_151 = vector.shape_cast %get3A_150 : vector<1x16xf32> to vector<16xf32>
        %max3A_152 = arith.maximumf %max3A_145, %get3A_151 : vector<16xf32>
        %add3A_153 = arith.constant 128 : i32
        %add3A_154 = arith.addi %add3A_153, %scan3A_78 : i32
        %get3A_155 = arith.index_cast %add3A_154 : i32 to index
        %get3A_156 = arith.constant 16 : index
        %get3A_157 = tpu.vector_load %arg5[%get3A_155, %get3A_156] {strides = array<i32>} : memref<448x128xf32, #tpu.memory_space<vmem>>, vector<1x16xf32>,
        %get3A_158 = vector.shape_cast %get3A_157 : vector<1x16xf32> to vector<16xf32>
        %max3A_159 = arith.maximumf %max3A_152, %get3A_158 : vector<16xf32>
        %add3A_160 = arith.constant 192 : i32
        %add3A_161 = arith.addi %add3A_160, %scan3A_78 : i32
        %get3A_162 = arith.index_cast %add3A_161 : i32 to index
        %get3A_163 = arith.constant 16 : index
        %get3A_164 = tpu.vector_load %arg5[%get3A_162, %get3A_163] {strides = array<i32>} : memref<448x128xf32, #tpu.memory_space<vmem>>, vector<1x16xf32>,
        %get3A_165 = vector.shape_cast %get3A_164 : vector<1x16xf32> to vector<16xf32>
        %max3A_166 = arith.maximumf %max3A_159, %get3A_165 : vector<16xf32>
        %add3A_167 = arith.constant 256 : i32
        %add3A_168 = arith.addi %add3A_167, %scan3A_78 : i32
        %get3A_169 = arith.index_cast %add3A_168 : i32 to index
        %get3A_170 = arith.constant 16 : index
        %get3A_171 = tpu.vector_load %arg5[%get3A_169, %get3A_170] {strides = array<i32>} : memref<448x128xf32, #tpu.memory_space<vmem>>, vector<1x16xf32>,
        %get3A_172 = vector.shape_cast %get3A_171 : vector<1x16xf32> to vector<16xf32>
        %max3A_173 = arith.maximumf %max3A_166, %get3A_172 : vector<16xf32>
        %add3A_174 = arith.constant 320 : i32
        %add3A_175 = arith.addi %add3A_174, %scan3A_78 : i32
        %get3A_176 = arith.index_cast %add3A_175 : i32 to index
        %get3A_177 = arith.constant 16 : index
        %get3A_178 = tpu.vector_load %arg5[%get3A_176, %get3A_177] {strides = array<i32>} : memref<448x128xf32, #tpu.memory_space<vmem>>, vector<1x16xf32>,
        %get3A_179 = vector.shape_cast %get3A_178 : vector<1x16xf32> to vector<16xf32>
        %max3A_180 = arith.maximumf %max3A_173, %get3A_179 : vector<16xf32>
        %add3A_181 = arith.constant 384 : i32
        %add3A_182 = arith.addi %add3A_181, %scan3A_78 : i32
        %get3A_183 = arith.index_cast %add3A_182 : i32 to index
        %get3A_184 = arith.constant 16 : index
        %get3A_185 = tpu.vector_load %arg5[%get3A_183, %get3A_184] {strides = array<i32>} : memref<448x128xf32, #tpu.memory_space<vmem>>, vector<1x16xf32>,
        %get3A_186 = vector.shape_cast %get3A_185 : vector<1x16xf32> to vector<16xf32>
        %max3A_187 = arith.maximumf %max3A_180, %get3A_186 : vector<16xf32>
        %swap3A_188 = arith.index_cast %scan3A_78 : i32 to index
        %swap3A_189 = arith.constant 16 : index
        %swap3A_190 = tpu.vector_load %arg6[%swap3A_188, %swap3A_189] {strides = array<i32>} : memref<64x128xf32, #tpu.memory_space<vmem>>, vector<1x16xf32>,
        %swap3A_191 = vector.shape_cast %swap3A_190 : vector<1x16xf32> to vector<16xf32>
        %swap3A_192 = vector.shape_cast %max3A_187 : vector<16xf32> to vector<1x16xf32>
        tpu.vector_store %arg6[%swap3A_188, %swap3A_189], %swap3A_192 {strides = array<i32>} : memref<64x128xf32, #tpu.memory_space<vmem>>, vector<1x16xf32>,
        %get3A_193 = arith.index_cast %scan3A_78 : i32 to index
        %get3A_194 = arith.constant 32 : index
        %get3A_195 = tpu.vector_load %arg6[%get3A_193, %get3A_194] {strides = array<i32>} : memref<64x128xf32, #tpu.memory_space<vmem>>, vector<1x16xf32>,
        %get3A_196 = vector.shape_cast %get3A_195 : vector<1x16xf32> to vector<16xf32>
        %add3A_197 = arith.constant 0 : i32
        %add3A_198 = arith.addi %add3A_197, %scan3A_78 : i32
        %get3A_199 = arith.index_cast %add3A_198 : i32 to index
        %get3A_200 = arith.constant 32 : index
        %get3A_201 = tpu.vector_load %arg5[%get3A_199, %get3A_200] {strides = array<i32>} : memref<448x128xf32, #tpu.memory_space<vmem>>, vector<1x16xf32>,
        %get3A_202 = vector.shape_cast %get3A_201 : vector<1x16xf32> to vector<16xf32>
        %max3A_203 = arith.maximumf %get3A_196, %get3A_202 : vector<16xf32>
        %add3A_204 = arith.constant 64 : i32
        %add3A_205 = arith.addi %add3A_204, %scan3A_78 : i32
        %get3A_206 = arith.index_cast %add3A_205 : i32 to index
        %get3A_207 = arith.constant 32 : index
        %get3A_208 = tpu.vector_load %arg5[%get3A_206, %get3A_207] {strides = array<i32>} : memref<448x128xf32, #tpu.memory_space<vmem>>, vector<1x16xf32>,
        %get3A_209 = vector.shape_cast %get3A_208 : vector<1x16xf32> to vector<16xf32>
        %max3A_210 = arith.maximumf %max3A_203, %get3A_209 : vector<16xf32>
        %add3A_211 = arith.constant 128 : i32
        %add3A_212 = arith.addi %add3A_211, %scan3A_78 : i32
        %get3A_213 = arith.index_cast %add3A_212 : i32 to index
        %get3A_214 = arith.constant 32 : index
        %get3A_215 = tpu.vector_load %arg5[%get3A_213, %get3A_214] {strides = array<i32>} : memref<448x128xf32, #tpu.memory_space<vmem>>, vector<1x16xf32>,
        %get3A_216 = vector.shape_cast %get3A_215 : vector<1x16xf32> to vector<16xf32>
        %max3A_217 = arith.maximumf %max3A_210, %get3A_216 : vector<16xf32>
        %add3A_218 = arith.constant 192 : i32
        %add3A_219 = arith.addi %add3A_218, %scan3A_78 : i32
        %get3A_220 = arith.index_cast %add3A_219 : i32 to index
        %get3A_221 = arith.constant 32 : index
        %get3A_222 = tpu.vector_load %arg5[%get3A_220, %get3A_221] {strides = array<i32>} : memref<448x128xf32, #tpu.memory_space<vmem>>, vector<1x16xf32>,
        %get3A_223 = vector.shape_cast %get3A_222 : vector<1x16xf32> to vector<16xf32>
        %max3A_224 = arith.maximumf %max3A_217, %get3A_223 : vector<16xf32>
        %add3A_225 = arith.constant 256 : i32
        %add3A_226 = arith.addi %add3A_225, %scan3A_78 : i32
        %get3A_227 = arith.index_cast %add3A_226 : i32 to index
        %get3A_228 = arith.constant 32 : index
        %get3A_229 = tpu.vector_load %arg5[%get3A_227, %get3A_228] {strides = array<i32>} : memref<448x128xf32, #tpu.memory_space<vmem>>, vector<1x16xf32>,
        %get3A_230 = vector.shape_cast %get3A_229 : vector<1x16xf32> to vector<16xf32>
        %max3A_231 = arith.maximumf %max3A_224, %get3A_230 : vector<16xf32>
        %add3A_232 = arith.constant 320 : i32
        %add3A_233 = arith.addi %add3A_232, %scan3A_78 : i32
        %get3A_234 = arith.index_cast %add3A_233 : i32 to index
        %get3A_235 = arith.constant 32 : index
        %get3A_236 = tpu.vector_load %arg5[%get3A_234, %get3A_235] {strides = array<i32>} : memref<448x128xf32, #tpu.memory_space<vmem>>, vector<1x16xf32>,
        %get3A_237 = vector.shape_cast %get3A_236 : vector<1x16xf32> to vector<16xf32>
        %max3A_238 = arith.maximumf %max3A_231, %get3A_237 : vector<16xf32>
        %add3A_239 = arith.constant 384 : i32
        %add3A_240 = arith.addi %add3A_239, %scan3A_78 : i32
        %get3A_241 = arith.index_cast %add3A_240 : i32 to index
        %get3A_242 = arith.constant 32 : index
        %get3A_243 = tpu.vector_load %arg5[%get3A_241, %get3A_242] {strides = array<i32>} : memref<448x128xf32, #tpu.memory_space<vmem>>, vector<1x16xf32>,
        %get3A_244 = vector.shape_cast %get3A_243 : vector<1x16xf32> to vector<16xf32>
        %max3A_245 = arith.maximumf %max3A_238, %get3A_244 : vector<16xf32>
        %swap3A_246 = arith.index_cast %scan3A_78 : i32 to index
        %swap3A_247 = arith.constant 32 : index
        %swap3A_248 = tpu.vector_load %arg6[%swap3A_246, %swap3A_247] {strides = array<i32>} : memref<64x128xf32, #tpu.memory_space<vmem>>, vector<1x16xf32>,
        %swap3A_249 = vector.shape_cast %swap3A_248 : vector<1x16xf32> to vector<16xf32>
        %swap3A_250 = vector.shape_cast %max3A_245 : vector<16xf32> to vector<1x16xf32>
        tpu.vector_store %arg6[%swap3A_246, %swap3A_247], %swap3A_250 {strides = array<i32>} : memref<64x128xf32, #tpu.memory_space<vmem>>, vector<1x16xf32>,
        %get3A_251 = arith.index_cast %scan3A_78 : i32 to index
        %get3A_252 = arith.constant 48 : index
        %get3A_253 = tpu.vector_load %arg6[%get3A_251, %get3A_252] {strides = array<i32>} : memref<64x128xf32, #tpu.memory_space<vmem>>, vector<1x16xf32>,
        %get3A_254 = vector.shape_cast %get3A_253 : vector<1x16xf32> to vector<16xf32>
        %add3A_255 = arith.constant 0 : i32
        %add3A_256 = arith.addi %add3A_255, %scan3A_78 : i32
        %get3A_257 = arith.index_cast %add3A_256 : i32 to index
        %get3A_258 = arith.constant 48 : index
        %get3A_259 = tpu.vector_load %arg5[%get3A_257, %get3A_258] {strides = array<i32>} : memref<448x128xf32, #tpu.memory_space<vmem>>, vector<1x16xf32>,
        %get3A_260 = vector.shape_cast %get3A_259 : vector<1x16xf32> to vector<16xf32>
        %max3A_261 = arith.maximumf %get3A_254, %get3A_260 : vector<16xf32>
        %add3A_262 = arith.constant 64 : i32
        %add3A_263 = arith.addi %add3A_262, %scan3A_78 : i32
        %get3A_264 = arith.index_cast %add3A_263 : i32 to index
        %get3A_265 = arith.constant 48 : index
        %get3A_266 = tpu.vector_load %arg5[%get3A_264, %get3A_265] {strides = array<i32>} : memref<448x128xf32, #tpu.memory_space<vmem>>, vector<1x16xf32>,
        %get3A_267 = vector.shape_cast %get3A_266 : vector<1x16xf32> to vector<16xf32>
        %max3A_268 = arith.maximumf %max3A_261, %get3A_267 : vector<16xf32>
        %add3A_269 = arith.constant 128 : i32
        %add3A_270 = arith.addi %add3A_269, %scan3A_78 : i32
        %get3A_271 = arith.index_cast %add3A_270 : i32 to index
        %get3A_272 = arith.constant 48 : index
        %get3A_273 = tpu.vector_load %arg5[%get3A_271, %get3A_272] {strides = array<i32>} : memref<448x128xf32, #tpu.memory_space<vmem>>, vector<1x16xf32>,
        %get3A_274 = vector.shape_cast %get3A_273 : vector<1x16xf32> to vector<16xf32>
        %max3A_275 = arith.maximumf %max3A_268, %get3A_274 : vector<16xf32>
        %add3A_276 = arith.constant 192 : i32
        %add3A_277 = arith.addi %add3A_276, %scan3A_78 : i32
        %get3A_278 = arith.index_cast %add3A_277 : i32 to index
        %get3A_279 = arith.constant 48 : index
        %get3A_280 = tpu.vector_load %arg5[%get3A_278, %get3A_279] {strides = array<i32>} : memref<448x128xf32, #tpu.memory_space<vmem>>, vector<1x16xf32>,
        %get3A_281 = vector.shape_cast %get3A_280 : vector<1x16xf32> to vector<16xf32>
        %max3A_282 = arith.maximumf %max3A_275, %get3A_281 : vector<16xf32>
        %add3A_283 = arith.constant 256 : i32
        %add3A_284 = arith.addi %add3A_283, %scan3A_78 : i32
        %get3A_285 = arith.index_cast %add3A_284 : i32 to index
        %get3A_286 = arith.constant 48 : index
        %get3A_287 = tpu.vector_load %arg5[%get3A_285, %get3A_286] {strides = array<i32>} : memref<448x128xf32, #tpu.memory_space<vmem>>, vector<1x16xf32>,
        %get3A_288 = vector.shape_cast %get3A_287 : vector<1x16xf32> to vector<16xf32>
        %max3A_289 = arith.maximumf %max3A_282, %get3A_288 : vector<16xf32>
        %add3A_290 = arith.constant 320 : i32
        %add3A_291 = arith.addi %add3A_290, %scan3A_78 : i32
        %get3A_292 = arith.index_cast %add3A_291 : i32 to index
        %get3A_293 = arith.constant 48 : index
        %get3A_294 = tpu.vector_load %arg5[%get3A_292, %get3A_293] {strides = array<i32>} : memref<448x128xf32, #tpu.memory_space<vmem>>, vector<1x16xf32>,
        %get3A_295 = vector.shape_cast %get3A_294 : vector<1x16xf32> to vector<16xf32>
        %max3A_296 = arith.maximumf %max3A_289, %get3A_295 : vector<16xf32>
        %add3A_297 = arith.constant 384 : i32
        %add3A_298 = arith.addi %add3A_297, %scan3A_78 : i32
        %get3A_299 = arith.index_cast %add3A_298 : i32 to index
        %get3A_300 = arith.constant 48 : index
        %get3A_301 = tpu.vector_load %arg5[%get3A_299, %get3A_300] {strides = array<i32>} : memref<448x128xf32, #tpu.memory_space<vmem>>, vector<1x16xf32>,
        %get3A_302 = vector.shape_cast %get3A_301 : vector<1x16xf32> to vector<16xf32>
        %max3A_303 = arith.maximumf %max3A_296, %get3A_302 : vector<16xf32>
        %swap3A_304 = arith.index_cast %scan3A_78 : i32 to index
        %swap3A_305 = arith.constant 48 : index
        %swap3A_306 = tpu.vector_load %arg6[%swap3A_304, %swap3A_305] {strides = array<i32>} : memref<64x128xf32, #tpu.memory_space<vmem>>, vector<1x16xf32>,
        %swap3A_307 = vector.shape_cast %swap3A_306 : vector<1x16xf32> to vector<16xf32>
        %swap3A_308 = vector.shape_cast %max3A_303 : vector<16xf32> to vector<1x16xf32>
        tpu.vector_store %arg6[%swap3A_304, %swap3A_305], %swap3A_308 {strides = array<i32>} : memref<64x128xf32, #tpu.memory_space<vmem>>, vector<1x16xf32>,
        %get3A_309 = arith.index_cast %scan3A_78 : i32 to index
        %get3A_310 = arith.constant 64 : index
        %get3A_311 = tpu.vector_load %arg6[%get3A_309, %get3A_310] {strides = array<i32>} : memref<64x128xf32, #tpu.memory_space<vmem>>, vector<1x16xf32>,
        %get3A_312 = vector.shape_cast %get3A_311 : vector<1x16xf32> to vector<16xf32>
        %add3A_313 = arith.constant 0 : i32
        %add3A_314 = arith.addi %add3A_313, %scan3A_78 : i32
        %get3A_315 = arith.index_cast %add3A_314 : i32 to index
        %get3A_316 = arith.constant 64 : index
        %get3A_317 = tpu.vector_load %arg5[%get3A_315, %get3A_316] {strides = array<i32>} : memref<448x128xf32, #tpu.memory_space<vmem>>, vector<1x16xf32>,
        %get3A_318 = vector.shape_cast %get3A_317 : vector<1x16xf32> to vector<16xf32>
        %max3A_319 = arith.maximumf %get3A_312, %get3A_318 : vector<16xf32>
        %add3A_320 = arith.constant 64 : i32
        %add3A_321 = arith.addi %add3A_320, %scan3A_78 : i32
        %get3A_322 = arith.index_cast %add3A_321 : i32 to index
        %get3A_323 = arith.constant 64 : index
        %get3A_324 = tpu.vector_load %arg5[%get3A_322, %get3A_323] {strides = array<i32>} : memref<448x128xf32, #tpu.memory_space<vmem>>, vector<1x16xf32>,
        %get3A_325 = vector.shape_cast %get3A_324 : vector<1x16xf32> to vector<16xf32>
        %max3A_326 = arith.maximumf %max3A_319, %get3A_325 : vector<16xf32>
        %add3A_327 = arith.constant 128 : i32
        %add3A_328 = arith.addi %add3A_327, %scan3A_78 : i32
        %get3A_329 = arith.index_cast %add3A_328 : i32 to index
        %get3A_330 = arith.constant 64 : index
        %get3A_331 = tpu.vector_load %arg5[%get3A_329, %get3A_330] {strides = array<i32>} : memref<448x128xf32, #tpu.memory_space<vmem>>, vector<1x16xf32>,
        %get3A_332 = vector.shape_cast %get3A_331 : vector<1x16xf32> to vector<16xf32>
        %max3A_333 = arith.maximumf %max3A_326, %get3A_332 : vector<16xf32>
        %add3A_334 = arith.constant 192 : i32
        %add3A_335 = arith.addi %add3A_334, %scan3A_78 : i32
        %get3A_336 = arith.index_cast %add3A_335 : i32 to index
        %get3A_337 = arith.constant 64 : index
        %get3A_338 = tpu.vector_load %arg5[%get3A_336, %get3A_337] {strides = array<i32>} : memref<448x128xf32, #tpu.memory_space<vmem>>, vector<1x16xf32>,
        %get3A_339 = vector.shape_cast %get3A_338 : vector<1x16xf32> to vector<16xf32>
        %max3A_340 = arith.maximumf %max3A_333, %get3A_339 : vector<16xf32>
        %add3A_341 = arith.constant 256 : i32
        %add3A_342 = arith.addi %add3A_341, %scan3A_78 : i32
        %get3A_343 = arith.index_cast %add3A_342 : i32 to index
        %get3A_344 = arith.constant 64 : index
        %get3A_345 = tpu.vector_load %arg5[%get3A_343, %get3A_344] {strides = array<i32>} : memref<448x128xf32, #tpu.memory_space<vmem>>, vector<1x16xf32>,
        %get3A_346 = vector.shape_cast %get3A_345 : vector<1x16xf32> to vector<16xf32>
        %max3A_347 = arith.maximumf %max3A_340, %get3A_346 : vector<16xf32>
        %add3A_348 = arith.constant 320 : i32
        %add3A_349 = arith.addi %add3A_348, %scan3A_78 : i32
        %get3A_350 = arith.index_cast %add3A_349 : i32 to index
        %get3A_351 = arith.constant 64 : index
        %get3A_352 = tpu.vector_load %arg5[%get3A_350, %get3A_351] {strides = array<i32>} : memref<448x128xf32, #tpu.memory_space<vmem>>, vector<1x16xf32>,
        %get3A_353 = vector.shape_cast %get3A_352 : vector<1x16xf32> to vector<16xf32>
        %max3A_354 = arith.maximumf %max3A_347, %get3A_353 : vector<16xf32>
        %add3A_355 = arith.constant 384 : i32
        %add3A_356 = arith.addi %add3A_355, %scan3A_78 : i32
        %get3A_357 = arith.index_cast %add3A_356 : i32 to index
        %get3A_358 = arith.constant 64 : index
        %get3A_359 = tpu.vector_load %arg5[%get3A_357, %get3A_358] {strides = array<i32>} : memref<448x128xf32, #tpu.memory_space<vmem>>, vector<1x16xf32>,
        %get3A_360 = vector.shape_cast %get3A_359 : vector<1x16xf32> to vector<16xf32>
        %max3A_361 = arith.maximumf %max3A_354, %get3A_360 : vector<16xf32>
        %swap3A_362 = arith.index_cast %scan3A_78 : i32 to index
        %swap3A_363 = arith.constant 64 : index
        %swap3A_364 = tpu.vector_load %arg6[%swap3A_362, %swap3A_363] {strides = array<i32>} : memref<64x128xf32, #tpu.memory_space<vmem>>, vector<1x16xf32>,
        %swap3A_365 = vector.shape_cast %swap3A_364 : vector<1x16xf32> to vector<16xf32>
        %swap3A_366 = vector.shape_cast %max3A_361 : vector<16xf32> to vector<1x16xf32>
        tpu.vector_store %arg6[%swap3A_362, %swap3A_363], %swap3A_366 {strides = array<i32>} : memref<64x128xf32, #tpu.memory_space<vmem>>, vector<1x16xf32>,
        %get3A_367 = arith.index_cast %scan3A_78 : i32 to index
        %get3A_368 = arith.constant 80 : index
        %get3A_369 = tpu.vector_load %arg6[%get3A_367, %get3A_368] {strides = array<i32>} : memref<64x128xf32, #tpu.memory_space<vmem>>, vector<1x16xf32>,
        %get3A_370 = vector.shape_cast %get3A_369 : vector<1x16xf32> to vector<16xf32>
        %add3A_371 = arith.constant 0 : i32
        %add3A_372 = arith.addi %add3A_371, %scan3A_78 : i32
        %get3A_373 = arith.index_cast %add3A_372 : i32 to index
        %get3A_374 = arith.constant 80 : index
        %get3A_375 = tpu.vector_load %arg5[%get3A_373, %get3A_374] {strides = array<i32>} : memref<448x128xf32, #tpu.memory_space<vmem>>, vector<1x16xf32>,
        %get3A_376 = vector.shape_cast %get3A_375 : vector<1x16xf32> to vector<16xf32>
        %max3A_377 = arith.maximumf %get3A_370, %get3A_376 : vector<16xf32>
        %add3A_378 = arith.constant 64 : i32
        %add3A_379 = arith.addi %add3A_378, %scan3A_78 : i32
        %get3A_380 = arith.index_cast %add3A_379 : i32 to index
        %get3A_381 = arith.constant 80 : index
        %get3A_382 = tpu.vector_load %arg5[%get3A_380, %get3A_381] {strides = array<i32>} : memref<448x128xf32, #tpu.memory_space<vmem>>, vector<1x16xf32>,
        %get3A_383 = vector.shape_cast %get3A_382 : vector<1x16xf32> to vector<16xf32>
        %max3A_384 = arith.maximumf %max3A_377, %get3A_383 : vector<16xf32>
        %add3A_385 = arith.constant 128 : i32
        %add3A_386 = arith.addi %add3A_385, %scan3A_78 : i32
        %get3A_387 = arith.index_cast %add3A_386 : i32 to index
        %get3A_388 = arith.constant 80 : index
        %get3A_389 = tpu.vector_load %arg5[%get3A_387, %get3A_388] {strides = array<i32>} : memref<448x128xf32, #tpu.memory_space<vmem>>, vector<1x16xf32>,
        %get3A_390 = vector.shape_cast %get3A_389 : vector<1x16xf32> to vector<16xf32>
        %max3A_391 = arith.maximumf %max3A_384, %get3A_390 : vector<16xf32>
        %add3A_392 = arith.constant 192 : i32
        %add3A_393 = arith.addi %add3A_392, %scan3A_78 : i32
        %get3A_394 = arith.index_cast %add3A_393 : i32 to index
        %get3A_395 = arith.constant 80 : index
        %get3A_396 = tpu.vector_load %arg5[%get3A_394, %get3A_395] {strides = array<i32>} : memref<448x128xf32, #tpu.memory_space<vmem>>, vector<1x16xf32>,
        %get3A_397 = vector.shape_cast %get3A_396 : vector<1x16xf32> to vector<16xf32>
        %max3A_398 = arith.maximumf %max3A_391, %get3A_397 : vector<16xf32>
        %add3A_399 = arith.constant 256 : i32
        %add3A_400 = arith.addi %add3A_399, %scan3A_78 : i32
        %get3A_401 = arith.index_cast %add3A_400 : i32 to index
        %get3A_402 = arith.constant 80 : index
        %get3A_403 = tpu.vector_load %arg5[%get3A_401, %get3A_402] {strides = array<i32>} : memref<448x128xf32, #tpu.memory_space<vmem>>, vector<1x16xf32>,
        %get3A_404 = vector.shape_cast %get3A_403 : vector<1x16xf32> to vector<16xf32>
        %max3A_405 = arith.maximumf %max3A_398, %get3A_404 : vector<16xf32>
        %add3A_406 = arith.constant 320 : i32
        %add3A_407 = arith.addi %add3A_406, %scan3A_78 : i32
        %get3A_408 = arith.index_cast %add3A_407 : i32 to index
        %get3A_409 = arith.constant 80 : index
        %get3A_410 = tpu.vector_load %arg5[%get3A_408, %get3A_409] {strides = array<i32>} : memref<448x128xf32, #tpu.memory_space<vmem>>, vector<1x16xf32>,
        %get3A_411 = vector.shape_cast %get3A_410 : vector<1x16xf32> to vector<16xf32>
        %max3A_412 = arith.maximumf %max3A_405, %get3A_411 : vector<16xf32>
        %add3A_413 = arith.constant 384 : i32
        %add3A_414 = arith.addi %add3A_413, %scan3A_78 : i32
        %get3A_415 = arith.index_cast %add3A_414 : i32 to index
        %get3A_416 = arith.constant 80 : index
        %get3A_417 = tpu.vector_load %arg5[%get3A_415, %get3A_416] {strides = array<i32>} : memref<448x128xf32, #tpu.memory_space<vmem>>, vector<1x16xf32>,
        %get3A_418 = vector.shape_cast %get3A_417 : vector<1x16xf32> to vector<16xf32>
        %max3A_419 = arith.maximumf %max3A_412, %get3A_418 : vector<16xf32>
        %swap3A_420 = arith.index_cast %scan3A_78 : i32 to index
        %swap3A_421 = arith.constant 80 : index
        %swap3A_422 = tpu.vector_load %arg6[%swap3A_420, %swap3A_421] {strides = array<i32>} : memref<64x128xf32, #tpu.memory_space<vmem>>, vector<1x16xf32>,
        %swap3A_423 = vector.shape_cast %swap3A_422 : vector<1x16xf32> to vector<16xf32>
        %swap3A_424 = vector.shape_cast %max3A_419 : vector<16xf32> to vector<1x16xf32>
        tpu.vector_store %arg6[%swap3A_420, %swap3A_421], %swap3A_424 {strides = array<i32>} : memref<64x128xf32, #tpu.memory_space<vmem>>, vector<1x16xf32>,
        %get3A_425 = arith.index_cast %scan3A_78 : i32 to index
        %get3A_426 = arith.constant 96 : index
        %get3A_427 = tpu.vector_load %arg6[%get3A_425, %get3A_426] {strides = array<i32>} : memref<64x128xf32, #tpu.memory_space<vmem>>, vector<1x16xf32>,
        %get3A_428 = vector.shape_cast %get3A_427 : vector<1x16xf32> to vector<16xf32>
        %add3A_429 = arith.constant 0 : i32
        %add3A_430 = arith.addi %add3A_429, %scan3A_78 : i32
        %get3A_431 = arith.index_cast %add3A_430 : i32 to index
        %get3A_432 = arith.constant 96 : index
        %get3A_433 = tpu.vector_load %arg5[%get3A_431, %get3A_432] {strides = array<i32>} : memref<448x128xf32, #tpu.memory_space<vmem>>, vector<1x16xf32>,
        %get3A_434 = vector.shape_cast %get3A_433 : vector<1x16xf32> to vector<16xf32>
        %max3A_435 = arith.maximumf %get3A_428, %get3A_434 : vector<16xf32>
        %add3A_436 = arith.constant 64 : i32
        %add3A_437 = arith.addi %add3A_436, %scan3A_78 : i32
        %get3A_438 = arith.index_cast %add3A_437 : i32 to index
        %get3A_439 = arith.constant 96 : index
        %get3A_440 = tpu.vector_load %arg5[%get3A_438, %get3A_439] {strides = array<i32>} : memref<448x128xf32, #tpu.memory_space<vmem>>, vector<1x16xf32>,
        %get3A_441 = vector.shape_cast %get3A_440 : vector<1x16xf32> to vector<16xf32>
        %max3A_442 = arith.maximumf %max3A_435, %get3A_441 : vector<16xf32>
        %add3A_443 = arith.constant 128 : i32
        %add3A_444 = arith.addi %add3A_443, %scan3A_78 : i32
        %get3A_445 = arith.index_cast %add3A_444 : i32 to index
        %get3A_446 = arith.constant 96 : index
        %get3A_447 = tpu.vector_load %arg5[%get3A_445, %get3A_446] {strides = array<i32>} : memref<448x128xf32, #tpu.memory_space<vmem>>, vector<1x16xf32>,
        %get3A_448 = vector.shape_cast %get3A_447 : vector<1x16xf32> to vector<16xf32>
        %max3A_449 = arith.maximumf %max3A_442, %get3A_448 : vector<16xf32>
        %add3A_450 = arith.constant 192 : i32
        %add3A_451 = arith.addi %add3A_450, %scan3A_78 : i32
        %get3A_452 = arith.index_cast %add3A_451 : i32 to index
        %get3A_453 = arith.constant 96 : index
        %get3A_454 = tpu.vector_load %arg5[%get3A_452, %get3A_453] {strides = array<i32>} : memref<448x128xf32, #tpu.memory_space<vmem>>, vector<1x16xf32>,
        %get3A_455 = vector.shape_cast %get3A_454 : vector<1x16xf32> to vector<16xf32>
        %max3A_456 = arith.maximumf %max3A_449, %get3A_455 : vector<16xf32>
        %add3A_457 = arith.constant 256 : i32
        %add3A_458 = arith.addi %add3A_457, %scan3A_78 : i32
        %get3A_459 = arith.index_cast %add3A_458 : i32 to index
        %get3A_460 = arith.constant 96 : index
        %get3A_461 = tpu.vector_load %arg5[%get3A_459, %get3A_460] {strides = array<i32>} : memref<448x128xf32, #tpu.memory_space<vmem>>, vector<1x16xf32>,
        %get3A_462 = vector.shape_cast %get3A_461 : vector<1x16xf32> to vector<16xf32>
        %max3A_463 = arith.maximumf %max3A_456, %get3A_462 : vector<16xf32>
        %add3A_464 = arith.constant 320 : i32
        %add3A_465 = arith.addi %add3A_464, %scan3A_78 : i32
        %get3A_466 = arith.index_cast %add3A_465 : i32 to index
        %get3A_467 = arith.constant 96 : index
        %get3A_468 = tpu.vector_load %arg5[%get3A_466, %get3A_467] {strides = array<i32>} : memref<448x128xf32, #tpu.memory_space<vmem>>, vector<1x16xf32>,
        %get3A_469 = vector.shape_cast %get3A_468 : vector<1x16xf32> to vector<16xf32>
        %max3A_470 = arith.maximumf %max3A_463, %get3A_469 : vector<16xf32>
        %add3A_471 = arith.constant 384 : i32
        %add3A_472 = arith.addi %add3A_471, %scan3A_78 : i32
        %get3A_473 = arith.index_cast %add3A_472 : i32 to index
        %get3A_474 = arith.constant 96 : index
        %get3A_475 = tpu.vector_load %arg5[%get3A_473, %get3A_474] {strides = array<i32>} : memref<448x128xf32, #tpu.memory_space<vmem>>, vector<1x16xf32>,
        %get3A_476 = vector.shape_cast %get3A_475 : vector<1x16xf32> to vector<16xf32>
        %max3A_477 = arith.maximumf %max3A_470, %get3A_476 : vector<16xf32>
        %swap3A_478 = arith.index_cast %scan3A_78 : i32 to index
        %swap3A_479 = arith.constant 96 : index
        %swap3A_480 = tpu.vector_load %arg6[%swap3A_478, %swap3A_479] {strides = array<i32>} : memref<64x128xf32, #tpu.memory_space<vmem>>, vector<1x16xf32>,
        %swap3A_481 = vector.shape_cast %swap3A_480 : vector<1x16xf32> to vector<16xf32>
        %swap3A_482 = vector.shape_cast %max3A_477 : vector<16xf32> to vector<1x16xf32>
        tpu.vector_store %arg6[%swap3A_478, %swap3A_479], %swap3A_482 {strides = array<i32>} : memref<64x128xf32, #tpu.memory_space<vmem>>, vector<1x16xf32>,
        %get3A_483 = arith.index_cast %scan3A_78 : i32 to index
        %get3A_484 = arith.constant 112 : index
        %get3A_485 = tpu.vector_load %arg6[%get3A_483, %get3A_484] {strides = array<i32>} : memref<64x128xf32, #tpu.memory_space<vmem>>, vector<1x16xf32>,
        %get3A_486 = vector.shape_cast %get3A_485 : vector<1x16xf32> to vector<16xf32>
        %add3A_487 = arith.constant 0 : i32
        %add3A_488 = arith.addi %add3A_487, %scan3A_78 : i32
        %get3A_489 = arith.index_cast %add3A_488 : i32 to index
        %get3A_490 = arith.constant 112 : index
        %get3A_491 = tpu.vector_load %arg5[%get3A_489, %get3A_490] {strides = array<i32>} : memref<448x128xf32, #tpu.memory_space<vmem>>, vector<1x16xf32>,
        %get3A_492 = vector.shape_cast %get3A_491 : vector<1x16xf32> to vector<16xf32>
        %max3A_493 = arith.maximumf %get3A_486, %get3A_492 : vector<16xf32>
        %add3A_494 = arith.constant 64 : i32
        %add3A_495 = arith.addi %add3A_494, %scan3A_78 : i32
        %get3A_496 = arith.index_cast %add3A_495 : i32 to index
        %get3A_497 = arith.constant 112 : index
        %get3A_498 = tpu.vector_load %arg5[%get3A_496, %get3A_497] {strides = array<i32>} : memref<448x128xf32, #tpu.memory_space<vmem>>, vector<1x16xf32>,
        %get3A_499 = vector.shape_cast %get3A_498 : vector<1x16xf32> to vector<16xf32>
        %max3A_500 = arith.maximumf %max3A_493, %get3A_499 : vector<16xf32>
        %add3A_501 = arith.constant 128 : i32
        %add3A_502 = arith.addi %add3A_501, %scan3A_78 : i32
        %get3A_503 = arith.index_cast %add3A_502 : i32 to index
        %get3A_504 = arith.constant 112 : index
        %get3A_505 = tpu.vector_load %arg5[%get3A_503, %get3A_504] {strides = array<i32>} : memref<448x128xf32, #tpu.memory_space<vmem>>, vector<1x16xf32>,
        %get3A_506 = vector.shape_cast %get3A_505 : vector<1x16xf32> to vector<16xf32>
        %max3A_507 = arith.maximumf %max3A_500, %get3A_506 : vector<16xf32>
        %add3A_508 = arith.constant 192 : i32
        %add3A_509 = arith.addi %add3A_508, %scan3A_78 : i32
        %get3A_510 = arith.index_cast %add3A_509 : i32 to index
        %get3A_511 = arith.constant 112 : index
        %get3A_512 = tpu.vector_load %arg5[%get3A_510, %get3A_511] {strides = array<i32>} : memref<448x128xf32, #tpu.memory_space<vmem>>, vector<1x16xf32>,
        %get3A_513 = vector.shape_cast %get3A_512 : vector<1x16xf32> to vector<16xf32>
        %max3A_514 = arith.maximumf %max3A_507, %get3A_513 : vector<16xf32>
        %add3A_515 = arith.constant 256 : i32
        %add3A_516 = arith.addi %add3A_515, %scan3A_78 : i32
        %get3A_517 = arith.index_cast %add3A_516 : i32 to index
        %get3A_518 = arith.constant 112 : index
        %get3A_519 = tpu.vector_load %arg5[%get3A_517, %get3A_518] {strides = array<i32>} : memref<448x128xf32, #tpu.memory_space<vmem>>, vector<1x16xf32>,
        %get3A_520 = vector.shape_cast %get3A_519 : vector<1x16xf32> to vector<16xf32>
        %max3A_521 = arith.maximumf %max3A_514, %get3A_520 : vector<16xf32>
        %add3A_522 = arith.constant 320 : i32
        %add3A_523 = arith.addi %add3A_522, %scan3A_78 : i32
        %get3A_524 = arith.index_cast %add3A_523 : i32 to index
        %get3A_525 = arith.constant 112 : index
        %get3A_526 = tpu.vector_load %arg5[%get3A_524, %get3A_525] {strides = array<i32>} : memref<448x128xf32, #tpu.memory_space<vmem>>, vector<1x16xf32>,
        %get3A_527 = vector.shape_cast %get3A_526 : vector<1x16xf32> to vector<16xf32>
        %max3A_528 = arith.maximumf %max3A_521, %get3A_527 : vector<16xf32>
        %add3A_529 = arith.constant 384 : i32
        %add3A_530 = arith.addi %add3A_529, %scan3A_78 : i32
        %get3A_531 = arith.index_cast %add3A_530 : i32 to index
        %get3A_532 = arith.constant 112 : index
        %get3A_533 = tpu.vector_load %arg5[%get3A_531, %get3A_532] {strides = array<i32>} : memref<448x128xf32, #tpu.memory_space<vmem>>, vector<1x16xf32>,
        %get3A_534 = vector.shape_cast %get3A_533 : vector<1x16xf32> to vector<16xf32>
        %max3A_535 = arith.maximumf %max3A_528, %get3A_534 : vector<16xf32>
        %swap3A_536 = arith.index_cast %scan3A_78 : i32 to index
        %swap3A_537 = arith.constant 112 : index
        %swap3A_538 = tpu.vector_load %arg6[%swap3A_536, %swap3A_537] {strides = array<i32>} : memref<64x128xf32, #tpu.memory_space<vmem>>, vector<1x16xf32>,
        %swap3A_539 = vector.shape_cast %swap3A_538 : vector<1x16xf32> to vector<16xf32>
        %swap3A_540 = vector.shape_cast %max3A_535 : vector<16xf32> to vector<1x16xf32>
        tpu.vector_store %arg6[%swap3A_536, %swap3A_537], %swap3A_540 {strides = array<i32>} : memref<64x128xf32, #tpu.memory_space<vmem>>, vector<1x16xf32>,
        %scan3A_541 = arith.constant 0 : i32
        scf.yield %scan3A_541 : i32
      }
      %scan3A_53 = arith.constant 64 : i32
      %add3A_54 = arith.constant 1344 : i32
      %add3A_55 = arith.addi %mul3A_24, %add3A_54 : i32
      %dma_start3A_56 = tpu.memref_slice %arg2[%add3A_55, %add3A_22] : memref<12544x2048xf32, #tpu.memory_space<hbm>> -> memref<448x128xf32, #tpu.memory_space<hbm>>
      %dma_start3A_57 = tpu.memref_slice %arg2[%add3A_55, %add3A_22] : memref<12544x2048xf32, #tpu.memory_space<hbm>> -> memref<448x128xf32, #tpu.memory_space<hbm>>
      tpu.enqueue_dma source(%dma_start3A_57 : memref<448x128xf32, #tpu.memory_space<hbm>>) target(%arg5 : memref<448x128xf32, #tpu.memory_space<vmem>>) target_semaphore(%arg8 : memref<!tpu.dma_semaphore, #tpu.memory_space<semaphore_mem>>)
      %dma_wait3A_58 = tpu.memref_slice %arg2[%add3A_42, %add3A_22] : memref<12544x2048xf32, #tpu.memory_space<hbm>> -> memref<448x128xf32, #tpu.memory_space<hbm>>
      %dma_wait3A_59 = tpu.memref_slice %arg2[%add3A_42, %add3A_22] : memref<12544x2048xf32, #tpu.memory_space<hbm>> -> memref<448x128xf32, #tpu.memory_space<hbm>>
      tpu.wait_dma2 semaphore(%arg7 : memref<!tpu.dma_semaphore, #tpu.memory_space<semaphore_mem>>) src(%dma_wait3A_59 : memref<448x128xf32, #tpu.memory_space<hbm>>) dst(%arg4 : memref<448x128xf32, #tpu.memory_space<vmem>>)
      %scan3A_60 = arith.constant 0 : i32
      %scan3A_61 = arith.constant 0 : i32
      %scan3A_62 = arith.constant 64 : i32
      %scan3A_63 = arith.addi %scan3A_61, %scan3A_62 : i32
      %scan3A_64 = arith.constant 1 : i32
      %scan3A_65 = scf.for %scan3A_78 = %scan3A_61 to %scan3A_63 step %scan3A_64 iter_args(%scan3A_79 = %scan3A_60) -> (i32)  : i32 {
        %get3A = arith.index_cast %scan3A_78 : i32 to index
        %get3A_80 = arith.constant 0 : index
        %get3A_81 = tpu.vector_load %arg6[%get3A, %get3A_80] {strides = array<i32>} : memref<64x128xf32, #tpu.memory_space<vmem>>, vector<1x16xf32>,
        %get3A_82 = vector.shape_cast %get3A_81 : vector<1x16xf32> to vector<16xf32>
        %add3A_83 = arith.constant 0 : i32
        %add3A_84 = arith.addi %add3A_83, %scan3A_78 : i32
        %get3A_85 = arith.index_cast %add3A_84 : i32 to index
        %get3A_86 = arith.constant 0 : index
        %get3A_87 = tpu.vector_load %arg4[%get3A_85, %get3A_86] {strides = array<i32>} : memref<448x128xf32, #tpu.memory_space<vmem>>, vector<1x16xf32>,
        %get3A_88 = vector.shape_cast %get3A_87 : vector<1x16xf32> to vector<16xf32>
        %max3A = arith.maximumf %get3A_82, %get3A_88 : vector<16xf32>
        %add3A_89 = arith.constant 64 : i32
        %add3A_90 = arith.addi %add3A_89, %scan3A_78 : i32
        %get3A_91 = arith.index_cast %add3A_90 : i32 to index
        %get3A_92 = arith.constant 0 : index
        %get3A_93 = tpu.vector_load %arg4[%get3A_91, %get3A_92] {strides = array<i32>} : memref<448x128xf32, #tpu.memory_space<vmem>>, vector<1x16xf32>,
        %get3A_94 = vector.shape_cast %get3A_93 : vector<1x16xf32> to vector<16xf32>
        %max3A_95 = arith.maximumf %max3A, %get3A_94 : vector<16xf32>
        %add3A_96 = arith.constant 128 : i32
        %add3A_97 = arith.addi %add3A_96, %scan3A_78 : i32
        %get3A_98 = arith.index_cast %add3A_97 : i32 to index
        %get3A_99 = arith.constant 0 : index
        %get3A_100 = tpu.vector_load %arg4[%get3A_98, %get3A_99] {strides = array<i32>} : memref<448x128xf32, #tpu.memory_space<vmem>>, vector<1x16xf32>,
        %get3A_101 = vector.shape_cast %get3A_100 : vector<1x16xf32> to vector<16xf32>
        %max3A_102 = arith.maximumf %max3A_95, %get3A_101 : vector<16xf32>
        %add3A_103 = arith.constant 192 : i32
        %add3A_104 = arith.addi %add3A_103, %scan3A_78 : i32
        %get3A_105 = arith.index_cast %add3A_104 : i32 to index
        %get3A_106 = arith.constant 0 : index
        %get3A_107 = tpu.vector_load %arg4[%get3A_105, %get3A_106] {strides = array<i32>} : memref<448x128xf32, #tpu.memory_space<vmem>>, vector<1x16xf32>,
        %get3A_108 = vector.shape_cast %get3A_107 : vector<1x16xf32> to vector<16xf32>
        %max3A_109 = arith.maximumf %max3A_102, %get3A_108 : vector<16xf32>
        %add3A_110 = arith.constant 256 : i32
        %add3A_111 = arith.addi %add3A_110, %scan3A_78 : i32
        %get3A_112 = arith.index_cast %add3A_111 : i32 to index
        %get3A_113 = arith.constant 0 : index
        %get3A_114 = tpu.vector_load %arg4[%get3A_112, %get3A_113] {strides = array<i32>} : memref<448x128xf32, #tpu.memory_space<vmem>>, vector<1x16xf32>,
        %get3A_115 = vector.shape_cast %get3A_114 : vector<1x16xf32> to vector<16xf32>
        %max3A_116 = arith.maximumf %max3A_109, %get3A_115 : vector<16xf32>
        %add3A_117 = arith.constant 320 : i32
        %add3A_118 = arith.addi %add3A_117, %scan3A_78 : i32
        %get3A_119 = arith.index_cast %add3A_118 : i32 to index
        %get3A_120 = arith.constant 0 : index
        %get3A_121 = tpu.vector_load %arg4[%get3A_119, %get3A_120] {strides = array<i32>} : memref<448x128xf32, #tpu.memory_space<vmem>>, vector<1x16xf32>,
        %get3A_122 = vector.shape_cast %get3A_121 : vector<1x16xf32> to vector<16xf32>
        %max3A_123 = arith.maximumf %max3A_116, %get3A_122 : vector<16xf32>
        %add3A_124 = arith.constant 384 : i32
        %add3A_125 = arith.addi %add3A_124, %scan3A_78 : i32
        %get3A_126 = arith.index_cast %add3A_125 : i32 to index
        %get3A_127 = arith.constant 0 : index
        %get3A_128 = tpu.vector_load %arg4[%get3A_126, %get3A_127] {strides = array<i32>} : memref<448x128xf32, #tpu.memory_space<vmem>>, vector<1x16xf32>,
        %get3A_129 = vector.shape_cast %get3A_128 : vector<1x16xf32> to vector<16xf32>
        %max3A_130 = arith.maximumf %max3A_123, %get3A_129 : vector<16xf32>
        %swap3A = arith.index_cast %scan3A_78 : i32 to index
        %swap3A_131 = arith.constant 0 : index
        %swap3A_132 = tpu.vector_load %arg6[%swap3A, %swap3A_131] {strides = array<i32>} : memref<64x128xf32, #tpu.memory_space<vmem>>, vector<1x16xf32>,
        %swap3A_133 = vector.shape_cast %swap3A_132 : vector<1x16xf32> to vector<16xf32>
        %swap3A_134 = vector.shape_cast %max3A_130 : vector<16xf32> to vector<1x16xf32>
        tpu.vector_store %arg6[%swap3A, %swap3A_131], %swap3A_134 {strides = array<i32>} : memref<64x128xf32, #tpu.memory_space<vmem>>, vector<1x16xf32>,
        %get3A_135 = arith.index_cast %scan3A_78 : i32 to index
        %get3A_136 = arith.constant 16 : index
        %get3A_137 = tpu.vector_load %arg6[%get3A_135, %get3A_136] {strides = array<i32>} : memref<64x128xf32, #tpu.memory_space<vmem>>, vector<1x16xf32>,
        %get3A_138 = vector.shape_cast %get3A_137 : vector<1x16xf32> to vector<16xf32>
        %add3A_139 = arith.constant 0 : i32
        %add3A_140 = arith.addi %add3A_139, %scan3A_78 : i32
        %get3A_141 = arith.index_cast %add3A_140 : i32 to index
        %get3A_142 = arith.constant 16 : index
        %get3A_143 = tpu.vector_load %arg4[%get3A_141, %get3A_142] {strides = array<i32>} : memref<448x128xf32, #tpu.memory_space<vmem>>, vector<1x16xf32>,
        %get3A_144 = vector.shape_cast %get3A_143 : vector<1x16xf32> to vector<16xf32>
        %max3A_145 = arith.maximumf %get3A_138, %get3A_144 : vector<16xf32>
        %add3A_146 = arith.constant 64 : i32
        %add3A_147 = arith.addi %add3A_146, %scan3A_78 : i32
        %get3A_148 = arith.index_cast %add3A_147 : i32 to index
        %get3A_149 = arith.constant 16 : index
        %get3A_150 = tpu.vector_load %arg4[%get3A_148, %get3A_149] {strides = array<i32>} : memref<448x128xf32, #tpu.memory_space<vmem>>, vector<1x16xf32>,
        %get3A_151 = vector.shape_cast %get3A_150 : vector<1x16xf32> to vector<16xf32>
        %max3A_152 = arith.maximumf %max3A_145, %get3A_151 : vector<16xf32>
        %add3A_153 = arith.constant 128 : i32
        %add3A_154 = arith.addi %add3A_153, %scan3A_78 : i32
        %get3A_155 = arith.index_cast %add3A_154 : i32 to index
        %get3A_156 = arith.constant 16 : index
        %get3A_157 = tpu.vector_load %arg4[%get3A_155, %get3A_156] {strides = array<i32>} : memref<448x128xf32, #tpu.memory_space<vmem>>, vector<1x16xf32>,
        %get3A_158 = vector.shape_cast %get3A_157 : vector<1x16xf32> to vector<16xf32>
        %max3A_159 = arith.maximumf %max3A_152, %get3A_158 : vector<16xf32>
        %add3A_160 = arith.constant 192 : i32
        %add3A_161 = arith.addi %add3A_160, %scan3A_78 : i32
        %get3A_162 = arith.index_cast %add3A_161 : i32 to index
        %get3A_163 = arith.constant 16 : index
        %get3A_164 = tpu.vector_load %arg4[%get3A_162, %get3A_163] {strides = array<i32>} : memref<448x128xf32, #tpu.memory_space<vmem>>, vector<1x16xf32>,
        %get3A_165 = vector.shape_cast %get3A_164 : vector<1x16xf32> to vector<16xf32>
        %max3A_166 = arith.maximumf %max3A_159, %get3A_165 : vector<16xf32>
        %add3A_167 = arith.constant 256 : i32
        %add3A_168 = arith.addi %add3A_167, %scan3A_78 : i32
        %get3A_169 = arith.index_cast %add3A_168 : i32 to index
        %get3A_170 = arith.constant 16 : index
        %get3A_171 = tpu.vector_load %arg4[%get3A_169, %get3A_170] {strides = array<i32>} : memref<448x128xf32, #tpu.memory_space<vmem>>, vector<1x16xf32>,
        %get3A_172 = vector.shape_cast %get3A_171 : vector<1x16xf32> to vector<16xf32>
        %max3A_173 = arith.maximumf %max3A_166, %get3A_172 : vector<16xf32>
        %add3A_174 = arith.constant 320 : i32
        %add3A_175 = arith.addi %add3A_174, %scan3A_78 : i32
        %get3A_176 = arith.index_cast %add3A_175 : i32 to index
        %get3A_177 = arith.constant 16 : index
        %get3A_178 = tpu.vector_load %arg4[%get3A_176, %get3A_177] {strides = array<i32>} : memref<448x128xf32, #tpu.memory_space<vmem>>, vector<1x16xf32>,
        %get3A_179 = vector.shape_cast %get3A_178 : vector<1x16xf32> to vector<16xf32>
        %max3A_180 = arith.maximumf %max3A_173, %get3A_179 : vector<16xf32>
        %add3A_181 = arith.constant 384 : i32
        %add3A_182 = arith.addi %add3A_181, %scan3A_78 : i32
        %get3A_183 = arith.index_cast %add3A_182 : i32 to index
        %get3A_184 = arith.constant 16 : index
        %get3A_185 = tpu.vector_load %arg4[%get3A_183, %get3A_184] {strides = array<i32>} : memref<448x128xf32, #tpu.memory_space<vmem>>, vector<1x16xf32>,
        %get3A_186 = vector.shape_cast %get3A_185 : vector<1x16xf32> to vector<16xf32>
        %max3A_187 = arith.maximumf %max3A_180, %get3A_186 : vector<16xf32>
        %swap3A_188 = arith.index_cast %scan3A_78 : i32 to index
        %swap3A_189 = arith.constant 16 : index
        %swap3A_190 = tpu.vector_load %arg6[%swap3A_188, %swap3A_189] {strides = array<i32>} : memref<64x128xf32, #tpu.memory_space<vmem>>, vector<1x16xf32>,
        %swap3A_191 = vector.shape_cast %swap3A_190 : vector<1x16xf32> to vector<16xf32>
        %swap3A_192 = vector.shape_cast %max3A_187 : vector<16xf32> to vector<1x16xf32>
        tpu.vector_store %arg6[%swap3A_188, %swap3A_189], %swap3A_192 {strides = array<i32>} : memref<64x128xf32, #tpu.memory_space<vmem>>, vector<1x16xf32>,
        %get3A_193 = arith.index_cast %scan3A_78 : i32 to index
        %get3A_194 = arith.constant 32 : index
        %get3A_195 = tpu.vector_load %arg6[%get3A_193, %get3A_194] {strides = array<i32>} : memref<64x128xf32, #tpu.memory_space<vmem>>, vector<1x16xf32>,
        %get3A_196 = vector.shape_cast %get3A_195 : vector<1x16xf32> to vector<16xf32>
        %add3A_197 = arith.constant 0 : i32
        %add3A_198 = arith.addi %add3A_197, %scan3A_78 : i32
        %get3A_199 = arith.index_cast %add3A_198 : i32 to index
        %get3A_200 = arith.constant 32 : index
        %get3A_201 = tpu.vector_load %arg4[%get3A_199, %get3A_200] {strides = array<i32>} : memref<448x128xf32, #tpu.memory_space<vmem>>, vector<1x16xf32>,
        %get3A_202 = vector.shape_cast %get3A_201 : vector<1x16xf32> to vector<16xf32>
        %max3A_203 = arith.maximumf %get3A_196, %get3A_202 : vector<16xf32>
        %add3A_204 = arith.constant 64 : i32
        %add3A_205 = arith.addi %add3A_204, %scan3A_78 : i32
        %get3A_206 = arith.index_cast %add3A_205 : i32 to index
        %get3A_207 = arith.constant 32 : index
        %get3A_208 = tpu.vector_load %arg4[%get3A_206, %get3A_207] {strides = array<i32>} : memref<448x128xf32, #tpu.memory_space<vmem>>, vector<1x16xf32>,
        %get3A_209 = vector.shape_cast %get3A_208 : vector<1x16xf32> to vector<16xf32>
        %max3A_210 = arith.maximumf %max3A_203, %get3A_209 : vector<16xf32>
        %add3A_211 = arith.constant 128 : i32
        %add3A_212 = arith.addi %add3A_211, %scan3A_78 : i32
        %get3A_213 = arith.index_cast %add3A_212 : i32 to index
        %get3A_214 = arith.constant 32 : index
        %get3A_215 = tpu.vector_load %arg4[%get3A_213, %get3A_214] {strides = array<i32>} : memref<448x128xf32, #tpu.memory_space<vmem>>, vector<1x16xf32>,
        %get3A_216 = vector.shape_cast %get3A_215 : vector<1x16xf32> to vector<16xf32>
        %max3A_217 = arith.maximumf %max3A_210, %get3A_216 : vector<16xf32>
        %add3A_218 = arith.constant 192 : i32
        %add3A_219 = arith.addi %add3A_218, %scan3A_78 : i32
        %get3A_220 = arith.index_cast %add3A_219 : i32 to index
        %get3A_221 = arith.constant 32 : index
        %get3A_222 = tpu.vector_load %arg4[%get3A_220, %get3A_221] {strides = array<i32>} : memref<448x128xf32, #tpu.memory_space<vmem>>, vector<1x16xf32>,
        %get3A_223 = vector.shape_cast %get3A_222 : vector<1x16xf32> to vector<16xf32>
        %max3A_224 = arith.maximumf %max3A_217, %get3A_223 : vector<16xf32>
        %add3A_225 = arith.constant 256 : i32
        %add3A_226 = arith.addi %add3A_225, %scan3A_78 : i32
        %get3A_227 = arith.index_cast %add3A_226 : i32 to index
        %get3A_228 = arith.constant 32 : index
        %get3A_229 = tpu.vector_load %arg4[%get3A_227, %get3A_228] {strides = array<i32>} : memref<448x128xf32, #tpu.memory_space<vmem>>, vector<1x16xf32>,
        %get3A_230 = vector.shape_cast %get3A_229 : vector<1x16xf32> to vector<16xf32>
        %max3A_231 = arith.maximumf %max3A_224, %get3A_230 : vector<16xf32>
        %add3A_232 = arith.constant 320 : i32
        %add3A_233 = arith.addi %add3A_232, %scan3A_78 : i32
        %get3A_234 = arith.index_cast %add3A_233 : i32 to index
        %get3A_235 = arith.constant 32 : index
        %get3A_236 = tpu.vector_load %arg4[%get3A_234, %get3A_235] {strides = array<i32>} : memref<448x128xf32, #tpu.memory_space<vmem>>, vector<1x16xf32>,
        %get3A_237 = vector.shape_cast %get3A_236 : vector<1x16xf32> to vector<16xf32>
        %max3A_238 = arith.maximumf %max3A_231, %get3A_237 : vector<16xf32>
        %add3A_239 = arith.constant 384 : i32
        %add3A_240 = arith.addi %add3A_239, %scan3A_78 : i32
        %get3A_241 = arith.index_cast %add3A_240 : i32 to index
        %get3A_242 = arith.constant 32 : index
        %get3A_243 = tpu.vector_load %arg4[%get3A_241, %get3A_242] {strides = array<i32>} : memref<448x128xf32, #tpu.memory_space<vmem>>, vector<1x16xf32>,
        %get3A_244 = vector.shape_cast %get3A_243 : vector<1x16xf32> to vector<16xf32>
        %max3A_245 = arith.maximumf %max3A_238, %get3A_244 : vector<16xf32>
        %swap3A_246 = arith.index_cast %scan3A_78 : i32 to index
        %swap3A_247 = arith.constant 32 : index
        %swap3A_248 = tpu.vector_load %arg6[%swap3A_246, %swap3A_247] {strides = array<i32>} : memref<64x128xf32, #tpu.memory_space<vmem>>, vector<1x16xf32>,
        %swap3A_249 = vector.shape_cast %swap3A_248 : vector<1x16xf32> to vector<16xf32>
        %swap3A_250 = vector.shape_cast %max3A_245 : vector<16xf32> to vector<1x16xf32>
        tpu.vector_store %arg6[%swap3A_246, %swap3A_247], %swap3A_250 {strides = array<i32>} : memref<64x128xf32, #tpu.memory_space<vmem>>, vector<1x16xf32>,
        %get3A_251 = arith.index_cast %scan3A_78 : i32 to index
        %get3A_252 = arith.constant 48 : index
        %get3A_253 = tpu.vector_load %arg6[%get3A_251, %get3A_252] {strides = array<i32>} : memref<64x128xf32, #tpu.memory_space<vmem>>, vector<1x16xf32>,
        %get3A_254 = vector.shape_cast %get3A_253 : vector<1x16xf32> to vector<16xf32>
        %add3A_255 = arith.constant 0 : i32
        %add3A_256 = arith.addi %add3A_255, %scan3A_78 : i32
        %get3A_257 = arith.index_cast %add3A_256 : i32 to index
        %get3A_258 = arith.constant 48 : index
        %get3A_259 = tpu.vector_load %arg4[%get3A_257, %get3A_258] {strides = array<i32>} : memref<448x128xf32, #tpu.memory_space<vmem>>, vector<1x16xf32>,
        %get3A_260 = vector.shape_cast %get3A_259 : vector<1x16xf32> to vector<16xf32>
        %max3A_261 = arith.maximumf %get3A_254, %get3A_260 : vector<16xf32>
        %add3A_262 = arith.constant 64 : i32
        %add3A_263 = arith.addi %add3A_262, %scan3A_78 : i32
        %get3A_264 = arith.index_cast %add3A_263 : i32 to index
        %get3A_265 = arith.constant 48 : index
        %get3A_266 = tpu.vector_load %arg4[%get3A_264, %get3A_265] {strides = array<i32>} : memref<448x128xf32, #tpu.memory_space<vmem>>, vector<1x16xf32>,
        %get3A_267 = vector.shape_cast %get3A_266 : vector<1x16xf32> to vector<16xf32>
        %max3A_268 = arith.maximumf %max3A_261, %get3A_267 : vector<16xf32>
        %add3A_269 = arith.constant 128 : i32
        %add3A_270 = arith.addi %add3A_269, %scan3A_78 : i32
        %get3A_271 = arith.index_cast %add3A_270 : i32 to index
        %get3A_272 = arith.constant 48 : index
        %get3A_273 = tpu.vector_load %arg4[%get3A_271, %get3A_272] {strides = array<i32>} : memref<448x128xf32, #tpu.memory_space<vmem>>, vector<1x16xf32>,
        %get3A_274 = vector.shape_cast %get3A_273 : vector<1x16xf32> to vector<16xf32>
        %max3A_275 = arith.maximumf %max3A_268, %get3A_274 : vector<16xf32>
        %add3A_276 = arith.constant 192 : i32
        %add3A_277 = arith.addi %add3A_276, %scan3A_78 : i32
        %get3A_278 = arith.index_cast %add3A_277 : i32 to index
        %get3A_279 = arith.constant 48 : index
        %get3A_280 = tpu.vector_load %arg4[%get3A_278, %get3A_279] {strides = array<i32>} : memref<448x128xf32, #tpu.memory_space<vmem>>, vector<1x16xf32>,
        %get3A_281 = vector.shape_cast %get3A_280 : vector<1x16xf32> to vector<16xf32>
        %max3A_282 = arith.maximumf %max3A_275, %get3A_281 : vector<16xf32>
        %add3A_283 = arith.constant 256 : i32
        %add3A_284 = arith.addi %add3A_283, %scan3A_78 : i32
        %get3A_285 = arith.index_cast %add3A_284 : i32 to index
        %get3A_286 = arith.constant 48 : index
        %get3A_287 = tpu.vector_load %arg4[%get3A_285, %get3A_286] {strides = array<i32>} : memref<448x128xf32, #tpu.memory_space<vmem>>, vector<1x16xf32>,
        %get3A_288 = vector.shape_cast %get3A_287 : vector<1x16xf32> to vector<16xf32>
        %max3A_289 = arith.maximumf %max3A_282, %get3A_288 : vector<16xf32>
        %add3A_290 = arith.constant 320 : i32
        %add3A_291 = arith.addi %add3A_290, %scan3A_78 : i32
        %get3A_292 = arith.index_cast %add3A_291 : i32 to index
        %get3A_293 = arith.constant 48 : index
        %get3A_294 = tpu.vector_load %arg4[%get3A_292, %get3A_293] {strides = array<i32>} : memref<448x128xf32, #tpu.memory_space<vmem>>, vector<1x16xf32>,
        %get3A_295 = vector.shape_cast %get3A_294 : vector<1x16xf32> to vector<16xf32>
        %max3A_296 = arith.maximumf %max3A_289, %get3A_295 : vector<16xf32>
        %add3A_297 = arith.constant 384 : i32
        %add3A_298 = arith.addi %add3A_297, %scan3A_78 : i32
        %get3A_299 = arith.index_cast %add3A_298 : i32 to index
        %get3A_300 = arith.constant 48 : index
        %get3A_301 = tpu.vector_load %arg4[%get3A_299, %get3A_300] {strides = array<i32>} : memref<448x128xf32, #tpu.memory_space<vmem>>, vector<1x16xf32>,
        %get3A_302 = vector.shape_cast %get3A_301 : vector<1x16xf32> to vector<16xf32>
        %max3A_303 = arith.maximumf %max3A_296, %get3A_302 : vector<16xf32>
        %swap3A_304 = arith.index_cast %scan3A_78 : i32 to index
        %swap3A_305 = arith.constant 48 : index
        %swap3A_306 = tpu.vector_load %arg6[%swap3A_304, %swap3A_305] {strides = array<i32>} : memref<64x128xf32, #tpu.memory_space<vmem>>, vector<1x16xf32>,
        %swap3A_307 = vector.shape_cast %swap3A_306 : vector<1x16xf32> to vector<16xf32>
        %swap3A_308 = vector.shape_cast %max3A_303 : vector<16xf32> to vector<1x16xf32>
        tpu.vector_store %arg6[%swap3A_304, %swap3A_305], %swap3A_308 {strides = array<i32>} : memref<64x128xf32, #tpu.memory_space<vmem>>, vector<1x16xf32>,
        %get3A_309 = arith.index_cast %scan3A_78 : i32 to index
        %get3A_310 = arith.constant 64 : index
        %get3A_311 = tpu.vector_load %arg6[%get3A_309, %get3A_310] {strides = array<i32>} : memref<64x128xf32, #tpu.memory_space<vmem>>, vector<1x16xf32>,
        %get3A_312 = vector.shape_cast %get3A_311 : vector<1x16xf32> to vector<16xf32>
        %add3A_313 = arith.constant 0 : i32
        %add3A_314 = arith.addi %add3A_313, %scan3A_78 : i32
        %get3A_315 = arith.index_cast %add3A_314 : i32 to index
        %get3A_316 = arith.constant 64 : index
        %get3A_317 = tpu.vector_load %arg4[%get3A_315, %get3A_316] {strides = array<i32>} : memref<448x128xf32, #tpu.memory_space<vmem>>, vector<1x16xf32>,
        %get3A_318 = vector.shape_cast %get3A_317 : vector<1x16xf32> to vector<16xf32>
        %max3A_319 = arith.maximumf %get3A_312, %get3A_318 : vector<16xf32>
        %add3A_320 = arith.constant 64 : i32
        %add3A_321 = arith.addi %add3A_320, %scan3A_78 : i32
        %get3A_322 = arith.index_cast %add3A_321 : i32 to index
        %get3A_323 = arith.constant 64 : index
        %get3A_324 = tpu.vector_load %arg4[%get3A_322, %get3A_323] {strides = array<i32>} : memref<448x128xf32, #tpu.memory_space<vmem>>, vector<1x16xf32>,
        %get3A_325 = vector.shape_cast %get3A_324 : vector<1x16xf32> to vector<16xf32>
        %max3A_326 = arith.maximumf %max3A_319, %get3A_325 : vector<16xf32>
        %add3A_327 = arith.constant 128 : i32
        %add3A_328 = arith.addi %add3A_327, %scan3A_78 : i32
        %get3A_329 = arith.index_cast %add3A_328 : i32 to index
        %get3A_330 = arith.constant 64 : index
        %get3A_331 = tpu.vector_load %arg4[%get3A_329, %get3A_330] {strides = array<i32>} : memref<448x128xf32, #tpu.memory_space<vmem>>, vector<1x16xf32>,
        %get3A_332 = vector.shape_cast %get3A_331 : vector<1x16xf32> to vector<16xf32>
        %max3A_333 = arith.maximumf %max3A_326, %get3A_332 : vector<16xf32>
        %add3A_334 = arith.constant 192 : i32
        %add3A_335 = arith.addi %add3A_334, %scan3A_78 : i32
        %get3A_336 = arith.index_cast %add3A_335 : i32 to index
        %get3A_337 = arith.constant 64 : index
        %get3A_338 = tpu.vector_load %arg4[%get3A_336, %get3A_337] {strides = array<i32>} : memref<448x128xf32, #tpu.memory_space<vmem>>, vector<1x16xf32>,
        %get3A_339 = vector.shape_cast %get3A_338 : vector<1x16xf32> to vector<16xf32>
        %max3A_340 = arith.maximumf %max3A_333, %get3A_339 : vector<16xf32>
        %add3A_341 = arith.constant 256 : i32
        %add3A_342 = arith.addi %add3A_341, %scan3A_78 : i32
        %get3A_343 = arith.index_cast %add3A_342 : i32 to index
        %get3A_344 = arith.constant 64 : index
        %get3A_345 = tpu.vector_load %arg4[%get3A_343, %get3A_344] {strides = array<i32>} : memref<448x128xf32, #tpu.memory_space<vmem>>, vector<1x16xf32>,
        %get3A_346 = vector.shape_cast %get3A_345 : vector<1x16xf32> to vector<16xf32>
        %max3A_347 = arith.maximumf %max3A_340, %get3A_346 : vector<16xf32>
        %add3A_348 = arith.constant 320 : i32
        %add3A_349 = arith.addi %add3A_348, %scan3A_78 : i32
        %get3A_350 = arith.index_cast %add3A_349 : i32 to index
        %get3A_351 = arith.constant 64 : index
        %get3A_352 = tpu.vector_load %arg4[%get3A_350, %get3A_351] {strides = array<i32>} : memref<448x128xf32, #tpu.memory_space<vmem>>, vector<1x16xf32>,
        %get3A_353 = vector.shape_cast %get3A_352 : vector<1x16xf32> to vector<16xf32>
        %max3A_354 = arith.maximumf %max3A_347, %get3A_353 : vector<16xf32>
        %add3A_355 = arith.constant 384 : i32
        %add3A_356 = arith.addi %add3A_355, %scan3A_78 : i32
        %get3A_357 = arith.index_cast %add3A_356 : i32 to index
        %get3A_358 = arith.constant 64 : index
        %get3A_359 = tpu.vector_load %arg4[%get3A_357, %get3A_358] {strides = array<i32>} : memref<448x128xf32, #tpu.memory_space<vmem>>, vector<1x16xf32>,
        %get3A_360 = vector.shape_cast %get3A_359 : vector<1x16xf32> to vector<16xf32>
        %max3A_361 = arith.maximumf %max3A_354, %get3A_360 : vector<16xf32>
        %swap3A_362 = arith.index_cast %scan3A_78 : i32 to index
        %swap3A_363 = arith.constant 64 : index
        %swap3A_364 = tpu.vector_load %arg6[%swap3A_362, %swap3A_363] {strides = array<i32>} : memref<64x128xf32, #tpu.memory_space<vmem>>, vector<1x16xf32>,
        %swap3A_365 = vector.shape_cast %swap3A_364 : vector<1x16xf32> to vector<16xf32>
        %swap3A_366 = vector.shape_cast %max3A_361 : vector<16xf32> to vector<1x16xf32>
        tpu.vector_store %arg6[%swap3A_362, %swap3A_363], %swap3A_366 {strides = array<i32>} : memref<64x128xf32, #tpu.memory_space<vmem>>, vector<1x16xf32>,
        %get3A_367 = arith.index_cast %scan3A_78 : i32 to index
        %get3A_368 = arith.constant 80 : index
        %get3A_369 = tpu.vector_load %arg6[%get3A_367, %get3A_368] {strides = array<i32>} : memref<64x128xf32, #tpu.memory_space<vmem>>, vector<1x16xf32>,
        %get3A_370 = vector.shape_cast %get3A_369 : vector<1x16xf32> to vector<16xf32>
        %add3A_371 = arith.constant 0 : i32
        %add3A_372 = arith.addi %add3A_371, %scan3A_78 : i32
        %get3A_373 = arith.index_cast %add3A_372 : i32 to index
        %get3A_374 = arith.constant 80 : index
        %get3A_375 = tpu.vector_load %arg4[%get3A_373, %get3A_374] {strides = array<i32>} : memref<448x128xf32, #tpu.memory_space<vmem>>, vector<1x16xf32>,
        %get3A_376 = vector.shape_cast %get3A_375 : vector<1x16xf32> to vector<16xf32>
        %max3A_377 = arith.maximumf %get3A_370, %get3A_376 : vector<16xf32>
        %add3A_378 = arith.constant 64 : i32
        %add3A_379 = arith.addi %add3A_378, %scan3A_78 : i32
        %get3A_380 = arith.index_cast %add3A_379 : i32 to index
        %get3A_381 = arith.constant 80 : index
        %get3A_382 = tpu.vector_load %arg4[%get3A_380, %get3A_381] {strides = array<i32>} : memref<448x128xf32, #tpu.memory_space<vmem>>, vector<1x16xf32>,
        %get3A_383 = vector.shape_cast %get3A_382 : vector<1x16xf32> to vector<16xf32>
        %max3A_384 = arith.maximumf %max3A_377, %get3A_383 : vector<16xf32>
        %add3A_385 = arith.constant 128 : i32
        %add3A_386 = arith.addi %add3A_385, %scan3A_78 : i32
        %get3A_387 = arith.index_cast %add3A_386 : i32 to index
        %get3A_388 = arith.constant 80 : index
        %get3A_389 = tpu.vector_load %arg4[%get3A_387, %get3A_388] {strides = array<i32>} : memref<448x128xf32, #tpu.memory_space<vmem>>, vector<1x16xf32>,
        %get3A_390 = vector.shape_cast %get3A_389 : vector<1x16xf32> to vector<16xf32>
        %max3A_391 = arith.maximumf %max3A_384, %get3A_390 : vector<16xf32>
        %add3A_392 = arith.constant 192 : i32
        %add3A_393 = arith.addi %add3A_392, %scan3A_78 : i32
        %get3A_394 = arith.index_cast %add3A_393 : i32 to index
        %get3A_395 = arith.constant 80 : index
        %get3A_396 = tpu.vector_load %arg4[%get3A_394, %get3A_395] {strides = array<i32>} : memref<448x128xf32, #tpu.memory_space<vmem>>, vector<1x16xf32>,
        %get3A_397 = vector.shape_cast %get3A_396 : vector<1x16xf32> to vector<16xf32>
        %max3A_398 = arith.maximumf %max3A_391, %get3A_397 : vector<16xf32>
        %add3A_399 = arith.constant 256 : i32
        %add3A_400 = arith.addi %add3A_399, %scan3A_78 : i32
        %get3A_401 = arith.index_cast %add3A_400 : i32 to index
        %get3A_402 = arith.constant 80 : index
        %get3A_403 = tpu.vector_load %arg4[%get3A_401, %get3A_402] {strides = array<i32>} : memref<448x128xf32, #tpu.memory_space<vmem>>, vector<1x16xf32>,
        %get3A_404 = vector.shape_cast %get3A_403 : vector<1x16xf32> to vector<16xf32>
        %max3A_405 = arith.maximumf %max3A_398, %get3A_404 : vector<16xf32>
        %add3A_406 = arith.constant 320 : i32
        %add3A_407 = arith.addi %add3A_406, %scan3A_78 : i32
        %get3A_408 = arith.index_cast %add3A_407 : i32 to index
        %get3A_409 = arith.constant 80 : index
        %get3A_410 = tpu.vector_load %arg4[%get3A_408, %get3A_409] {strides = array<i32>} : memref<448x128xf32, #tpu.memory_space<vmem>>, vector<1x16xf32>,
        %get3A_411 = vector.shape_cast %get3A_410 : vector<1x16xf32> to vector<16xf32>
        %max3A_412 = arith.maximumf %max3A_405, %get3A_411 : vector<16xf32>
        %add3A_413 = arith.constant 384 : i32
        %add3A_414 = arith.addi %add3A_413, %scan3A_78 : i32
        %get3A_415 = arith.index_cast %add3A_414 : i32 to index
        %get3A_416 = arith.constant 80 : index
        %get3A_417 = tpu.vector_load %arg4[%get3A_415, %get3A_416] {strides = array<i32>} : memref<448x128xf32, #tpu.memory_space<vmem>>, vector<1x16xf32>,
        %get3A_418 = vector.shape_cast %get3A_417 : vector<1x16xf32> to vector<16xf32>
        %max3A_419 = arith.maximumf %max3A_412, %get3A_418 : vector<16xf32>
        %swap3A_420 = arith.index_cast %scan3A_78 : i32 to index
        %swap3A_421 = arith.constant 80 : index
        %swap3A_422 = tpu.vector_load %arg6[%swap3A_420, %swap3A_421] {strides = array<i32>} : memref<64x128xf32, #tpu.memory_space<vmem>>, vector<1x16xf32>,
        %swap3A_423 = vector.shape_cast %swap3A_422 : vector<1x16xf32> to vector<16xf32>
        %swap3A_424 = vector.shape_cast %max3A_419 : vector<16xf32> to vector<1x16xf32>
        tpu.vector_store %arg6[%swap3A_420, %swap3A_421], %swap3A_424 {strides = array<i32>} : memref<64x128xf32, #tpu.memory_space<vmem>>, vector<1x16xf32>,
        %get3A_425 = arith.index_cast %scan3A_78 : i32 to index
        %get3A_426 = arith.constant 96 : index
        %get3A_427 = tpu.vector_load %arg6[%get3A_425, %get3A_426] {strides = array<i32>} : memref<64x128xf32, #tpu.memory_space<vmem>>, vector<1x16xf32>,
        %get3A_428 = vector.shape_cast %get3A_427 : vector<1x16xf32> to vector<16xf32>
        %add3A_429 = arith.constant 0 : i32
        %add3A_430 = arith.addi %add3A_429, %scan3A_78 : i32
        %get3A_431 = arith.index_cast %add3A_430 : i32 to index
        %get3A_432 = arith.constant 96 : index
        %get3A_433 = tpu.vector_load %arg4[%get3A_431, %get3A_432] {strides = array<i32>} : memref<448x128xf32, #tpu.memory_space<vmem>>, vector<1x16xf32>,
        %get3A_434 = vector.shape_cast %get3A_433 : vector<1x16xf32> to vector<16xf32>
        %max3A_435 = arith.maximumf %get3A_428, %get3A_434 : vector<16xf32>
        %add3A_436 = arith.constant 64 : i32
        %add3A_437 = arith.addi %add3A_436, %scan3A_78 : i32
        %get3A_438 = arith.index_cast %add3A_437 : i32 to index
        %get3A_439 = arith.constant 96 : index
        %get3A_440 = tpu.vector_load %arg4[%get3A_438, %get3A_439] {strides = array<i32>} : memref<448x128xf32, #tpu.memory_space<vmem>>, vector<1x16xf32>,
        %get3A_441 = vector.shape_cast %get3A_440 : vector<1x16xf32> to vector<16xf32>
        %max3A_442 = arith.maximumf %max3A_435, %get3A_441 : vector<16xf32>
        %add3A_443 = arith.constant 128 : i32
        %add3A_444 = arith.addi %add3A_443, %scan3A_78 : i32
        %get3A_445 = arith.index_cast %add3A_444 : i32 to index
        %get3A_446 = arith.constant 96 : index
        %get3A_447 = tpu.vector_load %arg4[%get3A_445, %get3A_446] {strides = array<i32>} : memref<448x128xf32, #tpu.memory_space<vmem>>, vector<1x16xf32>,
        %get3A_448 = vector.shape_cast %get3A_447 : vector<1x16xf32> to vector<16xf32>
        %max3A_449 = arith.maximumf %max3A_442, %get3A_448 : vector<16xf32>
        %add3A_450 = arith.constant 192 : i32
        %add3A_451 = arith.addi %add3A_450, %scan3A_78 : i32
        %get3A_452 = arith.index_cast %add3A_451 : i32 to index
        %get3A_453 = arith.constant 96 : index
        %get3A_454 = tpu.vector_load %arg4[%get3A_452, %get3A_453] {strides = array<i32>} : memref<448x128xf32, #tpu.memory_space<vmem>>, vector<1x16xf32>,
        %get3A_455 = vector.shape_cast %get3A_454 : vector<1x16xf32> to vector<16xf32>
        %max3A_456 = arith.maximumf %max3A_449, %get3A_455 : vector<16xf32>
        %add3A_457 = arith.constant 256 : i32
        %add3A_458 = arith.addi %add3A_457, %scan3A_78 : i32
        %get3A_459 = arith.index_cast %add3A_458 : i32 to index
        %get3A_460 = arith.constant 96 : index
        %get3A_461 = tpu.vector_load %arg4[%get3A_459, %get3A_460] {strides = array<i32>} : memref<448x128xf32, #tpu.memory_space<vmem>>, vector<1x16xf32>,
        %get3A_462 = vector.shape_cast %get3A_461 : vector<1x16xf32> to vector<16xf32>
        %max3A_463 = arith.maximumf %max3A_456, %get3A_462 : vector<16xf32>
        %add3A_464 = arith.constant 320 : i32
        %add3A_465 = arith.addi %add3A_464, %scan3A_78 : i32
        %get3A_466 = arith.index_cast %add3A_465 : i32 to index
        %get3A_467 = arith.constant 96 : index
        %get3A_468 = tpu.vector_load %arg4[%get3A_466, %get3A_467] {strides = array<i32>} : memref<448x128xf32, #tpu.memory_space<vmem>>, vector<1x16xf32>,
        %get3A_469 = vector.shape_cast %get3A_468 : vector<1x16xf32> to vector<16xf32>
        %max3A_470 = arith.maximumf %max3A_463, %get3A_469 : vector<16xf32>
        %add3A_471 = arith.constant 384 : i32
        %add3A_472 = arith.addi %add3A_471, %scan3A_78 : i32
        %get3A_473 = arith.index_cast %add3A_472 : i32 to index
        %get3A_474 = arith.constant 96 : index
        %get3A_475 = tpu.vector_load %arg4[%get3A_473, %get3A_474] {strides = array<i32>} : memref<448x128xf32, #tpu.memory_space<vmem>>, vector<1x16xf32>,
        %get3A_476 = vector.shape_cast %get3A_475 : vector<1x16xf32> to vector<16xf32>
        %max3A_477 = arith.maximumf %max3A_470, %get3A_476 : vector<16xf32>
        %swap3A_478 = arith.index_cast %scan3A_78 : i32 to index
        %swap3A_479 = arith.constant 96 : index
        %swap3A_480 = tpu.vector_load %arg6[%swap3A_478, %swap3A_479] {strides = array<i32>} : memref<64x128xf32, #tpu.memory_space<vmem>>, vector<1x16xf32>,
        %swap3A_481 = vector.shape_cast %swap3A_480 : vector<1x16xf32> to vector<16xf32>
        %swap3A_482 = vector.shape_cast %max3A_477 : vector<16xf32> to vector<1x16xf32>
        tpu.vector_store %arg6[%swap3A_478, %swap3A_479], %swap3A_482 {strides = array<i32>} : memref<64x128xf32, #tpu.memory_space<vmem>>, vector<1x16xf32>,
        %get3A_483 = arith.index_cast %scan3A_78 : i32 to index
        %get3A_484 = arith.constant 112 : index
        %get3A_485 = tpu.vector_load %arg6[%get3A_483, %get3A_484] {strides = array<i32>} : memref<64x128xf32, #tpu.memory_space<vmem>>, vector<1x16xf32>,
        %get3A_486 = vector.shape_cast %get3A_485 : vector<1x16xf32> to vector<16xf32>
        %add3A_487 = arith.constant 0 : i32
        %add3A_488 = arith.addi %add3A_487, %scan3A_78 : i32
        %get3A_489 = arith.index_cast %add3A_488 : i32 to index
        %get3A_490 = arith.constant 112 : index
        %get3A_491 = tpu.vector_load %arg4[%get3A_489, %get3A_490] {strides = array<i32>} : memref<448x128xf32, #tpu.memory_space<vmem>>, vector<1x16xf32>,
        %get3A_492 = vector.shape_cast %get3A_491 : vector<1x16xf32> to vector<16xf32>
        %max3A_493 = arith.maximumf %get3A_486, %get3A_492 : vector<16xf32>
        %add3A_494 = arith.constant 64 : i32
        %add3A_495 = arith.addi %add3A_494, %scan3A_78 : i32
        %get3A_496 = arith.index_cast %add3A_495 : i32 to index
        %get3A_497 = arith.constant 112 : index
        %get3A_498 = tpu.vector_load %arg4[%get3A_496, %get3A_497] {strides = array<i32>} : memref<448x128xf32, #tpu.memory_space<vmem>>, vector<1x16xf32>,
        %get3A_499 = vector.shape_cast %get3A_498 : vector<1x16xf32> to vector<16xf32>
        %max3A_500 = arith.maximumf %max3A_493, %get3A_499 : vector<16xf32>
        %add3A_501 = arith.constant 128 : i32
        %add3A_502 = arith.addi %add3A_501, %scan3A_78 : i32
        %get3A_503 = arith.index_cast %add3A_502 : i32 to index
        %get3A_504 = arith.constant 112 : index
        %get3A_505 = tpu.vector_load %arg4[%get3A_503, %get3A_504] {strides = array<i32>} : memref<448x128xf32, #tpu.memory_space<vmem>>, vector<1x16xf32>,
        %get3A_506 = vector.shape_cast %get3A_505 : vector<1x16xf32> to vector<16xf32>
        %max3A_507 = arith.maximumf %max3A_500, %get3A_506 : vector<16xf32>
        %add3A_508 = arith.constant 192 : i32
        %add3A_509 = arith.addi %add3A_508, %scan3A_78 : i32
        %get3A_510 = arith.index_cast %add3A_509 : i32 to index
        %get3A_511 = arith.constant 112 : index
        %get3A_512 = tpu.vector_load %arg4[%get3A_510, %get3A_511] {strides = array<i32>} : memref<448x128xf32, #tpu.memory_space<vmem>>, vector<1x16xf32>,
        %get3A_513 = vector.shape_cast %get3A_512 : vector<1x16xf32> to vector<16xf32>
        %max3A_514 = arith.maximumf %max3A_507, %get3A_513 : vector<16xf32>
        %add3A_515 = arith.constant 256 : i32
        %add3A_516 = arith.addi %add3A_515, %scan3A_78 : i32
        %get3A_517 = arith.index_cast %add3A_516 : i32 to index
        %get3A_518 = arith.constant 112 : index
        %get3A_519 = tpu.vector_load %arg4[%get3A_517, %get3A_518] {strides = array<i32>} : memref<448x128xf32, #tpu.memory_space<vmem>>, vector<1x16xf32>,
        %get3A_520 = vector.shape_cast %get3A_519 : vector<1x16xf32> to vector<16xf32>
        %max3A_521 = arith.maximumf %max3A_514, %get3A_520 : vector<16xf32>
        %add3A_522 = arith.constant 320 : i32
        %add3A_523 = arith.addi %add3A_522, %scan3A_78 : i32
        %get3A_524 = arith.index_cast %add3A_523 : i32 to index
        %get3A_525 = arith.constant 112 : index
        %get3A_526 = tpu.vector_load %arg4[%get3A_524, %get3A_525] {strides = array<i32>} : memref<448x128xf32, #tpu.memory_space<vmem>>, vector<1x16xf32>,
        %get3A_527 = vector.shape_cast %get3A_526 : vector<1x16xf32> to vector<16xf32>
        %max3A_528 = arith.maximumf %max3A_521, %get3A_527 : vector<16xf32>
        %add3A_529 = arith.constant 384 : i32
        %add3A_530 = arith.addi %add3A_529, %scan3A_78 : i32
        %get3A_531 = arith.index_cast %add3A_530 : i32 to index
        %get3A_532 = arith.constant 112 : index
        %get3A_533 = tpu.vector_load %arg4[%get3A_531, %get3A_532] {strides = array<i32>} : memref<448x128xf32, #tpu.memory_space<vmem>>, vector<1x16xf32>,
        %get3A_534 = vector.shape_cast %get3A_533 : vector<1x16xf32> to vector<16xf32>
        %max3A_535 = arith.maximumf %max3A_528, %get3A_534 : vector<16xf32>
        %swap3A_536 = arith.index_cast %scan3A_78 : i32 to index
        %swap3A_537 = arith.constant 112 : index
        %swap3A_538 = tpu.vector_load %arg6[%swap3A_536, %swap3A_537] {strides = array<i32>} : memref<64x128xf32, #tpu.memory_space<vmem>>, vector<1x16xf32>,
        %swap3A_539 = vector.shape_cast %swap3A_538 : vector<1x16xf32> to vector<16xf32>
        %swap3A_540 = vector.shape_cast %max3A_535 : vector<16xf32> to vector<1x16xf32>
        tpu.vector_store %arg6[%swap3A_536, %swap3A_537], %swap3A_540 {strides = array<i32>} : memref<64x128xf32, #tpu.memory_space<vmem>>, vector<1x16xf32>,
        %scan3A_541 = arith.constant 0 : i32
        scf.yield %scan3A_541 : i32
      }
      %scan3A_66 = arith.constant 64 : i32
      %dma_wait3A_67 = tpu.memref_slice %arg2[%add3A_55, %add3A_22] : memref<12544x2048xf32, #tpu.memory_space<hbm>> -> memref<448x128xf32, #tpu.memory_space<hbm>>
      %dma_wait3A_68 = tpu.memref_slice %arg2[%add3A_55, %add3A_22] : memref<12544x2048xf32, #tpu.memory_space<hbm>> -> memref<448x128xf32, #tpu.memory_space<hbm>>
      tpu.wait_dma2 semaphore(%arg8 : memref<!tpu.dma_semaphore, #tpu.memory_space<semaphore_mem>>) src(%dma_wait3A_68 : memref<448x128xf32, #tpu.memory_space<hbm>>) dst(%arg5 : memref<448x128xf32, #tpu.memory_space<vmem>>)
      %scan3A_69 = arith.constant 0 : i32
      %scan3A_70 = arith.constant 0 : i32
      %scan3A_71 = arith.constant 64 : i32
      %scan3A_72 = arith.addi %scan3A_70, %scan3A_71 : i32
      %scan3A_73 = arith.constant 1 : i32
      %scan3A_74 = scf.for %scan3A_78 = %scan3A_70 to %scan3A_72 step %scan3A_73 iter_args(%scan3A_79 = %scan3A_69) -> (i32)  : i32 {
        %get3A = arith.index_cast %scan3A_78 : i32 to index
        %get3A_80 = arith.constant 0 : index
        %get3A_81 = tpu.vector_load %arg6[%get3A, %get3A_80] {strides = array<i32>} : memref<64x128xf32, #tpu.memory_space<vmem>>, vector<1x16xf32>,
        %get3A_82 = vector.shape_cast %get3A_81 : vector<1x16xf32> to vector<16xf32>
        %add3A_83 = arith.constant 0 : i32
        %add3A_84 = arith.addi %add3A_83, %scan3A_78 : i32
        %get3A_85 = arith.index_cast %add3A_84 : i32 to index
        %get3A_86 = arith.constant 0 : index
        %get3A_87 = tpu.vector_load %arg5[%get3A_85, %get3A_86] {strides = array<i32>} : memref<448x128xf32, #tpu.memory_space<vmem>>, vector<1x16xf32>,
        %get3A_88 = vector.shape_cast %get3A_87 : vector<1x16xf32> to vector<16xf32>
        %max3A = arith.maximumf %get3A_82, %get3A_88 : vector<16xf32>
        %add3A_89 = arith.constant 64 : i32
        %add3A_90 = arith.addi %add3A_89, %scan3A_78 : i32
        %get3A_91 = arith.index_cast %add3A_90 : i32 to index
        %get3A_92 = arith.constant 0 : index
        %get3A_93 = tpu.vector_load %arg5[%get3A_91, %get3A_92] {strides = array<i32>} : memref<448x128xf32, #tpu.memory_space<vmem>>, vector<1x16xf32>,
        %get3A_94 = vector.shape_cast %get3A_93 : vector<1x16xf32> to vector<16xf32>
        %max3A_95 = arith.maximumf %max3A, %get3A_94 : vector<16xf32>
        %add3A_96 = arith.constant 128 : i32
        %add3A_97 = arith.addi %add3A_96, %scan3A_78 : i32
        %get3A_98 = arith.index_cast %add3A_97 : i32 to index
        %get3A_99 = arith.constant 0 : index
        %get3A_100 = tpu.vector_load %arg5[%get3A_98, %get3A_99] {strides = array<i32>} : memref<448x128xf32, #tpu.memory_space<vmem>>, vector<1x16xf32>,
        %get3A_101 = vector.shape_cast %get3A_100 : vector<1x16xf32> to vector<16xf32>
        %max3A_102 = arith.maximumf %max3A_95, %get3A_101 : vector<16xf32>
        %add3A_103 = arith.constant 192 : i32
        %add3A_104 = arith.addi %add3A_103, %scan3A_78 : i32
        %get3A_105 = arith.index_cast %add3A_104 : i32 to index
        %get3A_106 = arith.constant 0 : index
        %get3A_107 = tpu.vector_load %arg5[%get3A_105, %get3A_106] {strides = array<i32>} : memref<448x128xf32, #tpu.memory_space<vmem>>, vector<1x16xf32>,
        %get3A_108 = vector.shape_cast %get3A_107 : vector<1x16xf32> to vector<16xf32>
        %max3A_109 = arith.maximumf %max3A_102, %get3A_108 : vector<16xf32>
        %add3A_110 = arith.constant 256 : i32
        %add3A_111 = arith.addi %add3A_110, %scan3A_78 : i32
        %get3A_112 = arith.index_cast %add3A_111 : i32 to index
        %get3A_113 = arith.constant 0 : index
        %get3A_114 = tpu.vector_load %arg5[%get3A_112, %get3A_113] {strides = array<i32>} : memref<448x128xf32, #tpu.memory_space<vmem>>, vector<1x16xf32>,
        %get3A_115 = vector.shape_cast %get3A_114 : vector<1x16xf32> to vector<16xf32>
        %max3A_116 = arith.maximumf %max3A_109, %get3A_115 : vector<16xf32>
        %add3A_117 = arith.constant 320 : i32
        %add3A_118 = arith.addi %add3A_117, %scan3A_78 : i32
        %get3A_119 = arith.index_cast %add3A_118 : i32 to index
        %get3A_120 = arith.constant 0 : index
        %get3A_121 = tpu.vector_load %arg5[%get3A_119, %get3A_120] {strides = array<i32>} : memref<448x128xf32, #tpu.memory_space<vmem>>, vector<1x16xf32>,
        %get3A_122 = vector.shape_cast %get3A_121 : vector<1x16xf32> to vector<16xf32>
        %max3A_123 = arith.maximumf %max3A_116, %get3A_122 : vector<16xf32>
        %add3A_124 = arith.constant 384 : i32
        %add3A_125 = arith.addi %add3A_124, %scan3A_78 : i32
        %get3A_126 = arith.index_cast %add3A_125 : i32 to index
        %get3A_127 = arith.constant 0 : index
        %get3A_128 = tpu.vector_load %arg5[%get3A_126, %get3A_127] {strides = array<i32>} : memref<448x128xf32, #tpu.memory_space<vmem>>, vector<1x16xf32>,
        %get3A_129 = vector.shape_cast %get3A_128 : vector<1x16xf32> to vector<16xf32>
        %max3A_130 = arith.maximumf %max3A_123, %get3A_129 : vector<16xf32>
        %swap3A = arith.index_cast %scan3A_78 : i32 to index
        %swap3A_131 = arith.constant 0 : index
        %swap3A_132 = tpu.vector_load %arg6[%swap3A, %swap3A_131] {strides = array<i32>} : memref<64x128xf32, #tpu.memory_space<vmem>>, vector<1x16xf32>,
        %swap3A_133 = vector.shape_cast %swap3A_132 : vector<1x16xf32> to vector<16xf32>
        %swap3A_134 = vector.shape_cast %max3A_130 : vector<16xf32> to vector<1x16xf32>
        tpu.vector_store %arg6[%swap3A, %swap3A_131], %swap3A_134 {strides = array<i32>} : memref<64x128xf32, #tpu.memory_space<vmem>>, vector<1x16xf32>,
        %get3A_135 = arith.index_cast %scan3A_78 : i32 to index
        %get3A_136 = arith.constant 16 : index
        %get3A_137 = tpu.vector_load %arg6[%get3A_135, %get3A_136] {strides = array<i32>} : memref<64x128xf32, #tpu.memory_space<vmem>>, vector<1x16xf32>,
        %get3A_138 = vector.shape_cast %get3A_137 : vector<1x16xf32> to vector<16xf32>
        %add3A_139 = arith.constant 0 : i32
        %add3A_140 = arith.addi %add3A_139, %scan3A_78 : i32
        %get3A_141 = arith.index_cast %add3A_140 : i32 to index
        %get3A_142 = arith.constant 16 : index
        %get3A_143 = tpu.vector_load %arg5[%get3A_141, %get3A_142] {strides = array<i32>} : memref<448x128xf32, #tpu.memory_space<vmem>>, vector<1x16xf32>,
        %get3A_144 = vector.shape_cast %get3A_143 : vector<1x16xf32> to vector<16xf32>
        %max3A_145 = arith.maximumf %get3A_138, %get3A_144 : vector<16xf32>
        %add3A_146 = arith.constant 64 : i32
        %add3A_147 = arith.addi %add3A_146, %scan3A_78 : i32
        %get3A_148 = arith.index_cast %add3A_147 : i32 to index
        %get3A_149 = arith.constant 16 : index
        %get3A_150 = tpu.vector_load %arg5[%get3A_148, %get3A_149] {strides = array<i32>} : memref<448x128xf32, #tpu.memory_space<vmem>>, vector<1x16xf32>,
        %get3A_151 = vector.shape_cast %get3A_150 : vector<1x16xf32> to vector<16xf32>
        %max3A_152 = arith.maximumf %max3A_145, %get3A_151 : vector<16xf32>
        %add3A_153 = arith.constant 128 : i32
        %add3A_154 = arith.addi %add3A_153, %scan3A_78 : i32
        %get3A_155 = arith.index_cast %add3A_154 : i32 to index
        %get3A_156 = arith.constant 16 : index
        %get3A_157 = tpu.vector_load %arg5[%get3A_155, %get3A_156] {strides = array<i32>} : memref<448x128xf32, #tpu.memory_space<vmem>>, vector<1x16xf32>,
        %get3A_158 = vector.shape_cast %get3A_157 : vector<1x16xf32> to vector<16xf32>
        %max3A_159 = arith.maximumf %max3A_152, %get3A_158 : vector<16xf32>
        %add3A_160 = arith.constant 192 : i32
        %add3A_161 = arith.addi %add3A_160, %scan3A_78 : i32
        %get3A_162 = arith.index_cast %add3A_161 : i32 to index
        %get3A_163 = arith.constant 16 : index
        %get3A_164 = tpu.vector_load %arg5[%get3A_162, %get3A_163] {strides = array<i32>} : memref<448x128xf32, #tpu.memory_space<vmem>>, vector<1x16xf32>,
        %get3A_165 = vector.shape_cast %get3A_164 : vector<1x16xf32> to vector<16xf32>
        %max3A_166 = arith.maximumf %max3A_159, %get3A_165 : vector<16xf32>
        %add3A_167 = arith.constant 256 : i32
        %add3A_168 = arith.addi %add3A_167, %scan3A_78 : i32
        %get3A_169 = arith.index_cast %add3A_168 : i32 to index
        %get3A_170 = arith.constant 16 : index
        %get3A_171 = tpu.vector_load %arg5[%get3A_169, %get3A_170] {strides = array<i32>} : memref<448x128xf32, #tpu.memory_space<vmem>>, vector<1x16xf32>,
        %get3A_172 = vector.shape_cast %get3A_171 : vector<1x16xf32> to vector<16xf32>
        %max3A_173 = arith.maximumf %max3A_166, %get3A_172 : vector<16xf32>
        %add3A_174 = arith.constant 320 : i32
        %add3A_175 = arith.addi %add3A_174, %scan3A_78 : i32
        %get3A_176 = arith.index_cast %add3A_175 : i32 to index
        %get3A_177 = arith.constant 16 : index
        %get3A_178 = tpu.vector_load %arg5[%get3A_176, %get3A_177] {strides = array<i32>} : memref<448x128xf32, #tpu.memory_space<vmem>>, vector<1x16xf32>,
        %get3A_179 = vector.shape_cast %get3A_178 : vector<1x16xf32> to vector<16xf32>
        %max3A_180 = arith.maximumf %max3A_173, %get3A_179 : vector<16xf32>
        %add3A_181 = arith.constant 384 : i32
        %add3A_182 = arith.addi %add3A_181, %scan3A_78 : i32
        %get3A_183 = arith.index_cast %add3A_182 : i32 to index
        %get3A_184 = arith.constant 16 : index
        %get3A_185 = tpu.vector_load %arg5[%get3A_183, %get3A_184] {strides = array<i32>} : memref<448x128xf32, #tpu.memory_space<vmem>>, vector<1x16xf32>,
        %get3A_186 = vector.shape_cast %get3A_185 : vector<1x16xf32> to vector<16xf32>
        %max3A_187 = arith.maximumf %max3A_180, %get3A_186 : vector<16xf32>
        %swap3A_188 = arith.index_cast %scan3A_78 : i32 to index
        %swap3A_189 = arith.constant 16 : index
        %swap3A_190 = tpu.vector_load %arg6[%swap3A_188, %swap3A_189] {strides = array<i32>} : memref<64x128xf32, #tpu.memory_space<vmem>>, vector<1x16xf32>,
        %swap3A_191 = vector.shape_cast %swap3A_190 : vector<1x16xf32> to vector<16xf32>
        %swap3A_192 = vector.shape_cast %max3A_187 : vector<16xf32> to vector<1x16xf32>
        tpu.vector_store %arg6[%swap3A_188, %swap3A_189], %swap3A_192 {strides = array<i32>} : memref<64x128xf32, #tpu.memory_space<vmem>>, vector<1x16xf32>,
        %get3A_193 = arith.index_cast %scan3A_78 : i32 to index
        %get3A_194 = arith.constant 32 : index
        %get3A_195 = tpu.vector_load %arg6[%get3A_193, %get3A_194] {strides = array<i32>} : memref<64x128xf32, #tpu.memory_space<vmem>>, vector<1x16xf32>,
        %get3A_196 = vector.shape_cast %get3A_195 : vector<1x16xf32> to vector<16xf32>
        %add3A_197 = arith.constant 0 : i32
        %add3A_198 = arith.addi %add3A_197, %scan3A_78 : i32
        %get3A_199 = arith.index_cast %add3A_198 : i32 to index
        %get3A_200 = arith.constant 32 : index
        %get3A_201 = tpu.vector_load %arg5[%get3A_199, %get3A_200] {strides = array<i32>} : memref<448x128xf32, #tpu.memory_space<vmem>>, vector<1x16xf32>,
        %get3A_202 = vector.shape_cast %get3A_201 : vector<1x16xf32> to vector<16xf32>
        %max3A_203 = arith.maximumf %get3A_196, %get3A_202 : vector<16xf32>
        %add3A_204 = arith.constant 64 : i32
        %add3A_205 = arith.addi %add3A_204, %scan3A_78 : i32
        %get3A_206 = arith.index_cast %add3A_205 : i32 to index
        %get3A_207 = arith.constant 32 : index
        %get3A_208 = tpu.vector_load %arg5[%get3A_206, %get3A_207] {strides = array<i32>} : memref<448x128xf32, #tpu.memory_space<vmem>>, vector<1x16xf32>,
        %get3A_209 = vector.shape_cast %get3A_208 : vector<1x16xf32> to vector<16xf32>
        %max3A_210 = arith.maximumf %max3A_203, %get3A_209 : vector<16xf32>
        %add3A_211 = arith.constant 128 : i32
        %add3A_212 = arith.addi %add3A_211, %scan3A_78 : i32
        %get3A_213 = arith.index_cast %add3A_212 : i32 to index
        %get3A_214 = arith.constant 32 : index
        %get3A_215 = tpu.vector_load %arg5[%get3A_213, %get3A_214] {strides = array<i32>} : memref<448x128xf32, #tpu.memory_space<vmem>>, vector<1x16xf32>,
        %get3A_216 = vector.shape_cast %get3A_215 : vector<1x16xf32> to vector<16xf32>
        %max3A_217 = arith.maximumf %max3A_210, %get3A_216 : vector<16xf32>
        %add3A_218 = arith.constant 192 : i32
        %add3A_219 = arith.addi %add3A_218, %scan3A_78 : i32
        %get3A_220 = arith.index_cast %add3A_219 : i32 to index
        %get3A_221 = arith.constant 32 : index
        %get3A_222 = tpu.vector_load %arg5[%get3A_220, %get3A_221] {strides = array<i32>} : memref<448x128xf32, #tpu.memory_space<vmem>>, vector<1x16xf32>,
        %get3A_223 = vector.shape_cast %get3A_222 : vector<1x16xf32> to vector<16xf32>
        %max3A_224 = arith.maximumf %max3A_217, %get3A_223 : vector<16xf32>
        %add3A_225 = arith.constant 256 : i32
        %add3A_226 = arith.addi %add3A_225, %scan3A_78 : i32
        %get3A_227 = arith.index_cast %add3A_226 : i32 to index
        %get3A_228 = arith.constant 32 : index
        %get3A_229 = tpu.vector_load %arg5[%get3A_227, %get3A_228] {strides = array<i32>} : memref<448x128xf32, #tpu.memory_space<vmem>>, vector<1x16xf32>,
        %get3A_230 = vector.shape_cast %get3A_229 : vector<1x16xf32> to vector<16xf32>
        %max3A_231 = arith.maximumf %max3A_224, %get3A_230 : vector<16xf32>
        %add3A_232 = arith.constant 320 : i32
        %add3A_233 = arith.addi %add3A_232, %scan3A_78 : i32
        %get3A_234 = arith.index_cast %add3A_233 : i32 to index
        %get3A_235 = arith.constant 32 : index
        %get3A_236 = tpu.vector_load %arg5[%get3A_234, %get3A_235] {strides = array<i32>} : memref<448x128xf32, #tpu.memory_space<vmem>>, vector<1x16xf32>,
        %get3A_237 = vector.shape_cast %get3A_236 : vector<1x16xf32> to vector<16xf32>
        %max3A_238 = arith.maximumf %max3A_231, %get3A_237 : vector<16xf32>
        %add3A_239 = arith.constant 384 : i32
        %add3A_240 = arith.addi %add3A_239, %scan3A_78 : i32
        %get3A_241 = arith.index_cast %add3A_240 : i32 to index
        %get3A_242 = arith.constant 32 : index
        %get3A_243 = tpu.vector_load %arg5[%get3A_241, %get3A_242] {strides = array<i32>} : memref<448x128xf32, #tpu.memory_space<vmem>>, vector<1x16xf32>,
        %get3A_244 = vector.shape_cast %get3A_243 : vector<1x16xf32> to vector<16xf32>
        %max3A_245 = arith.maximumf %max3A_238, %get3A_244 : vector<16xf32>
        %swap3A_246 = arith.index_cast %scan3A_78 : i32 to index
        %swap3A_247 = arith.constant 32 : index
        %swap3A_248 = tpu.vector_load %arg6[%swap3A_246, %swap3A_247] {strides = array<i32>} : memref<64x128xf32, #tpu.memory_space<vmem>>, vector<1x16xf32>,
        %swap3A_249 = vector.shape_cast %swap3A_248 : vector<1x16xf32> to vector<16xf32>
        %swap3A_250 = vector.shape_cast %max3A_245 : vector<16xf32> to vector<1x16xf32>
        tpu.vector_store %arg6[%swap3A_246, %swap3A_247], %swap3A_250 {strides = array<i32>} : memref<64x128xf32, #tpu.memory_space<vmem>>, vector<1x16xf32>,
        %get3A_251 = arith.index_cast %scan3A_78 : i32 to index
        %get3A_252 = arith.constant 48 : index
        %get3A_253 = tpu.vector_load %arg6[%get3A_251, %get3A_252] {strides = array<i32>} : memref<64x128xf32, #tpu.memory_space<vmem>>, vector<1x16xf32>,
        %get3A_254 = vector.shape_cast %get3A_253 : vector<1x16xf32> to vector<16xf32>
        %add3A_255 = arith.constant 0 : i32
        %add3A_256 = arith.addi %add3A_255, %scan3A_78 : i32
        %get3A_257 = arith.index_cast %add3A_256 : i32 to index
        %get3A_258 = arith.constant 48 : index
        %get3A_259 = tpu.vector_load %arg5[%get3A_257, %get3A_258] {strides = array<i32>} : memref<448x128xf32, #tpu.memory_space<vmem>>, vector<1x16xf32>,
        %get3A_260 = vector.shape_cast %get3A_259 : vector<1x16xf32> to vector<16xf32>
        %max3A_261 = arith.maximumf %get3A_254, %get3A_260 : vector<16xf32>
        %add3A_262 = arith.constant 64 : i32
        %add3A_263 = arith.addi %add3A_262, %scan3A_78 : i32
        %get3A_264 = arith.index_cast %add3A_263 : i32 to index
        %get3A_265 = arith.constant 48 : index
        %get3A_266 = tpu.vector_load %arg5[%get3A_264, %get3A_265] {strides = array<i32>} : memref<448x128xf32, #tpu.memory_space<vmem>>, vector<1x16xf32>,
        %get3A_267 = vector.shape_cast %get3A_266 : vector<1x16xf32> to vector<16xf32>
        %max3A_268 = arith.maximumf %max3A_261, %get3A_267 : vector<16xf32>
        %add3A_269 = arith.constant 128 : i32
        %add3A_270 = arith.addi %add3A_269, %scan3A_78 : i32
        %get3A_271 = arith.index_cast %add3A_270 : i32 to index
        %get3A_272 = arith.constant 48 : index
        %get3A_273 = tpu.vector_load %arg5[%get3A_271, %get3A_272] {strides = array<i32>} : memref<448x128xf32, #tpu.memory_space<vmem>>, vector<1x16xf32>,
        %get3A_274 = vector.shape_cast %get3A_273 : vector<1x16xf32> to vector<16xf32>
        %max3A_275 = arith.maximumf %max3A_268, %get3A_274 : vector<16xf32>
        %add3A_276 = arith.constant 192 : i32
        %add3A_277 = arith.addi %add3A_276, %scan3A_78 : i32
        %get3A_278 = arith.index_cast %add3A_277 : i32 to index
        %get3A_279 = arith.constant 48 : index
        %get3A_280 = tpu.vector_load %arg5[%get3A_278, %get3A_279] {strides = array<i32>} : memref<448x128xf32, #tpu.memory_space<vmem>>, vector<1x16xf32>,
        %get3A_281 = vector.shape_cast %get3A_280 : vector<1x16xf32> to vector<16xf32>
        %max3A_282 = arith.maximumf %max3A_275, %get3A_281 : vector<16xf32>
        %add3A_283 = arith.constant 256 : i32
        %add3A_284 = arith.addi %add3A_283, %scan3A_78 : i32
        %get3A_285 = arith.index_cast %add3A_284 : i32 to index
        %get3A_286 = arith.constant 48 : index
        %get3A_287 = tpu.vector_load %arg5[%get3A_285, %get3A_286] {strides = array<i32>} : memref<448x128xf32, #tpu.memory_space<vmem>>, vector<1x16xf32>,
        %get3A_288 = vector.shape_cast %get3A_287 : vector<1x16xf32> to vector<16xf32>
        %max3A_289 = arith.maximumf %max3A_282, %get3A_288 : vector<16xf32>
        %add3A_290 = arith.constant 320 : i32
        %add3A_291 = arith.addi %add3A_290, %scan3A_78 : i32
        %get3A_292 = arith.index_cast %add3A_291 : i32 to index
        %get3A_293 = arith.constant 48 : index
        %get3A_294 = tpu.vector_load %arg5[%get3A_292, %get3A_293] {strides = array<i32>} : memref<448x128xf32, #tpu.memory_space<vmem>>, vector<1x16xf32>,
        %get3A_295 = vector.shape_cast %get3A_294 : vector<1x16xf32> to vector<16xf32>
        %max3A_296 = arith.maximumf %max3A_289, %get3A_295 : vector<16xf32>
        %add3A_297 = arith.constant 384 : i32
        %add3A_298 = arith.addi %add3A_297, %scan3A_78 : i32
        %get3A_299 = arith.index_cast %add3A_298 : i32 to index
        %get3A_300 = arith.constant 48 : index
        %get3A_301 = tpu.vector_load %arg5[%get3A_299, %get3A_300] {strides = array<i32>} : memref<448x128xf32, #tpu.memory_space<vmem>>, vector<1x16xf32>,
        %get3A_302 = vector.shape_cast %get3A_301 : vector<1x16xf32> to vector<16xf32>
        %max3A_303 = arith.maximumf %max3A_296, %get3A_302 : vector<16xf32>
        %swap3A_304 = arith.index_cast %scan3A_78 : i32 to index
        %swap3A_305 = arith.constant 48 : index
        %swap3A_306 = tpu.vector_load %arg6[%swap3A_304, %swap3A_305] {strides = array<i32>} : memref<64x128xf32, #tpu.memory_space<vmem>>, vector<1x16xf32>,
        %swap3A_307 = vector.shape_cast %swap3A_306 : vector<1x16xf32> to vector<16xf32>
        %swap3A_308 = vector.shape_cast %max3A_303 : vector<16xf32> to vector<1x16xf32>
        tpu.vector_store %arg6[%swap3A_304, %swap3A_305], %swap3A_308 {strides = array<i32>} : memref<64x128xf32, #tpu.memory_space<vmem>>, vector<1x16xf32>,
        %get3A_309 = arith.index_cast %scan3A_78 : i32 to index
        %get3A_310 = arith.constant 64 : index
        %get3A_311 = tpu.vector_load %arg6[%get3A_309, %get3A_310] {strides = array<i32>} : memref<64x128xf32, #tpu.memory_space<vmem>>, vector<1x16xf32>,
        %get3A_312 = vector.shape_cast %get3A_311 : vector<1x16xf32> to vector<16xf32>
        %add3A_313 = arith.constant 0 : i32
        %add3A_314 = arith.addi %add3A_313, %scan3A_78 : i32
        %get3A_315 = arith.index_cast %add3A_314 : i32 to index
        %get3A_316 = arith.constant 64 : index
        %get3A_317 = tpu.vector_load %arg5[%get3A_315, %get3A_316] {strides = array<i32>} : memref<448x128xf32, #tpu.memory_space<vmem>>, vector<1x16xf32>,
        %get3A_318 = vector.shape_cast %get3A_317 : vector<1x16xf32> to vector<16xf32>
        %max3A_319 = arith.maximumf %get3A_312, %get3A_318 : vector<16xf32>
        %add3A_320 = arith.constant 64 : i32
        %add3A_321 = arith.addi %add3A_320, %scan3A_78 : i32
        %get3A_322 = arith.index_cast %add3A_321 : i32 to index
        %get3A_323 = arith.constant 64 : index
        %get3A_324 = tpu.vector_load %arg5[%get3A_322, %get3A_323] {strides = array<i32>} : memref<448x128xf32, #tpu.memory_space<vmem>>, vector<1x16xf32>,
        %get3A_325 = vector.shape_cast %get3A_324 : vector<1x16xf32> to vector<16xf32>
        %max3A_326 = arith.maximumf %max3A_319, %get3A_325 : vector<16xf32>
        %add3A_327 = arith.constant 128 : i32
        %add3A_328 = arith.addi %add3A_327, %scan3A_78 : i32
        %get3A_329 = arith.index_cast %add3A_328 : i32 to index
        %get3A_330 = arith.constant 64 : index
        %get3A_331 = tpu.vector_load %arg5[%get3A_329, %get3A_330] {strides = array<i32>} : memref<448x128xf32, #tpu.memory_space<vmem>>, vector<1x16xf32>,
        %get3A_332 = vector.shape_cast %get3A_331 : vector<1x16xf32> to vector<16xf32>
        %max3A_333 = arith.maximumf %max3A_326, %get3A_332 : vector<16xf32>
        %add3A_334 = arith.constant 192 : i32
        %add3A_335 = arith.addi %add3A_334, %scan3A_78 : i32
        %get3A_336 = arith.index_cast %add3A_335 : i32 to index
        %get3A_337 = arith.constant 64 : index
        %get3A_338 = tpu.vector_load %arg5[%get3A_336, %get3A_337] {strides = array<i32>} : memref<448x128xf32, #tpu.memory_space<vmem>>, vector<1x16xf32>,
        %get3A_339 = vector.shape_cast %get3A_338 : vector<1x16xf32> to vector<16xf32>
        %max3A_340 = arith.maximumf %max3A_333, %get3A_339 : vector<16xf32>
        %add3A_341 = arith.constant 256 : i32
        %add3A_342 = arith.addi %add3A_341, %scan3A_78 : i32
        %get3A_343 = arith.index_cast %add3A_342 : i32 to index
        %get3A_344 = arith.constant 64 : index
        %get3A_345 = tpu.vector_load %arg5[%get3A_343, %get3A_344] {strides = array<i32>} : memref<448x128xf32, #tpu.memory_space<vmem>>, vector<1x16xf32>,
        %get3A_346 = vector.shape_cast %get3A_345 : vector<1x16xf32> to vector<16xf32>
        %max3A_347 = arith.maximumf %max3A_340, %get3A_346 : vector<16xf32>
        %add3A_348 = arith.constant 320 : i32
        %add3A_349 = arith.addi %add3A_348, %scan3A_78 : i32
        %get3A_350 = arith.index_cast %add3A_349 : i32 to index
        %get3A_351 = arith.constant 64 : index
        %get3A_352 = tpu.vector_load %arg5[%get3A_350, %get3A_351] {strides = array<i32>} : memref<448x128xf32, #tpu.memory_space<vmem>>, vector<1x16xf32>,
        %get3A_353 = vector.shape_cast %get3A_352 : vector<1x16xf32> to vector<16xf32>
        %max3A_354 = arith.maximumf %max3A_347, %get3A_353 : vector<16xf32>
        %add3A_355 = arith.constant 384 : i32
        %add3A_356 = arith.addi %add3A_355, %scan3A_78 : i32
        %get3A_357 = arith.index_cast %add3A_356 : i32 to index
        %get3A_358 = arith.constant 64 : index
        %get3A_359 = tpu.vector_load %arg5[%get3A_357, %get3A_358] {strides = array<i32>} : memref<448x128xf32, #tpu.memory_space<vmem>>, vector<1x16xf32>,
        %get3A_360 = vector.shape_cast %get3A_359 : vector<1x16xf32> to vector<16xf32>
        %max3A_361 = arith.maximumf %max3A_354, %get3A_360 : vector<16xf32>
        %swap3A_362 = arith.index_cast %scan3A_78 : i32 to index
        %swap3A_363 = arith.constant 64 : index
        %swap3A_364 = tpu.vector_load %arg6[%swap3A_362, %swap3A_363] {strides = array<i32>} : memref<64x128xf32, #tpu.memory_space<vmem>>, vector<1x16xf32>,
        %swap3A_365 = vector.shape_cast %swap3A_364 : vector<1x16xf32> to vector<16xf32>
        %swap3A_366 = vector.shape_cast %max3A_361 : vector<16xf32> to vector<1x16xf32>
        tpu.vector_store %arg6[%swap3A_362, %swap3A_363], %swap3A_366 {strides = array<i32>} : memref<64x128xf32, #tpu.memory_space<vmem>>, vector<1x16xf32>,
        %get3A_367 = arith.index_cast %scan3A_78 : i32 to index
        %get3A_368 = arith.constant 80 : index
        %get3A_369 = tpu.vector_load %arg6[%get3A_367, %get3A_368] {strides = array<i32>} : memref<64x128xf32, #tpu.memory_space<vmem>>, vector<1x16xf32>,
        %get3A_370 = vector.shape_cast %get3A_369 : vector<1x16xf32> to vector<16xf32>
        %add3A_371 = arith.constant 0 : i32
        %add3A_372 = arith.addi %add3A_371, %scan3A_78 : i32
        %get3A_373 = arith.index_cast %add3A_372 : i32 to index
        %get3A_374 = arith.constant 80 : index
        %get3A_375 = tpu.vector_load %arg5[%get3A_373, %get3A_374] {strides = array<i32>} : memref<448x128xf32, #tpu.memory_space<vmem>>, vector<1x16xf32>,
        %get3A_376 = vector.shape_cast %get3A_375 : vector<1x16xf32> to vector<16xf32>
        %max3A_377 = arith.maximumf %get3A_370, %get3A_376 : vector<16xf32>
        %add3A_378 = arith.constant 64 : i32
        %add3A_379 = arith.addi %add3A_378, %scan3A_78 : i32
        %get3A_380 = arith.index_cast %add3A_379 : i32 to index
        %get3A_381 = arith.constant 80 : index
        %get3A_382 = tpu.vector_load %arg5[%get3A_380, %get3A_381] {strides = array<i32>} : memref<448x128xf32, #tpu.memory_space<vmem>>, vector<1x16xf32>,
        %get3A_383 = vector.shape_cast %get3A_382 : vector<1x16xf32> to vector<16xf32>
        %max3A_384 = arith.maximumf %max3A_377, %get3A_383 : vector<16xf32>
        %add3A_385 = arith.constant 128 : i32
        %add3A_386 = arith.addi %add3A_385, %scan3A_78 : i32
        %get3A_387 = arith.index_cast %add3A_386 : i32 to index
        %get3A_388 = arith.constant 80 : index
        %get3A_389 = tpu.vector_load %arg5[%get3A_387, %get3A_388] {strides = array<i32>} : memref<448x128xf32, #tpu.memory_space<vmem>>, vector<1x16xf32>,
        %get3A_390 = vector.shape_cast %get3A_389 : vector<1x16xf32> to vector<16xf32>
        %max3A_391 = arith.maximumf %max3A_384, %get3A_390 : vector<16xf32>
        %add3A_392 = arith.constant 192 : i32
        %add3A_393 = arith.addi %add3A_392, %scan3A_78 : i32
        %get3A_394 = arith.index_cast %add3A_393 : i32 to index
        %get3A_395 = arith.constant 80 : index
        %get3A_396 = tpu.vector_load %arg5[%get3A_394, %get3A_395] {strides = array<i32>} : memref<448x128xf32, #tpu.memory_space<vmem>>, vector<1x16xf32>,
        %get3A_397 = vector.shape_cast %get3A_396 : vector<1x16xf32> to vector<16xf32>
        %max3A_398 = arith.maximumf %max3A_391, %get3A_397 : vector<16xf32>
        %add3A_399 = arith.constant 256 : i32
        %add3A_400 = arith.addi %add3A_399, %scan3A_78 : i32
        %get3A_401 = arith.index_cast %add3A_400 : i32 to index
        %get3A_402 = arith.constant 80 : index
        %get3A_403 = tpu.vector_load %arg5[%get3A_401, %get3A_402] {strides = array<i32>} : memref<448x128xf32, #tpu.memory_space<vmem>>, vector<1x16xf32>,
        %get3A_404 = vector.shape_cast %get3A_403 : vector<1x16xf32> to vector<16xf32>
        %max3A_405 = arith.maximumf %max3A_398, %get3A_404 : vector<16xf32>
        %add3A_406 = arith.constant 320 : i32
        %add3A_407 = arith.addi %add3A_406, %scan3A_78 : i32
        %get3A_408 = arith.index_cast %add3A_407 : i32 to index
        %get3A_409 = arith.constant 80 : index
        %get3A_410 = tpu.vector_load %arg5[%get3A_408, %get3A_409] {strides = array<i32>} : memref<448x128xf32, #tpu.memory_space<vmem>>, vector<1x16xf32>,
        %get3A_411 = vector.shape_cast %get3A_410 : vector<1x16xf32> to vector<16xf32>
        %max3A_412 = arith.maximumf %max3A_405, %get3A_411 : vector<16xf32>
        %add3A_413 = arith.constant 384 : i32
        %add3A_414 = arith.addi %add3A_413, %scan3A_78 : i32
        %get3A_415 = arith.index_cast %add3A_414 : i32 to index
        %get3A_416 = arith.constant 80 : index
        %get3A_417 = tpu.vector_load %arg5[%get3A_415, %get3A_416] {strides = array<i32>} : memref<448x128xf32, #tpu.memory_space<vmem>>, vector<1x16xf32>,
        %get3A_418 = vector.shape_cast %get3A_417 : vector<1x16xf32> to vector<16xf32>
        %max3A_419 = arith.maximumf %max3A_412, %get3A_418 : vector<16xf32>
        %swap3A_420 = arith.index_cast %scan3A_78 : i32 to index
        %swap3A_421 = arith.constant 80 : index
        %swap3A_422 = tpu.vector_load %arg6[%swap3A_420, %swap3A_421] {strides = array<i32>} : memref<64x128xf32, #tpu.memory_space<vmem>>, vector<1x16xf32>,
        %swap3A_423 = vector.shape_cast %swap3A_422 : vector<1x16xf32> to vector<16xf32>
        %swap3A_424 = vector.shape_cast %max3A_419 : vector<16xf32> to vector<1x16xf32>
        tpu.vector_store %arg6[%swap3A_420, %swap3A_421], %swap3A_424 {strides = array<i32>} : memref<64x128xf32, #tpu.memory_space<vmem>>, vector<1x16xf32>,
        %get3A_425 = arith.index_cast %scan3A_78 : i32 to index
        %get3A_426 = arith.constant 96 : index
        %get3A_427 = tpu.vector_load %arg6[%get3A_425, %get3A_426] {strides = array<i32>} : memref<64x128xf32, #tpu.memory_space<vmem>>, vector<1x16xf32>,
        %get3A_428 = vector.shape_cast %get3A_427 : vector<1x16xf32> to vector<16xf32>
        %add3A_429 = arith.constant 0 : i32
        %add3A_430 = arith.addi %add3A_429, %scan3A_78 : i32
        %get3A_431 = arith.index_cast %add3A_430 : i32 to index
        %get3A_432 = arith.constant 96 : index
        %get3A_433 = tpu.vector_load %arg5[%get3A_431, %get3A_432] {strides = array<i32>} : memref<448x128xf32, #tpu.memory_space<vmem>>, vector<1x16xf32>,
        %get3A_434 = vector.shape_cast %get3A_433 : vector<1x16xf32> to vector<16xf32>
        %max3A_435 = arith.maximumf %get3A_428, %get3A_434 : vector<16xf32>
        %add3A_436 = arith.constant 64 : i32
        %add3A_437 = arith.addi %add3A_436, %scan3A_78 : i32
        %get3A_438 = arith.index_cast %add3A_437 : i32 to index
        %get3A_439 = arith.constant 96 : index
        %get3A_440 = tpu.vector_load %arg5[%get3A_438, %get3A_439] {strides = array<i32>} : memref<448x128xf32, #tpu.memory_space<vmem>>, vector<1x16xf32>,
        %get3A_441 = vector.shape_cast %get3A_440 : vector<1x16xf32> to vector<16xf32>
        %max3A_442 = arith.maximumf %max3A_435, %get3A_441 : vector<16xf32>
        %add3A_443 = arith.constant 128 : i32
        %add3A_444 = arith.addi %add3A_443, %scan3A_78 : i32
        %get3A_445 = arith.index_cast %add3A_444 : i32 to index
        %get3A_446 = arith.constant 96 : index
        %get3A_447 = tpu.vector_load %arg5[%get3A_445, %get3A_446] {strides = array<i32>} : memref<448x128xf32, #tpu.memory_space<vmem>>, vector<1x16xf32>,
        %get3A_448 = vector.shape_cast %get3A_447 : vector<1x16xf32> to vector<16xf32>
        %max3A_449 = arith.maximumf %max3A_442, %get3A_448 : vector<16xf32>
        %add3A_450 = arith.constant 192 : i32
        %add3A_451 = arith.addi %add3A_450, %scan3A_78 : i32
        %get3A_452 = arith.index_cast %add3A_451 : i32 to index
        %get3A_453 = arith.constant 96 : index
        %get3A_454 = tpu.vector_load %arg5[%get3A_452, %get3A_453] {strides = array<i32>} : memref<448x128xf32, #tpu.memory_space<vmem>>, vector<1x16xf32>,
        %get3A_455 = vector.shape_cast %get3A_454 : vector<1x16xf32> to vector<16xf32>
        %max3A_456 = arith.maximumf %max3A_449, %get3A_455 : vector<16xf32>
        %add3A_457 = arith.constant 256 : i32
        %add3A_458 = arith.addi %add3A_457, %scan3A_78 : i32
        %get3A_459 = arith.index_cast %add3A_458 : i32 to index
        %get3A_460 = arith.constant 96 : index
        %get3A_461 = tpu.vector_load %arg5[%get3A_459, %get3A_460] {strides = array<i32>} : memref<448x128xf32, #tpu.memory_space<vmem>>, vector<1x16xf32>,
        %get3A_462 = vector.shape_cast %get3A_461 : vector<1x16xf32> to vector<16xf32>
        %max3A_463 = arith.maximumf %max3A_456, %get3A_462 : vector<16xf32>
        %add3A_464 = arith.constant 320 : i32
        %add3A_465 = arith.addi %add3A_464, %scan3A_78 : i32
        %get3A_466 = arith.index_cast %add3A_465 : i32 to index
        %get3A_467 = arith.constant 96 : index
        %get3A_468 = tpu.vector_load %arg5[%get3A_466, %get3A_467] {strides = array<i32>} : memref<448x128xf32, #tpu.memory_space<vmem>>, vector<1x16xf32>,
        %get3A_469 = vector.shape_cast %get3A_468 : vector<1x16xf32> to vector<16xf32>
        %max3A_470 = arith.maximumf %max3A_463, %get3A_469 : vector<16xf32>
        %add3A_471 = arith.constant 384 : i32
        %add3A_472 = arith.addi %add3A_471, %scan3A_78 : i32
        %get3A_473 = arith.index_cast %add3A_472 : i32 to index
        %get3A_474 = arith.constant 96 : index
        %get3A_475 = tpu.vector_load %arg5[%get3A_473, %get3A_474] {strides = array<i32>} : memref<448x128xf32, #tpu.memory_space<vmem>>, vector<1x16xf32>,
        %get3A_476 = vector.shape_cast %get3A_475 : vector<1x16xf32> to vector<16xf32>
        %max3A_477 = arith.maximumf %max3A_470, %get3A_476 : vector<16xf32>
        %swap3A_478 = arith.index_cast %scan3A_78 : i32 to index
        %swap3A_479 = arith.constant 96 : index
        %swap3A_480 = tpu.vector_load %arg6[%swap3A_478, %swap3A_479] {strides = array<i32>} : memref<64x128xf32, #tpu.memory_space<vmem>>, vector<1x16xf32>,
        %swap3A_481 = vector.shape_cast %swap3A_480 : vector<1x16xf32> to vector<16xf32>
        %swap3A_482 = vector.shape_cast %max3A_477 : vector<16xf32> to vector<1x16xf32>
        tpu.vector_store %arg6[%swap3A_478, %swap3A_479], %swap3A_482 {strides = array<i32>} : memref<64x128xf32, #tpu.memory_space<vmem>>, vector<1x16xf32>,
        %get3A_483 = arith.index_cast %scan3A_78 : i32 to index
        %get3A_484 = arith.constant 112 : index
        %get3A_485 = tpu.vector_load %arg6[%get3A_483, %get3A_484] {strides = array<i32>} : memref<64x128xf32, #tpu.memory_space<vmem>>, vector<1x16xf32>,
        %get3A_486 = vector.shape_cast %get3A_485 : vector<1x16xf32> to vector<16xf32>
        %add3A_487 = arith.constant 0 : i32
        %add3A_488 = arith.addi %add3A_487, %scan3A_78 : i32
        %get3A_489 = arith.index_cast %add3A_488 : i32 to index
        %get3A_490 = arith.constant 112 : index
        %get3A_491 = tpu.vector_load %arg5[%get3A_489, %get3A_490] {strides = array<i32>} : memref<448x128xf32, #tpu.memory_space<vmem>>, vector<1x16xf32>,
        %get3A_492 = vector.shape_cast %get3A_491 : vector<1x16xf32> to vector<16xf32>
        %max3A_493 = arith.maximumf %get3A_486, %get3A_492 : vector<16xf32>
        %add3A_494 = arith.constant 64 : i32
        %add3A_495 = arith.addi %add3A_494, %scan3A_78 : i32
        %get3A_496 = arith.index_cast %add3A_495 : i32 to index
        %get3A_497 = arith.constant 112 : index
        %get3A_498 = tpu.vector_load %arg5[%get3A_496, %get3A_497] {strides = array<i32>} : memref<448x128xf32, #tpu.memory_space<vmem>>, vector<1x16xf32>,
        %get3A_499 = vector.shape_cast %get3A_498 : vector<1x16xf32> to vector<16xf32>
        %max3A_500 = arith.maximumf %max3A_493, %get3A_499 : vector<16xf32>
        %add3A_501 = arith.constant 128 : i32
        %add3A_502 = arith.addi %add3A_501, %scan3A_78 : i32
        %get3A_503 = arith.index_cast %add3A_502 : i32 to index
        %get3A_504 = arith.constant 112 : index
        %get3A_505 = tpu.vector_load %arg5[%get3A_503, %get3A_504] {strides = array<i32>} : memref<448x128xf32, #tpu.memory_space<vmem>>, vector<1x16xf32>,
        %get3A_506 = vector.shape_cast %get3A_505 : vector<1x16xf32> to vector<16xf32>
        %max3A_507 = arith.maximumf %max3A_500, %get3A_506 : vector<16xf32>
        %add3A_508 = arith.constant 192 : i32
        %add3A_509 = arith.addi %add3A_508, %scan3A_78 : i32
        %get3A_510 = arith.index_cast %add3A_509 : i32 to index
        %get3A_511 = arith.constant 112 : index
        %get3A_512 = tpu.vector_load %arg5[%get3A_510, %get3A_511] {strides = array<i32>} : memref<448x128xf32, #tpu.memory_space<vmem>>, vector<1x16xf32>,
        %get3A_513 = vector.shape_cast %get3A_512 : vector<1x16xf32> to vector<16xf32>
        %max3A_514 = arith.maximumf %max3A_507, %get3A_513 : vector<16xf32>
        %add3A_515 = arith.constant 256 : i32
        %add3A_516 = arith.addi %add3A_515, %scan3A_78 : i32
        %get3A_517 = arith.index_cast %add3A_516 : i32 to index
        %get3A_518 = arith.constant 112 : index
        %get3A_519 = tpu.vector_load %arg5[%get3A_517, %get3A_518] {strides = array<i32>} : memref<448x128xf32, #tpu.memory_space<vmem>>, vector<1x16xf32>,
        %get3A_520 = vector.shape_cast %get3A_519 : vector<1x16xf32> to vector<16xf32>
        %max3A_521 = arith.maximumf %max3A_514, %get3A_520 : vector<16xf32>
        %add3A_522 = arith.constant 320 : i32
        %add3A_523 = arith.addi %add3A_522, %scan3A_78 : i32
        %get3A_524 = arith.index_cast %add3A_523 : i32 to index
        %get3A_525 = arith.constant 112 : index
        %get3A_526 = tpu.vector_load %arg5[%get3A_524, %get3A_525] {strides = array<i32>} : memref<448x128xf32, #tpu.memory_space<vmem>>, vector<1x16xf32>,
        %get3A_527 = vector.shape_cast %get3A_526 : vector<1x16xf32> to vector<16xf32>
        %max3A_528 = arith.maximumf %max3A_521, %get3A_527 : vector<16xf32>
        %add3A_529 = arith.constant 384 : i32
        %add3A_530 = arith.addi %add3A_529, %scan3A_78 : i32
        %get3A_531 = arith.index_cast %add3A_530 : i32 to index
        %get3A_532 = arith.constant 112 : index
        %get3A_533 = tpu.vector_load %arg5[%get3A_531, %get3A_532] {strides = array<i32>} : memref<448x128xf32, #tpu.memory_space<vmem>>, vector<1x16xf32>,
        %get3A_534 = vector.shape_cast %get3A_533 : vector<1x16xf32> to vector<16xf32>
        %max3A_535 = arith.maximumf %max3A_528, %get3A_534 : vector<16xf32>
        %swap3A_536 = arith.index_cast %scan3A_78 : i32 to index
        %swap3A_537 = arith.constant 112 : index
        %swap3A_538 = tpu.vector_load %arg6[%swap3A_536, %swap3A_537] {strides = array<i32>} : memref<64x128xf32, #tpu.memory_space<vmem>>, vector<1x16xf32>,
        %swap3A_539 = vector.shape_cast %swap3A_538 : vector<1x16xf32> to vector<16xf32>
        %swap3A_540 = vector.shape_cast %max3A_535 : vector<16xf32> to vector<1x16xf32>
        tpu.vector_store %arg6[%swap3A_536, %swap3A_537], %swap3A_540 {strides = array<i32>} : memref<64x128xf32, #tpu.memory_space<vmem>>, vector<1x16xf32>,
        %scan3A_541 = arith.constant 0 : i32
        scf.yield %scan3A_541 : i32
      }
      %scan3A_75 = arith.constant 64 : i32
      %mul3A_76 = arith.constant 128 : i32
      %mul3A_77 = arith.muli %rem3A_18, %mul3A_76 : i32
      "tpu.region"() ({
        %run_scoped3A = tpu.sem_alloc : memref<!tpu.dma_semaphore, #tpu.memory_space<semaphore_mem>>
        %dma_start3A_78 = arith.constant 0 : i32
        %dma_start3A_79 = tpu.memref_slice %arg3[%select_n3A, %dma_start3A_78, %mul3A_77] : memref<7x64x512xf32, #tpu.memory_space<hbm>> -> memref<1x64x128xf32, #tpu.memory_space<hbm>>
        %dma_start3A_80 = tpu.memref_squeeze %dma_start3A_79 : memref<1x64x128xf32, #tpu.memory_space<hbm>> -> memref<64x128xf32, #tpu.memory_space<hbm>>
        %dma_start3A_81 = arith.constant 0 : i32
        %dma_start3A_82 = tpu.memref_slice %arg3[%select_n3A, %dma_start3A_81, %mul3A_77] : memref<7x64x512xf32, #tpu.memory_space<hbm>> -> memref<1x64x128xf32, #tpu.memory_space<hbm>>
        %dma_start3A_83 = tpu.memref_squeeze %dma_start3A_82 : memref<1x64x128xf32, #tpu.memory_space<hbm>> -> memref<64x128xf32, #tpu.memory_space<hbm>>
        tpu.enqueue_dma source(%arg6 : memref<64x128xf32, #tpu.memory_space<vmem>>) target(%dma_start3A_83 : memref<64x128xf32, #tpu.memory_space<hbm>>) target_semaphore(%run_scoped3A : memref<!tpu.dma_semaphore, #tpu.memory_space<semaphore_mem>>)
        %dma_wait3A_84 = arith.constant 0 : i32
        %dma_wait3A_85 = tpu.memref_slice %arg3[%select_n3A, %dma_wait3A_84, %mul3A_77] : memref<7x64x512xf32, #tpu.memory_space<hbm>> -> memref<1x64x128xf32, #tpu.memory_space<hbm>>
        %dma_wait3A_86 = tpu.memref_squeeze %dma_wait3A_85 : memref<1x64x128xf32, #tpu.memory_space<hbm>> -> memref<64x128xf32, #tpu.memory_space<hbm>>
        %dma_wait3A_87 = arith.constant 0 : i32
        %dma_wait3A_88 = tpu.memref_slice %arg3[%select_n3A, %dma_wait3A_87, %mul3A_77] : memref<7x64x512xf32, #tpu.memory_space<hbm>> -> memref<1x64x128xf32, #tpu.memory_space<hbm>>
        %dma_wait3A_89 = tpu.memref_squeeze %dma_wait3A_88 : memref<1x64x128xf32, #tpu.memory_space<hbm>> -> memref<64x128xf32, #tpu.memory_space<hbm>>
        tpu.wait_dma2 semaphore(%run_scoped3A : memref<!tpu.dma_semaphore, #tpu.memory_space<semaphore_mem>>) src(%arg6 : memref<64x128xf32, #tpu.memory_space<vmem>>) dst(%dma_wait3A_89 : memref<64x128xf32, #tpu.memory_space<hbm>>)
        tpu.yield
      }) : () -> ()
    } else {
    }
    return
  }
}

module attributes {stable_mosaic.version = 14 : i64} {
  func.func @_combine(%arg0: memref<64x80xf32, #tpu.memory_space<vmem>>, %arg1: memref<7x64x512xf32, #tpu.memory_space<vmem>>, %arg2: memref<80x512xf32, #tpu.memory_space<vmem>>, %arg3: memref<64x80xf32, #tpu.memory_space<vmem>>) attributes {dimension_semantics = [], scalar_prefetch = 0 : i64, scratch_operands = 0 : i64, tpu.core_type = #tpu.core_type<tc>} {
    %get3A = arith.constant 0 : index
    %get3A_0 = arith.constant 0 : index
    %get3A_1 = arith.constant 0 : index
    %get3A_2 = vector.load %arg1[%get3A, %get3A_0, %get3A_1] : memref<7x64x512xf32, #tpu.memory_space<vmem>>, vector<7x64x512xf32>
    %reduce_max3A = arith.constant dense<0xFF800000> : vector<64x512xf32>
    %reduce_max3A_3 = vector.multi_reduction <maximumf>, %get3A_2, %reduce_max3A [0] : vector<7x64x512xf32> to vector<64x512xf32>
    %get3A_4 = arith.constant 0 : index
    %get3A_5 = arith.constant 0 : index
    %get3A_6 = vector.load %arg0[%get3A_4, %get3A_5] : memref<64x80xf32, #tpu.memory_space<vmem>>, vector<64x80xf32>
    %get3A_7 = arith.constant 0 : index
    %get3A_8 = arith.constant 0 : index
    %get3A_9 = vector.load %arg2[%get3A_7, %get3A_8] : memref<80x512xf32, #tpu.memory_space<vmem>>, vector<80x512xf32>
    %dot_general3A = arith.constant dense<0.000000e+00> : vector<64x80xf32>
    %dot_general3A_10 = tpu.matmul %reduce_max3A_3, %get3A_9, %dot_general3A {dimension_numbers = #tpu.dot_dimension_numbers<[1], [1], [0], [0], [0, 0, 1, 0], [], []>, transpose_lhs_hint = false} : vector<64x512xf32>, vector<80x512xf32>, vector<64x80xf32> -> vector<64x80xf32>
    %add3A = arith.addf %get3A_6, %dot_general3A_10 : vector<64x80xf32>
    %swap3A = arith.constant 0 : index
    %swap3A_11 = arith.constant 0 : index
    %swap3A_12 = vector.load %arg3[%swap3A, %swap3A_11] : memref<64x80xf32, #tpu.memory_space<vmem>>, vector<64x80xf32>
    tpu.vector_store %arg3[%swap3A, %swap3A_11], %add3A {strides = array<i32>} : memref<64x80xf32, #tpu.memory_space<vmem>>, vector<64x80xf32>,
    return
  }
}

module attributes {stable_mosaic.version = 14 : i64} {
  func.func @_fused(%arg0: i32, %arg1: memref<14x64x1536xf32, #tpu.memory_space<vmem>>, %arg2: memref<80x300xf32, #tpu.memory_space<vmem>>, %arg3: memref<80x80xf32, #tpu.memory_space<vmem>>, %arg4: memref<300x1024xf32, #tpu.memory_space<vmem>>, %arg5: memref<1x1024xf32, #tpu.memory_space<vmem>>, %arg6: memref<300x1024xf32, #tpu.memory_space<vmem>>, %arg7: memref<1024x128xf32, #tpu.memory_space<vmem>>, %arg8: memref<1x128xf32, #tpu.memory_space<vmem>>, %arg9: memref<1024x128xf32, #tpu.memory_space<vmem>>, %arg10: memref<64x80xf32, #tpu.memory_space<vmem>>, %arg11: memref<80x512xf32, #tpu.memory_space<vmem>>, %arg12: memref<80x1024xf32, #tpu.memory_space<vmem>>, %arg13: memref<80x1024xf32, #tpu.memory_space<vmem>>, %arg14: memref<64x1536xf32, #tpu.memory_space<vmem>>, %arg15: memref<80x2048xf32, #tpu.memory_space<vmem>>) attributes {dimension_semantics = [#tpu.dimension_semantics<arbitrary>], iteration_bounds = array<i64: 16>, scalar_prefetch = 0 : i64, scratch_operands = 4 : i64, tpu.core_type = #tpu.core_type<tc>, window_params = [{transform_indices = @transform_0, window_bounds = array<i64: 14, 64, 1536>}, {pipeline_mode = #tpu.pipeline_mode<synchronous>, transform_indices = @transform_1, window_bounds = array<i64: 80, 300>}, {pipeline_mode = #tpu.pipeline_mode<synchronous>, transform_indices = @transform_2, window_bounds = array<i64: 80, 80>}, {pipeline_mode = #tpu.pipeline_mode<synchronous>, transform_indices = @transform_3, window_bounds = array<i64: 300, 1024>}, {pipeline_mode = #tpu.pipeline_mode<synchronous>, transform_indices = @transform_4, window_bounds = array<i64: 1, 1024>}, {pipeline_mode = #tpu.pipeline_mode<synchronous>, transform_indices = @transform_5, window_bounds = array<i64: 300, 1024>}, {transform_indices = @transform_6, window_bounds = array<i64: 1024, 128>}, {transform_indices = @transform_7, window_bounds = array<i64: 1, 128>}, {transform_indices = @transform_8, window_bounds = array<i64: 1024, 128>}, {pipeline_mode = #tpu.pipeline_mode<synchronous>, transform_indices = @transform_9, window_bounds = array<i64: 64, 80>}, {pipeline_mode = #tpu.pipeline_mode<synchronous>, transform_indices = @transform_10, window_bounds = array<i64: 80, 512>}]} {
    %eq3A = arith.constant 0 : i32
    %eq3A_0 = arith.cmpi eq, %arg0, %eq3A : i32
    %convert_element_type3A = arith.extui %eq3A_0 : i1 to i32
    %cond3A = arith.constant 0 : i32
    %cond3A_1 = arith.cmpi ne, %convert_element_type3A, %cond3A : i32
    scf.if %cond3A_1 {
      %get3A_43 = arith.constant 0 : index
      %get3A_44 = arith.constant 0 : index
      %get3A_45 = vector.load %arg3[%get3A_43, %get3A_44] : memref<80x80xf32, #tpu.memory_space<vmem>>, vector<80x80xf32>
      %reduce_sum3A = arith.constant dense<0.000000e+00> : vector<80xf32>
      %reduce_sum3A_46 = vector.multi_reduction <add>, %get3A_45, %reduce_sum3A [1] : vector<80x80xf32> to vector<80xf32>
      %broadcast_in_dim3A = vector.shape_cast %reduce_sum3A_46 : vector<80xf32> to vector<80x1xf32>
      %transpose3A = tpu.transpose %get3A_45, [1, 0] : vector<80x80xf32> -> vector<80x80xf32>
      %reduce_sum3A_47 = arith.constant dense<0.000000e+00> : vector<80xf32>
      %reduce_sum3A_48 = vector.multi_reduction <add>, %transpose3A, %reduce_sum3A_47 [0] : vector<80x80xf32> to vector<80xf32>
      %broadcast_in_dim3A_49 = vector.shape_cast %reduce_sum3A_48 : vector<80xf32> to vector<1x80xf32>
      %rsqrt3A = math.rsqrt %broadcast_in_dim3A : vector<80x1xf32>
      %transpose3A_50 = tpu.transpose %get3A_45, [1, 0] : vector<80x80xf32> -> vector<80x80xf32>
      %mul3A_51 = vector.broadcast %rsqrt3A : vector<80x1xf32> to vector<80x80xf32>
      %mul3A_52 = arith.mulf %mul3A_51, %transpose3A_50 : vector<80x80xf32>
      %rsqrt3A_53 = math.rsqrt %broadcast_in_dim3A_49 : vector<1x80xf32>
      %mul3A_54 = vector.broadcast %rsqrt3A_53 : vector<1x80xf32> to vector<80x80xf32>
      %mul3A_55 = arith.mulf %mul3A_52, %mul3A_54 : vector<80x80xf32>
      %convert_element_type3A_56 = arith.fptosi %mul3A_55 : vector<80x80xf32> to vector<80x80xi32>
      %ne3A = arith.constant 0 : i32
      %ne3A_57 = vector.broadcast %ne3A : i32 to vector<80x80xi32>
      %ne3A_58 = arith.cmpi ne, %convert_element_type3A_56, %ne3A_57 : vector<80x80xi32>
      %convert_element_type3A_59 = arith.extui %ne3A_58 : vector<80x80xi1> to vector<80x80xi32>
      %convert_element_type3A_60 = arith.sitofp %convert_element_type3A_59 : vector<80x80xi32> to vector<80x80xf32>
      %reduce_sum3A_61 = arith.constant dense<0.000000e+00> : vector<80xf32>
      %reduce_sum3A_62 = vector.multi_reduction <add>, %convert_element_type3A_60, %reduce_sum3A_61 [0] : vector<80x80xf32> to vector<80xf32>
      %broadcast_in_dim3A_63 = vector.shape_cast %reduce_sum3A_62 : vector<80xf32> to vector<1x80xf32>
      %max3A = arith.constant 1.000000e+00 : f32
      %max3A_64 = vector.broadcast %max3A : f32 to vector<1x80xf32>
      %max3A_65 = arith.maximumf %broadcast_in_dim3A_63, %max3A_64 : vector<1x80xf32>
      %div3A = vector.broadcast %max3A_65 : vector<1x80xf32> to vector<80x80xf32>
      %div3A_66 = arith.divf %convert_element_type3A_60, %div3A : vector<80x80xf32>
      %get3A_67 = arith.constant 0 : index
      %get3A_68 = arith.constant 0 : index
      %get3A_69 = vector.load %arg2[%get3A_67, %get3A_68] : memref<80x300xf32, #tpu.memory_space<vmem>>, vector<80x300xf32>
      %dot_general3A_70 = arith.constant dense<0.000000e+00> : vector<80x300xf32>
      %dot_general3A_71 = tpu.matmul %div3A_66, %get3A_69, %dot_general3A_70 {dimension_numbers = #tpu.dot_dimension_numbers<[0], [0], [1], [1], [0, 1, 1, 1], [], []>, transpose_lhs_hint = false} : vector<80x80xf32>, vector<80x300xf32>, vector<80x300xf32> -> vector<80x300xf32>
      %get3A_72 = arith.constant 0 : index
      %get3A_73 = arith.constant 0 : index
      %get3A_74 = vector.load %arg4[%get3A_72, %get3A_73] : memref<300x1024xf32, #tpu.memory_space<vmem>>, vector<300x1024xf32>
      %dot_general3A_75 = arith.constant dense<0.000000e+00> : vector<80x1024xf32>
      %dot_general3A_76 = tpu.matmul %dot_general3A_71, %get3A_74, %dot_general3A_75 {dimension_numbers = #tpu.dot_dimension_numbers<[1], [0], [0], [1], [0, 0, 1, 1], [], []>, transpose_lhs_hint = false} : vector<80x300xf32>, vector<300x1024xf32>, vector<80x1024xf32> -> vector<80x1024xf32>
      %get3A_77 = arith.constant 0 : index
      %get3A_78 = arith.constant 0 : index
      %get3A_79 = vector.load %arg5[%get3A_77, %get3A_78] : memref<1x1024xf32, #tpu.memory_space<vmem>>, vector<1x1024xf32>
      %add3A_80 = vector.broadcast %get3A_79 : vector<1x1024xf32> to vector<80x1024xf32>
      %add3A_81 = arith.addf %dot_general3A_76, %add3A_80 : vector<80x1024xf32>
      %get3A_82 = arith.constant 0 : index
      %get3A_83 = arith.constant 0 : index
      %get3A_84 = vector.load %arg6[%get3A_82, %get3A_83] : memref<300x1024xf32, #tpu.memory_space<vmem>>, vector<300x1024xf32>
      %dot_general3A_85 = arith.constant dense<0.000000e+00> : vector<80x1024xf32>
      %dot_general3A_86 = tpu.matmul %get3A_69, %get3A_84, %dot_general3A_85 {dimension_numbers = #tpu.dot_dimension_numbers<[1], [0], [0], [1], [0, 0, 1, 1], [], []>, transpose_lhs_hint = false} : vector<80x300xf32>, vector<300x1024xf32>, vector<80x1024xf32> -> vector<80x1024xf32>
      %add3A_87 = arith.addf %add3A_81, %dot_general3A_86 : vector<80x1024xf32>
      %gt3A_88 = arith.constant 0.000000e+00 : f32
      %gt3A_89 = vector.broadcast %gt3A_88 : f32 to vector<80x1024xf32>
      %gt3A_90 = arith.cmpf ogt, %add3A_87, %gt3A_89 : vector<80x1024xf32>
      %mul3A_91 = arith.constant 2.000000e-01 : f32
      %mul3A_92 = vector.broadcast %mul3A_91 : f32 to vector<80x1024xf32>
      %mul3A_93 = arith.mulf %mul3A_92, %add3A_87 : vector<80x1024xf32>
      %select_n3A = arith.select %gt3A_90, %add3A_87, %mul3A_93 : vector<80x1024xi1>, vector<80x1024xf32>
      %swap3A_94 = arith.constant 0 : index
      %swap3A_95 = arith.constant 0 : index
      %swap3A_96 = vector.load %arg12[%swap3A_94, %swap3A_95] : memref<80x1024xf32, #tpu.memory_space<vmem>>, vector<80x1024xf32>
      tpu.vector_store %arg12[%swap3A_94, %swap3A_95], %select_n3A {strides = array<i32>} : memref<80x1024xf32, #tpu.memory_space<vmem>>, vector<80x1024xf32>,
      %dot_general3A_97 = arith.constant dense<0.000000e+00> : vector<80x1024xf32>
      %dot_general3A_98 = tpu.matmul %div3A_66, %select_n3A, %dot_general3A_97 {dimension_numbers = #tpu.dot_dimension_numbers<[0], [0], [1], [1], [0, 1, 1, 1], [], []>, transpose_lhs_hint = false} : vector<80x80xf32>, vector<80x1024xf32>, vector<80x1024xf32> -> vector<80x1024xf32>
      %swap3A_99 = arith.constant 0 : index
      %swap3A_100 = arith.constant 0 : index
      %swap3A_101 = vector.load %arg13[%swap3A_99, %swap3A_100] : memref<80x1024xf32, #tpu.memory_space<vmem>>, vector<80x1024xf32>
      tpu.vector_store %arg13[%swap3A_99, %swap3A_100], %dot_general3A_98 {strides = array<i32>} : memref<80x1024xf32, #tpu.memory_space<vmem>>, vector<80x1024xf32>,
    } else {
    }
    %get3A = arith.constant 0 : index
    %get3A_2 = arith.constant 0 : index
    %get3A_3 = arith.constant 0 : index
    %get3A_4 = vector.load %arg1[%get3A, %get3A_2, %get3A_3] : memref<14x64x1536xf32, #tpu.memory_space<vmem>>, vector<14x64x1536xf32>
    %reduce_max3A = arith.constant dense<0xFF800000> : vector<64x1536xf32>
    %reduce_max3A_5 = vector.multi_reduction <maximumf>, %get3A_4, %reduce_max3A [0] : vector<14x64x1536xf32> to vector<64x1536xf32>
    %eq3A_6 = arith.constant 0 : i32
    %eq3A_7 = arith.cmpi eq, %arg0, %eq3A_6 : i32
    %convert_element_type3A_8 = arith.extui %eq3A_7 : i1 to i32
    %cond3A_9 = arith.constant 0 : i32
    %cond3A_10 = arith.cmpi ne, %convert_element_type3A_8, %cond3A_9 : i32
    scf.if %cond3A_10 {
      %swap3A_43 = arith.constant 0 : index
      %swap3A_44 = arith.constant 0 : index
      %swap3A_45 = vector.load %arg14[%swap3A_43, %swap3A_44] : memref<64x1536xf32, #tpu.memory_space<vmem>>, vector<64x1536xf32>
      tpu.vector_store %arg14[%swap3A_43, %swap3A_44], %reduce_max3A_5 {strides = array<i32>} : memref<64x1536xf32, #tpu.memory_space<vmem>>, vector<64x1536xf32>,
    } else {
    }
    %gt3A = arith.constant 0 : i32
    %gt3A_11 = arith.cmpi sgt, %arg0, %gt3A : i32
    %convert_element_type3A_12 = arith.extui %gt3A_11 : i1 to i32
    %cond3A_13 = arith.constant 0 : i32
    %cond3A_14 = arith.cmpi ne, %convert_element_type3A_12, %cond3A_13 : i32
    scf.if %cond3A_14 {
      %get3A_43 = arith.constant 0 : index
      %get3A_44 = arith.constant 0 : index
      %get3A_45 = vector.load %arg14[%get3A_43, %get3A_44] : memref<64x1536xf32, #tpu.memory_space<vmem>>, vector<64x1536xf32>
      %max3A = arith.maximumf %get3A_45, %reduce_max3A_5 : vector<64x1536xf32>
      %swap3A_46 = arith.constant 0 : index
      %swap3A_47 = arith.constant 0 : index
      %swap3A_48 = vector.load %arg14[%swap3A_46, %swap3A_47] : memref<64x1536xf32, #tpu.memory_space<vmem>>, vector<64x1536xf32>
      tpu.vector_store %arg14[%swap3A_46, %swap3A_47], %max3A {strides = array<i32>} : memref<64x1536xf32, #tpu.memory_space<vmem>>, vector<64x1536xf32>,
    } else {
    }
    %get3A_15 = arith.constant 0 : index
    %get3A_16 = arith.constant 0 : index
    %get3A_17 = vector.load %arg13[%get3A_15, %get3A_16] : memref<80x1024xf32, #tpu.memory_space<vmem>>, vector<80x1024xf32>
    %get3A_18 = arith.constant 0 : index
    %get3A_19 = arith.constant 0 : index
    %get3A_20 = vector.load %arg7[%get3A_18, %get3A_19] : memref<1024x128xf32, #tpu.memory_space<vmem>>, vector<1024x128xf32>
    %dot_general3A = arith.constant dense<0.000000e+00> : vector<80x128xf32>
    %dot_general3A_21 = tpu.matmul %get3A_17, %get3A_20, %dot_general3A {dimension_numbers = #tpu.dot_dimension_numbers<[1], [0], [0], [1], [0, 0, 1, 1], [], []>, transpose_lhs_hint = false} : vector<80x1024xf32>, vector<1024x128xf32>, vector<80x128xf32> -> vector<80x128xf32>
    %get3A_22 = arith.constant 0 : index
    %get3A_23 = arith.constant 0 : index
    %get3A_24 = vector.load %arg8[%get3A_22, %get3A_23] : memref<1x128xf32, #tpu.memory_space<vmem>>, vector<1x128xf32>
    %add3A = vector.broadcast %get3A_24 : vector<1x128xf32> to vector<80x128xf32>
    %add3A_25 = arith.addf %dot_general3A_21, %add3A : vector<80x128xf32>
    %get3A_26 = arith.constant 0 : index
    %get3A_27 = arith.constant 0 : index
    %get3A_28 = vector.load %arg12[%get3A_26, %get3A_27] : memref<80x1024xf32, #tpu.memory_space<vmem>>, vector<80x1024xf32>
    %get3A_29 = arith.constant 0 : index
    %get3A_30 = arith.constant 0 : index
    %get3A_31 = vector.load %arg9[%get3A_29, %get3A_30] : memref<1024x128xf32, #tpu.memory_space<vmem>>, vector<1024x128xf32>
    %dot_general3A_32 = arith.constant dense<0.000000e+00> : vector<80x128xf32>
    %dot_general3A_33 = tpu.matmul %get3A_28, %get3A_31, %dot_general3A_32 {dimension_numbers = #tpu.dot_dimension_numbers<[1], [0], [0], [1], [0, 0, 1, 1], [], []>, transpose_lhs_hint = false} : vector<80x1024xf32>, vector<1024x128xf32>, vector<80x128xf32> -> vector<80x128xf32>
    %add3A_34 = arith.addf %add3A_25, %dot_general3A_33 : vector<80x128xf32>
    %mul3A = arith.constant 128 : i32
    %mul3A_35 = arith.muli %arg0, %mul3A : i32
    %swap3A = arith.constant 0 : index
    %swap3A_36 = arith.index_cast %mul3A_35 : i32 to index
    %swap3A_37 = vector.load %arg15[%swap3A, %swap3A_36] : memref<80x2048xf32, #tpu.memory_space<vmem>>, vector<80x128xf32>
    tpu.vector_store %arg15[%swap3A, %swap3A_36], %add3A_34 {strides = array<i32>} : memref<80x2048xf32, #tpu.memory_space<vmem>>, vector<80x128xf32>,
    %eq3A_38 = arith.constant 15 : i32
    %eq3A_39 = arith.cmpi eq, %arg0, %eq3A_38 : i32
    %convert_element_type3A_40 = arith.extui %eq3A_39 : i1 to i32
    %cond3A_41 = arith.constant 0 : i32
    %cond3A_42 = arith.cmpi ne, %convert_element_type3A_40, %cond3A_41 : i32
    scf.if %cond3A_42 {
      %get3A_43 = arith.constant 0 : index
      %get3A_44 = arith.constant 0 : index
      %get3A_45 = vector.load %arg14[%get3A_43, %get3A_44] : memref<64x1536xf32, #tpu.memory_space<vmem>>, vector<64x1536xf32>
      %get3A_46 = arith.constant 0 : index
      %get3A_47 = arith.constant 0 : index
      %get3A_48 = vector.load %arg15[%get3A_46, %get3A_47] : memref<80x2048xf32, #tpu.memory_space<vmem>>, vector<80x1536xf32>
      %dot_general3A_49 = arith.constant dense<0.000000e+00> : vector<64x80xf32>
      %dot_general3A_50 = tpu.matmul %get3A_45, %get3A_48, %dot_general3A_49 {dimension_numbers = #tpu.dot_dimension_numbers<[1], [1], [0], [0], [0, 0, 1, 0], [], []>, transpose_lhs_hint = false} : vector<64x1536xf32>, vector<80x1536xf32>, vector<64x80xf32> -> vector<64x80xf32>
      %swap3A_51 = arith.constant 0 : index
      %swap3A_52 = arith.constant 0 : index
      %swap3A_53 = vector.load %arg10[%swap3A_51, %swap3A_52] : memref<64x80xf32, #tpu.memory_space<vmem>>, vector<64x80xf32>
      tpu.vector_store %arg10[%swap3A_51, %swap3A_52], %dot_general3A_50 {strides = array<i32>} : memref<64x80xf32, #tpu.memory_space<vmem>>, vector<64x80xf32>,
      %get3A_54 = arith.constant 0 : index
      %get3A_55 = arith.constant 1536 : index
      %get3A_56 = vector.load %arg15[%get3A_54, %get3A_55] : memref<80x2048xf32, #tpu.memory_space<vmem>>, vector<80x512xf32>
      %swap3A_57 = arith.constant 0 : index
      %swap3A_58 = arith.constant 0 : index
      %swap3A_59 = vector.load %arg11[%swap3A_57, %swap3A_58] : memref<80x512xf32, #tpu.memory_space<vmem>>, vector<80x512xf32>
      tpu.vector_store %arg11[%swap3A_57, %swap3A_58], %get3A_56 {strides = array<i32>} : memref<80x512xf32, #tpu.memory_space<vmem>>, vector<80x512xf32>,
    } else {
    }
    return
  }
  func.func @transform_0(%arg0: i32) -> (i32, i32, i32) {
    %min3A = arith.constant 13 : i32
    %min3A_0 = arith.minsi %arg0, %min3A : i32
    %c0_i32 = arith.constant 0 : i32
    %c0_i32_1 = arith.constant 0 : i32
    %c0_i32_2 = arith.constant 0 : i32
    return %min3A_0, %c0_i32, %c0_i32_1 : i32, i32, i32
  }
  func.func @transform_1(%arg0: i32) -> (i32, i32) {
    %c0_i32 = arith.constant 0 : i32
    %c0_i32_0 = arith.constant 0 : i32
    %c0_i32_1 = arith.constant 0 : i32
    return %c0_i32, %c0_i32_0 : i32, i32
  }
  func.func @transform_2(%arg0: i32) -> (i32, i32) {
    %c0_i32 = arith.constant 0 : i32
    %c0_i32_0 = arith.constant 0 : i32
    %c0_i32_1 = arith.constant 0 : i32
    return %c0_i32, %c0_i32_0 : i32, i32
  }
  func.func @transform_3(%arg0: i32) -> (i32, i32) {
    %c0_i32 = arith.constant 0 : i32
    %c0_i32_0 = arith.constant 0 : i32
    %c0_i32_1 = arith.constant 0 : i32
    return %c0_i32, %c0_i32_0 : i32, i32
  }
  func.func @transform_4(%arg0: i32) -> (i32, i32) {
    %c0_i32 = arith.constant 0 : i32
    %c0_i32_0 = arith.constant 0 : i32
    %c0_i32_1 = arith.constant 0 : i32
    return %c0_i32, %c0_i32_0 : i32, i32
  }
  func.func @transform_5(%arg0: i32) -> (i32, i32) {
    %c0_i32 = arith.constant 0 : i32
    %c0_i32_0 = arith.constant 0 : i32
    %c0_i32_1 = arith.constant 0 : i32
    return %c0_i32, %c0_i32_0 : i32, i32
  }
  func.func @transform_6(%arg0: i32) -> (i32, i32) {
    %c0_i32 = arith.constant 0 : i32
    %c0_i32_0 = arith.constant 0 : i32
    return %c0_i32, %arg0 : i32, i32
  }
  func.func @transform_7(%arg0: i32) -> (i32, i32) {
    %c0_i32 = arith.constant 0 : i32
    %c0_i32_0 = arith.constant 0 : i32
    return %c0_i32, %arg0 : i32, i32
  }
  func.func @transform_8(%arg0: i32) -> (i32, i32) {
    %c0_i32 = arith.constant 0 : i32
    %c0_i32_0 = arith.constant 0 : i32
    return %c0_i32, %arg0 : i32, i32
  }
  func.func @transform_9(%arg0: i32) -> (i32, i32) {
    %c0_i32 = arith.constant 0 : i32
    %c0_i32_0 = arith.constant 0 : i32
    %c0_i32_1 = arith.constant 0 : i32
    return %c0_i32, %c0_i32_0 : i32, i32
  }
  func.func @transform_10(%arg0: i32) -> (i32, i32) {
    %c0_i32 = arith.constant 0 : i32
    %c0_i32_0 = arith.constant 0 : i32
    %c0_i32_1 = arith.constant 0 : i32
    return %c0_i32, %c0_i32_0 : i32, i32
  }
}

</mosaic_0001>

<sc_bundles>
// kernel: kernel.5.cloned.1.call-start
scs
__scs_entry_jumppad:
0x0: {  	(pc) =	sbr.rel $0x88, $3  }
0x1: {  	(tag) =	ssettag $0x0;
	lr =	simm.s32 $0x1  }
0x2: {  	[smem:$0x3F98] =	sst lr;
	_ =	strace $0xD0000000  }
0x3: {  	_ = 	snop  }
0x4: {  	_ = 	snop  }
0x5: {  	_ = 	snop  }
0x6: {  	_ = 	snop  }
0x7: {  	_ = 	snop  }
__scs_overlays_trampoline_lowered:
0x8: {  	[smem:$0x3FA7] =	sst s0  }
0x9: {  	[smem:$0x3FA8] =	sst s1  }
0xa: {  	[smem:$0x3FA9] =	sst s2  }
0xb: {  	[smem:$0x3FAA] =	sst s3  }
0xc: {  	[smem:$0x3FAB] =	sst s4  }
0xd: {  	[smem:$0x3FAC] =	sst s5  }
0xe: {  	[smem:$0x3FAD] =	sst s6  }
0xf: {  	[smem:$0x3FAE] =	sst s7  }
0x10: {  	[smem:$0x3FAF] =	sst s8  }
0x11: {  	[smem:$0x3FB0] =	sst s9;
	s0 =	simm.s32 @!p0 $0x0  }
0x12: {  	s1 =	sld [smem:$0x3F96];
	s0 =	simm.s32 @p0 $0x1  }
0x13: {  	[smem:$0x3FB1] =	sst s0;
	s0 =	simm.s32 @!p1 $0x0  }
0x14: {  	s2 =	sld [smem:$0x3F95];
	s0 =	simm.s32 @p1 $0x1  }
0x15: {  	[smem:$0x3FB2] =	sst s0;
	s0 =	simm.s32 @!p2 $0x0  }
0x16: {  	s3 =	sld [smem:$0x3FDB];
	s0 =	simm.s32 @p2 $0x1  }
0x17: {  	s4 =	simm.s32 $0x1BF5;
	[smem:$0x3FB4] =	sst s0  }
0x18: {  	s0 =	sld [smem:$0x3F97];
	_ =	swait.ge [sflag:s4], $0x0  }
0x19: {  	s7 =	sld [smem:$0x3F98]  }
0x1a: {  	s8 =	sadd.s32 $0xFFFFE003, lr  }
0x1b: {  	s9 =	sadd.s32 $0xFFFFFEF7, lr;
	s5 =	simm.s32 $0xFFFFFFFF;
	p2 =	slt.u32 s8, $0xFFFFF086  }
0x1c: {  	p1 =	slt.u32 s9, $0xF7A;
	s5 =	simm.s32 @!p2 $0x0  }
0x1d: {  	s5 =	simm.s32 @p1 $0x1;
	p0 =	seq.s32 s7, s2  }
0x1e: {  	s7 =	smul.u32 @!p0 $0xF7A, s2;
	p2 =	seq.s32 @!p0 s5, $0x0  }
0x1f: {  	s9 =	smul.u32 $0xF7A, s1;
	s8 =	simm.s32 @!p0 $0x1BF5;
	p2 =	por !p2, p0  }
0x20: {  	[sflag:s8] =	ssyncset.s32 @!p0 $0xFFFFF086;
	s6 =	sadd.s32 @!p0 s3, s7;
	s7 =	simm.s32 @!p0 $0x108  }
0x21: {  	s3 =	sadd.s32 s3, s9;
	s6 =	sadd.s32 @!p0 $0x88, s6;
	s7 =	simm.s32 @p2 $0x1082  }
0x22: {  	[simem:s7], [sflag:s8] =	dma.local @!p0 [hbm:s6], $0xF7A  }
0x23: {  	s9 =	sor.u32 $0xD0000000, s2;
	s6 =	simm.s32 $0x108;
	_ =	swait.ge @!p0 [sflag:s8], $0x0  }
0x24: {  	s3 =	sadd.s32 $0x88, s3;
	s6 =	simm.s32 @!p1 $0x1082;
	[sflag:s4] =	ssyncset.s32 $0xFFFFF086  }
0x25: {  	[simem:s6], [sflag:s4] =	dma.local [hbm:s3], $0xF7A  }
0x26: {  	[smem:$0x3F98] =	sst s1;
	(tag) =	ssettag s2;
	_ =	strace s9  }
0x27: {  	s1 =	sld [smem:$0x3FA8]  }
0x28: {  	s2 =	sld [smem:$0x3FA9]  }
0x29: {  	s4 =	sld [smem:$0x3FAB]  }
0x2a: {  	p0 =	seq.s32 s5, $0x0;
	s5 =	sld [smem:$0x3FAC]  }
0x2b: {  	s6 =	sld [smem:$0x3FAD]  }
0x2c: {  	s7 =	sld [smem:$0x3FAE]  }
0x2d: {  	s3 =	simm.s32 $0x108;
	s8 =	sld [smem:$0x3FAF]  }
0x2e: {  	s3 =	simm.s32 @!p0 $0x1082;
	s9 =	sld [smem:$0x3FB0]  }
0x2f: {  	lr =	sadd.s32 s0, s3;
	s0 =	sld [smem:$0x3FA7]  }
0x30: {  	s3 =	sld [smem:$0x3FAA]  }
0x31: {  	[smem:$0x3FB3] =	sst s10  }
0x32: {  	s10 =	sld [smem:$0x3FB1];
	_ =	sdelay $0x3  }
0x33: {  	p0 =	seq.s32 s10, $0x1;
	s10 =	sld [smem:$0x3FB3];
	_ =	sdelay $0x3  }
0x34: {  	[smem:$0x3FB3] =	sst s10  }
0x35: {  	s10 =	sld [smem:$0x3FB2];
	_ =	sdelay $0x3  }
0x36: {  	p1 =	seq.s32 s10, $0x1;
	s10 =	sld [smem:$0x3FB3];
	_ =	sdelay $0x3  }
0x37: {  	[smem:$0x3FB3] =	sst s10  }
0x38: {  	s10 =	sld [smem:$0x3FB4]  }
0x39: {  	_ = 	snop;
	(pc) =	sbr.ind lr, $3  }
0x3a: {  	_ = 	snop  }
0x3b: {  	_ = 	snop  }
0x3c: {  	p2 =	seq.s32 s10, $0x1;
	s10 =	sld [smem:$0x3FB3]  }
0x3d: {  	_ =	shalt  }
0x3e: {  	_ =	shalt  }
0x3f: {  	_ =	shalt  }
0x40: {  	_ =	shalt  }
0x41: {  	_ =	shalt  }
0x42: {  	_ =	shalt  }
0x43: {  	_ =	shalt  }
0x44: {  	_ =	shalt  }
0x45: {  	_ =	shalt  }
0x46: {  	_ =	shalt  }
0x47: {  	_ =	shalt  }
0x48: {  	_ =	shalt  }
0x49: {  	_ =	shalt  }
0x4a: {  	_ =	shalt  }
0x4b: {  	_ =	shalt  }
0x4c: {  	_ =	shalt  }
0x4d: {  	_ =	shalt  }
0x4e: {  	_ =	shalt  }
0x4f: {  	_ =	shalt  }
0x50: {  	_ =	shalt  }
0x51: {  	_ =	shalt  }
0x52: {  	_ =	shalt  }
0x53: {  	_ =	shalt  }
0x54: {  	_ =	shalt  }
0x55: {  	_ =	shalt  }
0x56: {  	_ =	shalt  }
0x57: {  	_ =	shalt  }
0x58: {  	_ =	shalt  }
0x59: {  	_ =	shalt  }
0x5a: {  	_ =	shalt  }
0x5b: {  	_ =	shalt  }
0x5c: {  	_ =	shalt  }
0x5d: {  	_ =	shalt  }
0x5e: {  	_ =	shalt  }
0x5f: {  	_ =	shalt  }
0x60: {  	_ =	shalt  }
0x61: {  	_ =	shalt  }
0x62: {  	_ =	shalt  }
0x63: {  	_ =	shalt  }
0x64: {  	_ =	shalt  }
0x65: {  	_ =	shalt  }
0x66: {  	_ =	shalt  }
0x67: {  	_ =	shalt  }
0x68: {  	_ =	shalt  }
0x69: {  	_ =	shalt  }
0x6a: {  	_ =	shalt  }
0x6b: {  	_ =	shalt  }
0x6c: {  	_ =	shalt  }
0x6d: {  	_ =	shalt  }
0x6e: {  	_ =	shalt  }
0x6f: {  	_ =	shalt  }
0x70: {  	_ =	shalt  }
0x71: {  	_ =	shalt  }
0x72: {  	_ =	shalt  }
0x73: {  	_ =	shalt  }
0x74: {  	_ =	shalt  }
0x75: {  	_ =	shalt  }
0x76: {  	_ =	shalt  }
0x77: {  	_ =	shalt  }
0x78: {  	_ =	shalt  }
0x79: {  	_ =	shalt  }
0x7a: {  	_ =	shalt  }
0x7b: {  	_ =	shalt  }
0x7c: {  	_ =	shalt  }
0x7d: {  	_ =	shalt  }
0x7e: {  	_ =	shalt  }
0x7f: {  	_ =	shalt  }
0x80: {  	_ =	shalt  }
0x81: {  	_ =	shalt  }
0x82: {  	_ =	shalt  }
0x83: {  	_ =	shalt  }
0x84: {  	_ =	shalt  }
0x85: {  	_ =	shalt  }
0x86: {  	_ =	shalt  }
0x87: {  	_ =	shalt  }
.Lfunc_end0:
.L_simem_size_0:
called_computation_lowered:
.L_overlay_start_0:
0x88: {  	s2 =	sld [smem:$0x3FD9]  }
0x89: {  	s3 =	sld [smem:$0x3FFE];
	_ =	sdelay $0x1  }
0x8a: {  	s1 =	srdreg.scid  }
0x8b: {  	s0 =	sand.u32 $0x1, s1  }
0x8c: {  	s17 =	sshll.u32 s0, $0xA;
	s2 =	sadd.s32 s3, s2  }
0x8d: {  	s2 =	sadd.s32 s2, s17  }
0x8e: {  	[smem:$0x3FBF] =	sst s2  }
0x8f: {  	_ = 	snop  }
0x90: {  	s2 =	sld [smem:$0x3FC9];
	(tm) =	ssettm $0x1  }
0x91: {  	s18 =	sld [smem:$0x3FFB];
	_ =	sdelay $0x3  }
0x92: {  	_ =	strace s18  }
0x93: {  	s3 =	sld [smem:$0x3FFC];
	_ =	sdelay $0x3  }
0x94: {  	_ =	strace s3  }
0x95: {  	s3 =	sld [smem:$0x3FFD];
	_ =	sdelay $0x3  }
0x96: {  	_ =	strace s3  }
0x97: {  	_ =	strace $0x8FFFFFFF  }
0x98: {  	s19 =	sld [smem:$0x3FDB];
	_ =	sdelay $0x1  }
0x99: {  	s4 =	simm.s32 $_scs_section_size  }
0x9a: {  	s5 =	simm.s32 $_size__tile_overlayer_lowered;
	s6 =	simm.s32 $_tile_overlayer_lowered  }
0x9b: {  	s22 =	simm.s32 $0x1BFF;
	s21 =	sshll.u32 s6, $0x1;
	s3 =	sadd.s32 s4, s19  }
0x9c: {  	s7 =	simm.s32 $0x0;
	s20 =	sshll.u32 s5, $0x1;
	s5 =	sadd.s32 s21, s3  }
0x9d: {  	[timem:s7], [sflag:s22] =	dma.local [hbm:s5], s20  }
0x9e: {  	_ =	swait.ge [sflag:s22], s20  }
0x9f: {  	s4 =	ssub.s32 $0x0, s20;
	[sflag:s22] =	ssyncset.done $0x0  }
0xa0: {  	[sflag:s22] =	ssyncadd.s32 s4;
	_ =	sdelay $0x1  }
0xa1: {  	s23 =	simm.s32 $0x1B8B  }
0xa2: {  	_ =	swait.ge [sflag:s23], $0x1  }
0xa3: {  	[sflag:s23] =	ssyncset.done $0x0  }
0xa4: {  	s25 =	simm.s32 $0x1B8E;
	s24 =	sld [smem:$0x3FFE];
	[sflag:s23] =	ssyncadd.s32 $0xFFFFFFFF  }
0xa5: {  	s26 =	simm.s32 $execute0_lowered;
	[smem:$0x3FD2] =	sst s25  }
0xa6: {  	s5 =	sshll.u32 s26, $0x1;
	_ =	strace $0x80000046;
	[dreg:$0x1] =	wrdreg $0xFFFFFFFF  }
0xa7: {  	s28 =	simm.s32 $_size_execute0_lowered;
	s3 =	sadd.s32 s3, s5;
	[dreg:$0x0] =	wrdreg $0x0  }
0xa8: {  	s5 =	sshll.u32 s28, $0x1;
	[dreg:$0x2] =	wrdreg s3  }
0xa9: {  	[dreg:$0x3] =	wrdreg s5  }
0xaa: {  	[dreg:$0x4] =	wrdreg $0xC0  }
0xab: {  	_ =	task [dreg:s7], $0x5FFFF  }
0xac: {  	[dreg:$0x1] =	wrdreg $0xFFFFFFFF  }
0xad: {  	[dreg:$0x0] =	wrdreg $0x60  }
0xae: {  	[dreg:$0x2] =	wrdreg s2  }
0xaf: {  	[dreg:$0x3] =	wrdreg s24  }
0xb0: {  	[dreg:$0x4] =	wrdreg $0x9  }
0xb1: {  	_ =	task.clear_ibuf [dreg:s7], $0x5FFFF;
	_ =	strace $0x90000046  }
0xb2: {  	s29 =	simm.s32 $0x9;
	_ =	strace $0x80000048  }
0xb3: {  	_ =	swait.ge [sflag:s29], $0x1  }
0xb4: {  	[sflag:s29] =	ssyncadd.s32 $0xFFFFFFFF  }
0xb5: {  	_ =	strace $0x90000048  }
0xb6: {  	_ =	sfence  }
0xb7: {  	s30 =	sld [smem:$0x0];
	_ =	sdelay $0x2  }
0xb8: {  	s31 =	sshll.u32 s1, $0xD;
	s1 =	sshrl.u32 s1, $0x2  }
0xb9: {  	s3 =	sand.u32 $0x4000, s31;
	s1 =	sadd.s32 s1, s30  }
0xba: {  	s0 =	sor.u32 s3, s0;
	s1 =	sshll.u32 s1, $0x11  }
0xbb: {  	s0 =	sor.u32 s1, s0  }
0xbc: {  	s0 =	sadd.s32 $0x8F2B, s0  }
0xbd: {  	[sflag:s0] =	ssyncadd.remote.s32 $0x1  }
0xbe: {  	_ =	sfence.sel $0xFFFF  }
0xbf: {  	[dreg:$0x0] =	wrdreg $0xFFFFFFFF;
	(pc) =	sbr.abs _section_cstart, $3  }
0xc0: {  	[dreg:$0x1] =	wrdreg $0xFFFFFFFF  }
0xc1: {  	_ =	task.clear_ibuf [dreg:s7], $0x2FFFF;
	_ =	strace $0x9FFFFFFF  }
0xc2: {  	(tm) =	ssettm $0x7FFFFFFF  }
0xc3: {  	_ =	shalt  }
tec
execute0_lowered:
.L_overlay_start_1:
0x0: {  	(tag) =	ssettag $0x1  }
0x1: {  	s1 =	stileid.u32  }
0x2: {  	p0 =	sgt.u32 s1, $0xD  }
.Ltmp0:
0x3: {  	_ = 	snop;
	(pc) =	sbr.rel @p0 .LBB2_11-.Ltmp0, $4  }
0x4: {  	s7 =	rddreg [dreg:$0x0]  }
0x5: {  	s3 =	rddreg [dreg:$0x1];
	s2 =	simm.s32 $0x0  }
0x6: {  	[smem:$0x7FF] =	sst s2  }
0x7: {  	s0 =	rddreg [dreg:$0x2];
	_ =	strace $0x80000047  }
0x8: {  	s4 =	srdreg.scid  }
0x9: {  	s5 =	sshll.u32 s1, $0x1;
	s26 =	sshrl.u32 s1, $0x1;
	s12 =	simm.s32 $0x1  }
0xa: {  	s13 =	simm.s32 $0x2;
	s6 =	sand.u32 $0x1, s4;
	s25 =	sand.u32 $0x2, s5  }
0xb: {  	s14 =	simm.s32 $0x1000;
	s15 =	simm.s32 $0x1C000;
	s4 =	sor.u32 s6, s25  }
0xc: {  	s16 =	simm.s32 $0x3;
	s8 =	smul.u32 $0x380000, s26;
	s4 =	sshll.u32 s4, $0xA  }
0xd: {  	s5 =	sshll.u32 s26, $0xF;
	s6 =	ssub.s32 $0x2, s6;
	s9 =	sor.u32 $0x3000, s4  }
0xe: {  	s31 =	sshrl.u32 s6, $0x1;
	s4 =	sor.u32 s5, s4;
	s10 =	sor.u32 s9, s8  }
0xf: {  	s4 =	sshrl.u32 s4, $0x3;
	s30 =	sadd.s32 s9, s8;
	s8 =	sor.u32 s8, s9  }
0x10: {  	s9 =	ssub.s32 s6, s31;
	s28 =	sadd.s32 $0x1C0000, s10;
	s10 =	sadd.s32 $0x2A0000, s10  }
0x11: {  	s11 =	sadd.s32 s4, s3;
	s8 =	sshrl.u32 s8, $0x3;
	s5 =	sshrl.u32 s28, $0x3  }
0x12: {  	s29 =	sshrl.u32 s10, $0x3;
	s10 =	sadd.s32 $0xE0000, s30;
	s3 =	sadd.s32 s7, s5  }
0x13: {  	s4 =	sadd.s32 s7, s29;
	s5 =	sadd.s32 $0x1800, s11;
	s10 =	sshrl.u32 s10, $0x3  }
0x14: {  	s11 =	simm.s32 $0xE000;
	s6 =	sadd.s32 s7, s10;
	s7 =	sadd.s32 s7, s8  }
0x15: {  	s8 =	smax.u32 s9, $0x1;
	s9 =	simm.s32 $0x400;
	s10 =	simm.s32 $0x4000  }
.LBB2_2:
0x16: {  	s17 =	simm.s32 $0x0  }
0x17: {  	[tilespmem:s17], [sflag:$0x1] =	stream.strided.gather [hbm4b:s7+s9], $0xE000, s10, s9, $0x38;
	[tilespmem:$0x1E000] =	vst v63  }
0x18: {  	_ = 	snop  }
0x19: {  	[tilespmem:s11], [sflag:$0x2] =	stream.strided.gather [hbm4b:s6+s9], $0xE000, s10, s9, $0x38;
	[tilespmem:$0x1E000] =	vst v63  }
0x1a: {  	_ =	swait.ge [sflag:s12], $0xE000  }
0x1b: {  	[sflag:s12] =	ssyncset.done $0x0  }
0x1c: {  	s17 =	simm.s32 $0x0;
	[sflag:s12] =	ssyncadd.s32 $0xFFFF2000  }
0x1d: {  	v0 =	vld [tilespmem:s17+$0x70]  }
0x1e: {  	v1 =	vld [tilespmem:s17+$0x2070]  }
0x1f: {  	v2 =	vld [tilespmem:s17+$0x4070]  }
0x20: {  	v3 =	vld [tilespmem:s17+$0x6070]  }
0x21: {  	v4 =	vld [tilespmem:s17+$0x8070]  }
0x22: {  	v5 =	vld [tilespmem:s17+$0xA070]  }
0x23: {  	v6 =	vld [tilespmem:s17+$0xC070]  }
0x24: {  	v7 =	vld [tilespmem:s17+$0x2030]  }
0x25: {  	v8 =	vld [tilespmem:s17+$0x40]  }
0x26: {  	v9 =	vld [tilespmem:s17+$0x2040]  }
0x27: {  	v10 =	vld [tilespmem:s17+$0x50]  }
0x28: {  	v11 =	vld [tilespmem:s17+$0x2050]  }
0x29: {  	v12 =	vld [tilespmem:s17+$0x60]  }
0x2a: {  	v13 =	vld [tilespmem:s17+$0x2060]  }
0x2b: {  	v14 =	vld [tilespmem:s17+$0x4000]  }
0x2c: {  	v15 =	vld [tilespmem:s17+$0x4010]  }
0x2d: {  	v16 =	vld [tilespmem:s17+$0x4020]  }
0x2e: {  	v17 =	vld [tilespmem:s17+$0x4030]  }
0x2f: {  	v18 =	vld [tilespmem:s17+$0x4040]  }
0x30: {  	v19 =	vld [tilespmem:s17+$0x4050]  }
0x31: {  	v20 =	vld [tilespmem:s17+$0x4060]  }
0x32: {  	v21 =	vld [tilespmem:s17+$0x6000]  }
0x33: {  	v22 =	vld [tilespmem:s17+$0x6010]  }
0x34: {  	v23 =	vld [tilespmem:s17+$0x6020]  }
0x35: {  	v24 =	vld [tilespmem:s17+$0x6030]  }
0x36: {  	v25 =	vld [tilespmem:s17+$0x6040]  }
0x37: {  	v26 =	vld [tilespmem:s17+$0x6050]  }
0x38: {  	v27 =	vld [tilespmem:s17+$0x6060]  }
0x39: {  	v28 =	vld [tilespmem:s17+$0x8000]  }
0x3a: {  	v29 =	vld [tilespmem:s17+$0x8010]  }
0x3b: {  	v30 =	vld [tilespmem:s17+$0x8020]  }
0x3c: {  	v31 =	vld [tilespmem:s17+$0x8030]  }
0x3d: {  	v32 =	vld [tilespmem:s17+$0x8040]  }
0x3e: {  	v33 =	vld [tilespmem:s17+$0x8050]  }
0x3f: {  	v34 =	vld [tilespmem:s17+$0x8060]  }
0x40: {  	v35 =	vld [tilespmem:s17+$0xA000]  }
0x41: {  	v0 =	vmax.f32 v0, v1;
	v1 =	vld [tilespmem:s17+$0x0]  }
0x42: {  	v0 =	vmax.f32 v0, v2;
	v2 =	vld [tilespmem:s17+$0x2000]  }
0x43: {  	v0 =	vmax.f32 v0, v3;
	v3 =	vld [tilespmem:s17+$0x10]  }
0x44: {  	v0 =	vmax.f32 v0, v4;
	v4 =	vld [tilespmem:s17+$0x2010]  }
0x45: {  	v0 =	vmax.f32 v0, v5;
	v5 =	vld [tilespmem:s17+$0x20]  }
0x46: {  	v0 =	vmax.f32 v0, v6;
	v6 =	vld [tilespmem:s17+$0x2020]  }
0x47: {  	v36 =	vld [tilespmem:s17+$0xA010]  }
0x48: {  	[tilespmem:s17+$0x1C070] =	vst v0;
	v0 =	vld [tilespmem:s17+$0x30];
	v1 =	vmax.f32 v1, v2  }
0x49: {  	v37 =	vld [tilespmem:s17+$0xA020];
	v1 =	vmax.f32 v1, v14;
	v2 =	vmax.f32 v3, v4  }
0x4a: {  	v38 =	vld [tilespmem:s17+$0xA030];
	v1 =	vmax.f32 v1, v21;
	v2 =	vmax.f32 v2, v15  }
0x4b: {  	v57 =	vld [tilespmem:s17+$0xC020];
	v1 =	vmax.f32 v1, v28;
	v4 =	vmax.f32 v5, v6;
	v5 =	vmax.f32 v8, v9  }
0x4c: {  	v3 =	vld [tilespmem:s17+$0xA040];
	v8 =	vmax.f32 v12, v13;
	v2 =	vmax.f32 v2, v22;
	v59 =	vmax.f32 v1, v35  }
0x4d: {  	v6 =	vld [tilespmem:s17+$0xA050];
	v0 =	vmax.f32 v0, v7;
	v7 =	vmax.f32 v10, v11;
	v4 =	vmax.f32 v4, v16  }
0x4e: {  	v10 =	vld [tilespmem:s17+$0xC000];
	v5 =	vmax.f32 v5, v18;
	v8 =	vmax.f32 v8, v20;
	v60 =	vmax.f32 v2, v29  }
0x4f: {  	v11 =	vld [tilespmem:s17+$0xC010];
	v0 =	vmax.f32 v0, v17;
	v7 =	vmax.f32 v7, v19;
	v4 =	vmax.f32 v4, v23  }
0x50: {  	v9 =	vld [tilespmem:s17+$0xA060];
	v5 =	vmax.f32 v5, v25;
	v8 =	vmax.f32 v8, v27;
	v15 =	vmax.f32 v60, v36  }
0x51: {  	v58 =	vmax.f32 v0, v24;
	v0 =	vld [tilespmem:s17+$0xC030];
	v7 =	vmax.f32 v7, v26;
	v4 =	vmax.f32 v4, v30  }
0x52: {  	v1 =	vld [tilespmem:s17+$0xC040];
	v61 =	vmax.f32 v5, v32;
	v13 =	vmax.f32 v58, v31;
	v62 =	vmax.f32 v7, v33  }
0x53: {  	v2 =	vld [tilespmem:s17+$0xC050];
	v63 =	vmax.f32 v4, v37;
	v7 =	vmax.f32 v61, v3;
	v10 =	vmax.f32 v59, v10  }
0x54: {  	s19 =	simm.s32 $0x80;
	v5 =	vld [tilespmem:s17+$0xC060];
	v6 =	vmax.f32 v62, v6;
	v11 =	vmax.f32 v15, v11;
	[tilespmem:s17+$0x1C000] =	vst v10;
	v10 =	vmax.f32 v8, v34  }
0x55: {  	s18 =	simm.s32 $0x400;
	v8 =	vmax.f32 v13, v38;
	v3 =	vld [tilespmem:s19+$0x70];
	v4 =	vmax.f32 v10, v9;
	[tilespmem:s17+$0x1C010] =	vst v11;
	v9 =	vmax.f32 v63, v57  }
.LBB2_3:
0x56: {  	p0 =	sne.s32 s18, $0x7E00;
	v10 =	vld [tilespmem:s19+$0x2070];
	[tilespmem:s17+$0x1C020] =	vst v9;
	v0 =	vmax.f32 v8, v0  }
0x57: {  	v8 =	vld [tilespmem:s19+$0x4070];
	[tilespmem:s17+$0x1C030] =	vst v0;
	v0 =	vmax.f32 v7, v1  }
0x58: {  	v1 =	vld [tilespmem:s19+$0x6070];
	[tilespmem:s17+$0x1C040] =	vst v0;
	v0 =	vmax.f32 v6, v2  }
0x59: {  	v2 =	vld [tilespmem:s19+$0x8070];
	[tilespmem:s17+$0x1C050] =	vst v0;
	v0 =	vmax.f32 v4, v5  }
0x5a: {  	v4 =	vld [tilespmem:s19+$0xA070];
	[tilespmem:s17+$0x1C060] =	vst v0;
	s17 =	smov.u32 s19  }
0x5b: {  	v0 =	vmax.f32 v3, v10;
	v3 =	vld [tilespmem:s17+$0xC070]  }
0x5c: {  	v5 =	vld [tilespmem:s17+$0x0];
	v0 =	vmax.f32 v0, v8  }
0x5d: {  	v6 =	vld [tilespmem:s17+$0x2000];
	v0 =	vmax.f32 v0, v1  }
0x5e: {  	v1 =	vld [tilespmem:s17+$0x10];
	v0 =	vmax.f32 v0, v2  }
0x5f: {  	v2 =	vld [tilespmem:s17+$0x2010];
	v0 =	vmax.f32 v0, v4  }
0x60: {  	v4 =	vld [tilespmem:s17+$0x20];
	v0 =	vmax.f32 v0, v3  }
0x61: {  	v3 =	vld [tilespmem:s17+$0x2020];
	[tilespmem:s17+$0x1C070] =	vst v0  }
0x62: {  	v0 =	vmax.f32 v5, v6;
	v5 =	vld [tilespmem:s17+$0x30]  }
0x63: {  	v6 =	vld [tilespmem:s17+$0x2030]  }
0x64: {  	v1 =	vmax.f32 v1, v2;
	v2 =	vld [tilespmem:s17+$0x40]  }
0x65: {  	v7 =	vld [tilespmem:s17+$0x2040]  }
0x66: {  	v3 =	vmax.f32 v4, v3;
	v4 =	vld [tilespmem:s17+$0x50]  }
0x67: {  	v8 =	vld [tilespmem:s17+$0x2050]  }
0x68: {  	v5 =	vmax.f32 v5, v6;
	v6 =	vld [tilespmem:s17+$0x60]  }
0x69: {  	v9 =	vld [tilespmem:s17+$0x2060]  }
0x6a: {  	v10 =	vld [tilespmem:s17+$0x4000];
	v2 =	vmax.f32 v2, v7  }
0x6b: {  	v7 =	vld [tilespmem:s17+$0x4010]  }
0x6c: {  	v11 =	vld [tilespmem:s17+$0x4020];
	v4 =	vmax.f32 v4, v8  }
0x6d: {  	v8 =	vld [tilespmem:s17+$0x4030]  }
0x6e: {  	v12 =	vld [tilespmem:s17+$0x4040];
	v6 =	vmax.f32 v6, v9  }
0x6f: {  	v0 =	vmax.f32 v0, v10;
	v9 =	vld [tilespmem:s17+$0x4050]  }
0x70: {  	v1 =	vmax.f32 v1, v7;
	v7 =	vld [tilespmem:s17+$0x4060]  }
0x71: {  	v10 =	vld [tilespmem:s17+$0x6000];
	v3 =	vmax.f32 v3, v11  }
0x72: {  	v11 =	vld [tilespmem:s17+$0x6010];
	v5 =	vmax.f32 v5, v8  }
0x73: {  	v8 =	vld [tilespmem:s17+$0x6020];
	v2 =	vmax.f32 v2, v12  }
0x74: {  	v12 =	vld [tilespmem:s17+$0x6030];
	v4 =	vmax.f32 v4, v9  }
0x75: {  	v9 =	vld [tilespmem:s17+$0x6040];
	v6 =	vmax.f32 v6, v7  }
0x76: {  	v0 =	vmax.f32 v0, v10;
	v7 =	vld [tilespmem:s17+$0x6050]  }
0x77: {  	v1 =	vmax.f32 v1, v11;
	v10 =	vld [tilespmem:s17+$0x6060]  }
0x78: {  	v11 =	vld [tilespmem:s17+$0x8000];
	v3 =	vmax.f32 v3, v8  }
0x79: {  	v8 =	vld [tilespmem:s17+$0x8010];
	v5 =	vmax.f32 v5, v12  }
0x7a: {  	v12 =	vld [tilespmem:s17+$0x8020];
	v2 =	vmax.f32 v2, v9  }
0x7b: {  	v9 =	vld [tilespmem:s17+$0x8030];
	v4 =	vmax.f32 v4, v7  }
0x7c: {  	v7 =	vld [tilespmem:s17+$0x8040];
	v6 =	vmax.f32 v6, v10  }
0x7d: {  	v0 =	vmax.f32 v0, v11;
	v10 =	vld [tilespmem:s17+$0x8050]  }
0x7e: {  	v1 =	vmax.f32 v1, v8;
	v8 =	vld [tilespmem:s17+$0x8060]  }
0x7f: {  	v11 =	vld [tilespmem:s17+$0xA000];
	v3 =	vmax.f32 v3, v12  }
0x80: {  	v12 =	vld [tilespmem:s17+$0xA010];
	v5 =	vmax.f32 v5, v9  }
0x81: {  	v9 =	vld [tilespmem:s17+$0xA020];
	v2 =	vmax.f32 v2, v7  }
0x82: {  	v7 =	vld [tilespmem:s17+$0xA030];
	v4 =	vmax.f32 v4, v10  }
0x83: {  	v10 =	vld [tilespmem:s17+$0xA040];
	v13 =	vmax.f32 v6, v8  }
0x84: {  	v11 =	vmax.f32 v0, v11;
	v6 =	vld [tilespmem:s17+$0xA050]  }
0x85: {  	v12 =	vmax.f32 v1, v12;
	v14 =	vld [tilespmem:s17+$0xA060]  }
0x86: {  	v15 =	vld [tilespmem:s17+$0xC000];
	v9 =	vmax.f32 v3, v9  }
0x87: {  	v3 =	vld [tilespmem:s17+$0xC010];
	v8 =	vmax.f32 v5, v7  }
0x88: {  	v16 =	vld [tilespmem:s17+$0xC020];
	v7 =	vmax.f32 v2, v10  }
.Ltmp1:
0x89: {  	v0 =	vld [tilespmem:s17+$0xC030];
	v6 =	vmax.f32 v4, v6;
	(pc) =	sbr.rel @p0 .LBB2_3-.Ltmp1, $4  }
0x8a: {  	v1 =	vld [tilespmem:s17+$0xC040];
	v4 =	vmax.f32 v13, v14  }
0x8b: {  	v5 =	vmax.f32 v11, v15;
	v2 =	vld [tilespmem:s17+$0xC050]  }
0x8c: {  	s19 =	sshra.s32 s18, $0x2;
	[tilespmem:s17+$0x1C000] =	vst v5;
	v10 =	vmax.f32 v12, v3;
	v5 =	vld [tilespmem:s17+$0xC060]  }
0x8d: {  	s18 =	sadd.s32 $0x200, s18;
	v3 =	vld [tilespmem:s19+$0x70];
	[tilespmem:s17+$0x1C010] =	vst v10;
	v9 =	vmax.f32 v9, v16  }
0x8e: {  	v10 =	vld [tilespmem:s19+$0x2070];
	[tilespmem:s17+$0x1C020] =	vst v9;
	v0 =	vmax.f32 v8, v0  }
0x8f: {  	v8 =	vld [tilespmem:s19+$0x4070];
	[tilespmem:s17+$0x1C030] =	vst v0;
	v0 =	vmax.f32 v7, v1  }
0x90: {  	v1 =	vld [tilespmem:s19+$0x6070];
	[tilespmem:s17+$0x1C040] =	vst v0;
	v0 =	vmax.f32 v6, v2  }
0x91: {  	v2 =	vld [tilespmem:s19+$0x8070];
	[tilespmem:s17+$0x1C050] =	vst v0;
	v0 =	vmax.f32 v4, v5  }
0x92: {  	v4 =	vld [tilespmem:s19+$0xA070];
	[tilespmem:s17+$0x1C060] =	vst v0  }
0x93: {  	v0 =	vld [tilespmem:s19+$0xC070]  }
0x94: {  	v5 =	vld [tilespmem:s19+$0x0]  }
0x95: {  	v6 =	vld [tilespmem:s19+$0x2000]  }
0x96: {  	v7 =	vld [tilespmem:s19+$0x2030]  }
0x97: {  	v9 =	vld [tilespmem:s19+$0x2040]  }
0x98: {  	v3 =	vmax.f32 v3, v10;
	v10 =	vld [tilespmem:s19+$0x50]  }
0x99: {  	v11 =	vld [tilespmem:s19+$0x2050]  }
0x9a: {  	v12 =	vld [tilespmem:s19+$0x60]  }
0x9b: {  	v13 =	vld [tilespmem:s19+$0x2060]  }
0x9c: {  	v14 =	vld [tilespmem:s19+$0x4000]  }
0x9d: {  	v15 =	vld [tilespmem:s19+$0x4010]  }
0x9e: {  	v16 =	vld [tilespmem:s19+$0x4020]  }
0x9f: {  	v17 =	vld [tilespmem:s19+$0x4030]  }
0xa0: {  	v18 =	vld [tilespmem:s19+$0x4040]  }
0xa1: {  	v19 =	vld [tilespmem:s19+$0x4050]  }
0xa2: {  	v20 =	vld [tilespmem:s19+$0x4060]  }
0xa3: {  	v21 =	vld [tilespmem:s19+$0x6000]  }
0xa4: {  	v22 =	vld [tilespmem:s19+$0x6010]  }
0xa5: {  	v23 =	vld [tilespmem:s19+$0x6020]  }
0xa6: {  	v24 =	vld [tilespmem:s19+$0x6030]  }
0xa7: {  	v25 =	vld [tilespmem:s19+$0x6040]  }
0xa8: {  	v26 =	vld [tilespmem:s19+$0x6050]  }
0xa9: {  	v27 =	vld [tilespmem:s19+$0x6060]  }
0xaa: {  	v28 =	vld [tilespmem:s19+$0x8000]  }
0xab: {  	v29 =	vld [tilespmem:s19+$0x8010]  }
0xac: {  	v30 =	vld [tilespmem:s19+$0x8020]  }
0xad: {  	v31 =	vld [tilespmem:s19+$0x8030]  }
0xae: {  	v32 =	vld [tilespmem:s19+$0x8040]  }
0xaf: {  	v33 =	vld [tilespmem:s19+$0x8050]  }
0xb0: {  	v34 =	vld [tilespmem:s19+$0x8060]  }
0xb1: {  	v35 =	vld [tilespmem:s19+$0xA000]  }
0xb2: {  	v36 =	vld [tilespmem:s19+$0xA010]  }
0xb3: {  	v37 =	vld [tilespmem:s19+$0xA020]  }
0xb4: {  	v38 =	vld [tilespmem:s19+$0xA030]  }
0xb5: {  	v3 =	vmax.f32 v3, v8;
	v8 =	vld [tilespmem:s19+$0x40]  }
0xb6: {  	v1 =	vmax.f32 v3, v1;
	v3 =	vld [tilespmem:s19+$0x10]  }
0xb7: {  	v1 =	vmax.f32 v1, v2;
	v2 =	vld [tilespmem:s19+$0x2010]  }
0xb8: {  	v1 =	vmax.f32 v1, v4;
	v4 =	vld [tilespmem:s19+$0x20]  }
0xb9: {  	v0 =	vmax.f32 v1, v0;
	v1 =	vld [tilespmem:s19+$0x2020]  }
0xba: {  	v5 =	vmax.f32 v5, v6;
	[tilespmem:s19+$0x1C070] =	vst v0;
	v0 =	vld [tilespmem:s19+$0x30]  }
0xbb: {  	v39 =	vld [tilespmem:s19+$0xA040];
	v6 =	vmax.f32 v10, v11;
	v5 =	vmax.f32 v5, v14  }
0xbc: {  	v10 =	vld [tilespmem:s19+$0xC010];
	v6 =	vmax.f32 v6, v19;
	v5 =	vmax.f32 v5, v21;
	v2 =	vmax.f32 v3, v2  }
0xbd: {  	v11 =	vld [tilespmem:s19+$0xC020];
	v6 =	vmax.f32 v6, v26;
	v5 =	vmax.f32 v5, v28;
	v2 =	vmax.f32 v2, v15  }
0xbe: {  	v5 =	vmax.f32 v5, v35;
	v1 =	vmax.f32 v4, v1;
	v4 =	vmax.f32 v8, v9;
	v9 =	vld [tilespmem:s19+$0xC000]  }
0xbf: {  	v3 =	vld [tilespmem:s19+$0xA050];
	v8 =	vmax.f32 v12, v13;
	v2 =	vmax.f32 v2, v22;
	v0 =	vmax.f32 v0, v7  }
0xc0: {  	v12 =	vld [tilespmem:s19+$0xC030];
	v1 =	vmax.f32 v1, v16;
	v4 =	vmax.f32 v4, v18;
	v8 =	vmax.f32 v8, v20  }
0xc1: {  	v13 =	vld [tilespmem:s19+$0xC040];
	v2 =	vmax.f32 v2, v29;
	v0 =	vmax.f32 v0, v17;
	v1 =	vmax.f32 v1, v23  }
0xc2: {  	v7 =	vld [tilespmem:s19+$0xA060];
	v4 =	vmax.f32 v4, v25;
	v8 =	vmax.f32 v8, v27;
	v2 =	vmax.f32 v2, v36  }
0xc3: {  	v0 =	vmax.f32 v0, v24;
	v1 =	vmax.f32 v1, v30;
	v5 =	vmax.f32 v5, v9;
	v9 =	vld [tilespmem:s19+$0xC050]  }
0xc4: {  	v2 =	vmax.f32 v2, v10;
	v0 =	vmax.f32 v0, v31;
	v1 =	vmax.f32 v1, v37;
	[tilespmem:s19+$0x1C000] =	vst v5;
	v5 =	vld [tilespmem:s19+$0xC060]  }
0xc5: {  	v4 =	vmax.f32 v4, v32;
	[tilespmem:s19+$0x1C010] =	vst v2;
	v0 =	vmax.f32 v0, v38;
	v1 =	vmax.f32 v1, v11  }
0xc6: {  	v2 =	vmax.f32 v6, v33;
	v4 =	vmax.f32 v4, v39;
	[tilespmem:s19+$0x1C020] =	vst v1;
	v0 =	vmax.f32 v0, v12  }
0xc7: {  	v2 =	vmax.f32 v2, v3;
	v1 =	vmax.f32 v8, v34;
	[tilespmem:s19+$0x1C030] =	vst v0;
	v0 =	vmax.f32 v4, v13  }
0xc8: {  	v1 =	vmax.f32 v1, v7;
	[tilespmem:s19+$0x1C040] =	vst v0;
	v0 =	vmax.f32 v2, v9  }
0xc9: {  	[tilespmem:s19+$0x1C050] =	vst v0;
	v0 =	vmax.f32 v1, v5  }
0xca: {  	s31 =	simm.s32 $0x0;
	[tilespmem:s19+$0x1C060] =	vst v0  }
0xcb: {  	[tilespmem:s31], [sflag:$0x1] =	stream.strided.gather [hbm4b:s3+s9], $0xE000, s10, s9, $0x38;
	[tilespmem:$0x1E000] =	vst v63  }
0xcc: {  	_ =	swait.ge [sflag:s13], $0xE000  }
0xcd: {  	[sflag:s13] =	ssyncset.done $0x0  }
0xce: {  	s17 =	simm.s32 $0x0;
	[sflag:s13] =	ssyncadd.s32 $0xFFFF2000  }
0xcf: {  	v21 =	vld [tilespmem:s17+$0x1A000]  }
0xd0: {  	v22 =	vld [tilespmem:s17+$0x1A010]  }
0xd1: {  	v6 =	vld [tilespmem:s17+$0x1A020]  }
0xd2: {  	v5 =	vld [tilespmem:s17+$0x1A030]  }
0xd3: {  	v4 =	vld [tilespmem:s17+$0x1A040]  }
0xd4: {  	v1 =	vld [tilespmem:s17+$0x1A050]  }
0xd5: {  	v0 =	vld [tilespmem:s17+$0x1A060]  }
0xd6: {  	v26 =	vld [tilespmem:s17+$0x18000]  }
0xd7: {  	v28 =	vld [tilespmem:s17+$0x18010]  }
0xd8: {  	v12 =	vld [tilespmem:s17+$0x18020]  }
0xd9: {  	v10 =	vld [tilespmem:s17+$0x18030]  }
0xda: {  	v9 =	vld [tilespmem:s17+$0x18040]  }
0xdb: {  	v3 =	vld [tilespmem:s17+$0x18050]  }
0xdc: {  	v2 =	vld [tilespmem:s17+$0x18060]  }
0xdd: {  	v25 =	vld [tilespmem:s17+$0x16000]  }
0xde: {  	v27 =	vld [tilespmem:s17+$0x16010]  }
0xdf: {  	v17 =	vld [tilespmem:s17+$0x16020]  }
0xe0: {  	v15 =	vld [tilespmem:s17+$0x16030]  }
0xe1: {  	v14 =	vld [tilespmem:s17+$0x16040]  }
0xe2: {  	v8 =	vld [tilespmem:s17+$0x16050]  }
0xe3: {  	v7 =	vld [tilespmem:s17+$0x16060]  }
0xe4: {  	v29 =	vld [tilespmem:s17+$0x14000]  }
0xe5: {  	v30 =	vld [tilespmem:s17+$0x14010]  }
0xe6: {  	v31 =	vld [tilespmem:s17+$0x14020]  }
0xe7: {  	v20 =	vld [tilespmem:s17+$0x14030]  }
0xe8: {  	v19 =	vld [tilespmem:s17+$0x14040]  }
0xe9: {  	v13 =	vld [tilespmem:s17+$0x14050]  }
0xea: {  	v11 =	vld [tilespmem:s17+$0x14060]  }
0xeb: {  	v48 =	vld [tilespmem:s17+$0x12000]  }
0xec: {  	v49 =	vld [tilespmem:s17+$0x12010]  }
0xed: {  	v50 =	vld [tilespmem:s17+$0x12020]  }
0xee: {  	v51 =	vld [tilespmem:s17+$0x12030]  }
0xef: {  	v23 =	vld [tilespmem:s17+$0x12040]  }
0xf0: {  	v18 =	vld [tilespmem:s17+$0x12050]  }
0xf1: {  	v16 =	vld [tilespmem:s17+$0x12060]  }
0xf2: {  	v52 =	vld [tilespmem:s17+$0x10000]  }
0xf3: {  	v53 =	vld [tilespmem:s17+$0x10010]  }
0xf4: {  	v54 =	vld [tilespmem:s17+$0x10020]  }
0xf5: {  	v55 =	vld [tilespmem:s17+$0x10030]  }
0xf6: {  	v40 =	vld [tilespmem:s17+$0x10040]  }
0xf7: {  	v41 =	vld [tilespmem:s17+$0xE000]  }
0xf8: {  	v42 =	vld [tilespmem:s17+$0xE010]  }
0xf9: {  	v43 =	vld [tilespmem:s17+$0x1C000]  }
0xfa: {  	v44 =	vld [tilespmem:s17+$0x1C010]  }
0xfb: {  	v24 =	vld [tilespmem:s17+$0x10050]  }
0xfc: {  	v45 =	vld [tilespmem:s17+$0xE020]  }
0xfd: {  	v46 =	vld [tilespmem:s17+$0xE030]  }
0xfe: {  	v56 =	vld [tilespmem:s17+$0xE040];
	v41 =	vmax.f32 v43, v41  }
0xff: {  	v58 =	vld [tilespmem:s17+$0x1C020];
	v57 =	vmax.f32 v44, v42;
	v36 =	vmax.f32 v41, v52  }
0x100: {  	v60 =	vld [tilespmem:s17+$0x1C030];
	v59 =	vmax.f32 v57, v53;
	v32 =	vmax.f32 v36, v48  }
0x101: {  	v62 =	vld [tilespmem:s17+$0x1C040];
	v61 =	vmax.f32 v59, v49;
	v29 =	vmax.f32 v32, v29  }
0x102: {  	v30 =	vmax.f32 v61, v30;
	v29 =	vmax.f32 v29, v25;
	v25 =	vld [tilespmem:s17+$0x10060]  }
0x103: {  	v26 =	vmax.f32 v29, v26;
	v29 =	vmax.f32 v30, v27;
	v27 =	vld [tilespmem:s17+$0xE050]  }
0x104: {  	v26 =	vmax.f32 v26, v21;
	v21 =	vmax.f32 v29, v28;
	v29 =	vmax.f32 v58, v45;
	v28 =	vld [tilespmem:s17+$0xE060]  }
0x105: {  	v30 =	vmax.f32 v60, v46;
	v21 =	vmax.f32 v21, v22;
	v29 =	vmax.f32 v29, v54;
	v22 =	vld [tilespmem:s17+$0xE070]  }
0x106: {  	v33 =	vmax.f32 v62, v56;
	v30 =	vmax.f32 v30, v55;
	v63 =	vmax.f32 v29, v50;
	v29 =	vld [tilespmem:s17+$0x1C050]  }
0x107: {  	s18 =	simm.s32 $0x200;
	v33 =	vmax.f32 v33, v40;
	v32 =	vmax.f32 v30, v51;
	v30 =	vld [tilespmem:s17+$0x1C060];
	v31 =	vmax.f32 v63, v31  }
.LBB2_5:
0x108: {  	p0 =	sne.s32 s18, $0x7E00;
	v17 =	vmax.f32 v31, v17;
	v20 =	vmax.f32 v32, v20;
	v23 =	vmax.f32 v33, v23;
	v31 =	vld [tilespmem:s17+$0x1C070]  }
0x109: {  	v12 =	vmax.f32 v17, v12;
	v15 =	vmax.f32 v20, v15;
	v17 =	vmax.f32 v23, v19;
	v19 =	vld [tilespmem:s17+$0x10070]  }
0x10a: {  	v6 =	vmax.f32 v12, v6;
	v10 =	vmax.f32 v15, v10;
	v12 =	vmax.f32 v17, v14;
	v14 =	vld [tilespmem:s17+$0x12070]  }
0x10b: {  	v5 =	vmax.f32 v10, v5;
	v9 =	vmax.f32 v12, v9;
	v10 =	vmax.f32 v29, v27;
	v12 =	vld [tilespmem:s17+$0x14070]  }
0x10c: {  	v4 =	vmax.f32 v9, v4;
	v9 =	vmax.f32 v10, v24;
	v10 =	vmax.f32 v30, v28;
	v15 =	vld [tilespmem:s17+$0x16070]  }
0x10d: {  	[tilespmem:s17+$0x1C000] =	vst v26;
	v9 =	vmax.f32 v9, v18;
	v10 =	vmax.f32 v10, v25;
	v17 =	vmax.f32 v31, v22;
	v18 =	vld [tilespmem:s17+$0x18070]  }
0x10e: {  	s19 =	sshra.s32 s18, $0x2;
	[tilespmem:s17+$0x1C010] =	vst v21;
	v9 =	vmax.f32 v9, v13;
	v10 =	vmax.f32 v10, v16;
	v13 =	vmax.f32 v17, v19;
	v16 =	vld [tilespmem:s17+$0x1A070]  }
0x10f: {  	v21 =	vld [tilespmem:s19+$0x1A000];
	[tilespmem:s17+$0x1C020] =	vst v6;
	v6 =	vmax.f32 v9, v8;
	v8 =	vmax.f32 v10, v11;
	v9 =	vmax.f32 v13, v14  }
0x110: {  	v22 =	vld [tilespmem:s19+$0x1A010];
	[tilespmem:s17+$0x1C030] =	vst v5;
	v3 =	vmax.f32 v6, v3;
	v5 =	vmax.f32 v8, v7;
	v7 =	vmax.f32 v9, v12  }
0x111: {  	v6 =	vld [tilespmem:s19+$0x1A020];
	[tilespmem:s17+$0x1C040] =	vst v4;
	v1 =	vmax.f32 v3, v1;
	v2 =	vmax.f32 v5, v2;
	v3 =	vmax.f32 v7, v15  }
0x112: {  	v5 =	vld [tilespmem:s19+$0x1A030];
	[tilespmem:s17+$0x1C050] =	vst v1;
	v0 =	vmax.f32 v2, v0;
	v1 =	vmax.f32 v3, v18  }
0x113: {  	v4 =	vld [tilespmem:s19+$0x1A040];
	[tilespmem:s17+$0x1C060] =	vst v0;
	v0 =	vmax.f32 v1, v16  }
0x114: {  	v1 =	vld [tilespmem:s19+$0x1A050];
	[tilespmem:s17+$0x1C070] =	vst v0;
	s17 =	smov.u32 s19  }
0x115: {  	v0 =	vld [tilespmem:s17+$0x1A060]  }
0x116: {  	v26 =	vld [tilespmem:s17+$0x18000]  }
0x117: {  	v28 =	vld [tilespmem:s17+$0x18010]  }
0x118: {  	v12 =	vld [tilespmem:s17+$0x18020]  }
0x119: {  	v10 =	vld [tilespmem:s17+$0x18030]  }
0x11a: {  	v9 =	vld [tilespmem:s17+$0x18040]  }
0x11b: {  	v3 =	vld [tilespmem:s17+$0x18050]  }
0x11c: {  	v2 =	vld [tilespmem:s17+$0x18060]  }
0x11d: {  	v25 =	vld [tilespmem:s17+$0x16000]  }
0x11e: {  	v27 =	vld [tilespmem:s17+$0x16010]  }
0x11f: {  	v17 =	vld [tilespmem:s17+$0x16020]  }
0x120: {  	v15 =	vld [tilespmem:s17+$0x16030]  }
0x121: {  	v14 =	vld [tilespmem:s17+$0x16040]  }
0x122: {  	v8 =	vld [tilespmem:s17+$0x16050]  }
0x123: {  	v7 =	vld [tilespmem:s17+$0x16060]  }
0x124: {  	v29 =	vld [tilespmem:s17+$0x14000]  }
0x125: {  	v30 =	vld [tilespmem:s17+$0x14010]  }
0x126: {  	v31 =	vld [tilespmem:s17+$0x14020]  }
0x127: {  	v20 =	vld [tilespmem:s17+$0x14030]  }
0x128: {  	v19 =	vld [tilespmem:s17+$0x14040]  }
0x129: {  	v13 =	vld [tilespmem:s17+$0x14050]  }
0x12a: {  	v11 =	vld [tilespmem:s17+$0x14060]  }
0x12b: {  	v32 =	vld [tilespmem:s17+$0x12000]  }
0x12c: {  	v33 =	vld [tilespmem:s17+$0x12010]  }
0x12d: {  	v34 =	vld [tilespmem:s17+$0x12020]  }
0x12e: {  	v35 =	vld [tilespmem:s17+$0x12030]  }
0x12f: {  	v23 =	vld [tilespmem:s17+$0x12040]  }
0x130: {  	v18 =	vld [tilespmem:s17+$0x12050]  }
0x131: {  	v16 =	vld [tilespmem:s17+$0x12060]  }
0x132: {  	v36 =	vld [tilespmem:s17+$0x10000]  }
0x133: {  	v37 =	vld [tilespmem:s17+$0x10010]  }
0x134: {  	v38 =	vld [tilespmem:s17+$0x10020]  }
0x135: {  	v39 =	vld [tilespmem:s17+$0x10030]  }
0x136: {  	v40 =	vld [tilespmem:s17+$0x10040]  }
0x137: {  	v41 =	vld [tilespmem:s17+$0xE000]  }
0x138: {  	v42 =	vld [tilespmem:s17+$0xE010]  }
0x139: {  	v43 =	vld [tilespmem:s17+$0x1C000]  }
0x13a: {  	v44 =	vld [tilespmem:s17+$0x1C010]  }
0x13b: {  	v24 =	vld [tilespmem:s17+$0x10050]  }
0x13c: {  	v45 =	vld [tilespmem:s17+$0xE020]  }
0x13d: {  	v46 =	vld [tilespmem:s17+$0xE030]  }
0x13e: {  	v41 =	vmax.f32 v43, v41;
	v43 =	vld [tilespmem:s17+$0xE040]  }
0x13f: {  	v36 =	vmax.f32 v41, v36;
	v41 =	vmax.f32 v44, v42;
	v42 =	vld [tilespmem:s17+$0x1C020]  }
0x140: {  	v32 =	vmax.f32 v36, v32;
	v36 =	vmax.f32 v41, v37;
	v37 =	vld [tilespmem:s17+$0x1C030]  }
0x141: {  	v29 =	vmax.f32 v32, v29;
	v32 =	vmax.f32 v36, v33;
	v33 =	vld [tilespmem:s17+$0x1C040]  }
0x142: {  	v29 =	vmax.f32 v29, v25;
	v30 =	vmax.f32 v32, v30;
	v25 =	vld [tilespmem:s17+$0x10060]  }
.Ltmp2:
0x143: {  	v26 =	vmax.f32 v29, v26;
	v29 =	vmax.f32 v30, v27;
	v27 =	vld [tilespmem:s17+$0xE050];
	(pc) =	sbr.rel @p0 .LBB2_5-.Ltmp2, $4  }
0x144: {  	v26 =	vmax.f32 v26, v21;
	v21 =	vmax.f32 v29, v28;
	v29 =	vmax.f32 v42, v45;
	v28 =	vld [tilespmem:s17+$0xE060]  }
0x145: {  	v21 =	vmax.f32 v21, v22;
	v29 =	vmax.f32 v29, v38;
	v30 =	vmax.f32 v37, v46;
	v22 =	vld [tilespmem:s17+$0xE070]  }
0x146: {  	v32 =	vmax.f32 v29, v34;
	v30 =	vmax.f32 v30, v39;
	v33 =	vmax.f32 v33, v43;
	v29 =	vld [tilespmem:s17+$0x1C050]  }
0x147: {  	s18 =	sadd.s32 $0x200, s18;
	v31 =	vmax.f32 v32, v31;
	v32 =	vmax.f32 v30, v35;
	v33 =	vmax.f32 v33, v40;
	v30 =	vld [tilespmem:s17+$0x1C060]  }
0x148: {  	v34 =	vld [tilespmem:s17+$0x1C070];
	v17 =	vmax.f32 v31, v17;
	v20 =	vmax.f32 v32, v20;
	v23 =	vmax.f32 v33, v23  }
0x149: {  	v35 =	vld [tilespmem:s17+$0x10070];
	v12 =	vmax.f32 v17, v12;
	v15 =	vmax.f32 v20, v15;
	v17 =	vmax.f32 v23, v19  }
0x14a: {  	v31 =	vld [tilespmem:s17+$0x12070];
	v6 =	vmax.f32 v12, v6;
	v10 =	vmax.f32 v15, v10;
	v12 =	vmax.f32 v17, v14  }
0x14b: {  	v19 =	vld [tilespmem:s17+$0x14070];
	v5 =	vmax.f32 v10, v5;
	v9 =	vmax.f32 v12, v9;
	v10 =	vmax.f32 v29, v27  }
0x14c: {  	v14 =	vld [tilespmem:s17+$0x16070];
	v4 =	vmax.f32 v9, v4;
	v9 =	vmax.f32 v10, v24;
	v10 =	vmax.f32 v30, v28  }
0x14d: {  	[tilespmem:s17+$0x1C000] =	vst v26;
	v12 =	vld [tilespmem:s17+$0x18070];
	v9 =	vmax.f32 v9, v18;
	v10 =	vmax.f32 v10, v25;
	v15 =	vmax.f32 v34, v22  }
0x14e: {  	[tilespmem:s17+$0x1C010] =	vst v21;
	v9 =	vmax.f32 v9, v13;
	v10 =	vmax.f32 v10, v16;
	v13 =	vmax.f32 v15, v35;
	v15 =	vld [tilespmem:s17+$0x1A070]  }
0x14f: {  	[tilespmem:s17+$0x1C020] =	vst v6;
	v6 =	vmax.f32 v9, v8;
	v8 =	vmax.f32 v10, v11;
	v9 =	vmax.f32 v13, v31  }
0x150: {  	[tilespmem:s17+$0x1C030] =	vst v5;
	v3 =	vmax.f32 v6, v3;
	v5 =	vmax.f32 v8, v7;
	v6 =	vmax.f32 v9, v19  }
0x151: {  	[tilespmem:s17+$0x1C040] =	vst v4;
	v1 =	vmax.f32 v3, v1;
	v2 =	vmax.f32 v5, v2;
	v3 =	vmax.f32 v6, v14  }
0x152: {  	[tilespmem:s17+$0x1C050] =	vst v1;
	v0 =	vmax.f32 v2, v0;
	v1 =	vmax.f32 v3, v12  }
0x153: {  	[tilespmem:s17+$0x1C060] =	vst v0;
	v0 =	vmax.f32 v1, v15  }
0x154: {  	[tilespmem:s17+$0x1C070] =	vst v0  }
0x155: {  	[tilespmem:s11], [sflag:$0x2] =	stream.strided.gather [hbm4b:s4+s9], $0xE000, s10, s9, $0x38;
	[tilespmem:$0x1E000] =	vst v63  }
0x156: {  	_ =	swait.ge [sflag:s12], $0xE000  }
0x157: {  	[sflag:s12] =	ssyncset.done $0x0  }
0x158: {  	s17 =	simm.s32 $0x0;
	[sflag:s12] =	ssyncadd.s32 $0xFFFF2000  }
0x159: {  	v21 =	vld [tilespmem:s17+$0xC000]  }
0x15a: {  	v22 =	vld [tilespmem:s17+$0xC010]  }
0x15b: {  	v6 =	vld [tilespmem:s17+$0xC020]  }
0x15c: {  	v5 =	vld [tilespmem:s17+$0xC030]  }
0x15d: {  	v4 =	vld [tilespmem:s17+$0xC040]  }
0x15e: {  	v1 =	vld [tilespmem:s17+$0xC050]  }
0x15f: {  	v0 =	vld [tilespmem:s17+$0xC060]  }
0x160: {  	v26 =	vld [tilespmem:s17+$0xA000]  }
0x161: {  	v28 =	vld [tilespmem:s17+$0xA010]  }
0x162: {  	v12 =	vld [tilespmem:s17+$0xA020]  }
0x163: {  	v10 =	vld [tilespmem:s17+$0xA030]  }
0x164: {  	v9 =	vld [tilespmem:s17+$0xA040]  }
0x165: {  	v3 =	vld [tilespmem:s17+$0xA050]  }
0x166: {  	v2 =	vld [tilespmem:s17+$0xA060]  }
0x167: {  	v25 =	vld [tilespmem:s17+$0x8000]  }
0x168: {  	v27 =	vld [tilespmem:s17+$0x8010]  }
0x169: {  	v17 =	vld [tilespmem:s17+$0x8020]  }
0x16a: {  	v15 =	vld [tilespmem:s17+$0x8030]  }
0x16b: {  	v14 =	vld [tilespmem:s17+$0x8040]  }
0x16c: {  	v8 =	vld [tilespmem:s17+$0x8050]  }
0x16d: {  	v7 =	vld [tilespmem:s17+$0x8060]  }
0x16e: {  	v29 =	vld [tilespmem:s17+$0x6000]  }
0x16f: {  	v30 =	vld [tilespmem:s17+$0x6010]  }
0x170: {  	v31 =	vld [tilespmem:s17+$0x6020]  }
0x171: {  	v20 =	vld [tilespmem:s17+$0x6030]  }
0x172: {  	v19 =	vld [tilespmem:s17+$0x6040]  }
0x173: {  	v13 =	vld [tilespmem:s17+$0x6050]  }
0x174: {  	v11 =	vld [tilespmem:s17+$0x6060]  }
0x175: {  	v52 =	vld [tilespmem:s17+$0x4000]  }
0x176: {  	v53 =	vld [tilespmem:s17+$0x4010]  }
0x177: {  	v54 =	vld [tilespmem:s17+$0x4020]  }
0x178: {  	v55 =	vld [tilespmem:s17+$0x4030]  }
0x179: {  	v23 =	vld [tilespmem:s17+$0x4040]  }
0x17a: {  	v18 =	vld [tilespmem:s17+$0x4050]  }
0x17b: {  	v16 =	vld [tilespmem:s17+$0x4060]  }
0x17c: {  	v36 =	vld [tilespmem:s17+$0x2000]  }
0x17d: {  	v37 =	vld [tilespmem:s17+$0x2010]  }
0x17e: {  	v38 =	vld [tilespmem:s17+$0x2020]  }
0x17f: {  	v39 =	vld [tilespmem:s17+$0x2030]  }
0x180: {  	v40 =	vld [tilespmem:s17+$0x2040]  }
0x181: {  	v41 =	vld [tilespmem:s17+$0x0]  }
0x182: {  	v42 =	vld [tilespmem:s17+$0x10]  }
0x183: {  	v43 =	vld [tilespmem:s17+$0x1C000]  }
0x184: {  	v44 =	vld [tilespmem:s17+$0x1C010]  }
0x185: {  	v24 =	vld [tilespmem:s17+$0x2050]  }
0x186: {  	v45 =	vld [tilespmem:s17+$0x20]  }
0x187: {  	v46 =	vld [tilespmem:s17+$0x30]  }
0x188: {  	v56 =	vld [tilespmem:s17+$0x40];
	v41 =	vmax.f32 v43, v41  }
0x189: {  	v58 =	vld [tilespmem:s17+$0x1C020];
	v57 =	vmax.f32 v44, v42;
	v36 =	vmax.f32 v41, v36  }
0x18a: {  	v60 =	vld [tilespmem:s17+$0x1C030];
	v59 =	vmax.f32 v57, v37;
	v32 =	vmax.f32 v36, v52  }
0x18b: {  	v62 =	vld [tilespmem:s17+$0x1C040];
	v61 =	vmax.f32 v59, v53;
	v29 =	vmax.f32 v32, v29  }
0x18c: {  	v30 =	vmax.f32 v61, v30;
	v29 =	vmax.f32 v29, v25;
	v25 =	vld [tilespmem:s17+$0x2060]  }
0x18d: {  	v26 =	vmax.f32 v29, v26;
	v29 =	vmax.f32 v30, v27;
	v27 =	vld [tilespmem:s17+$0x50]  }
0x18e: {  	v26 =	vmax.f32 v26, v21;
	v21 =	vmax.f32 v29, v28;
	v29 =	vmax.f32 v58, v45;
	v28 =	vld [tilespmem:s17+$0x60]  }
0x18f: {  	v30 =	vmax.f32 v60, v46;
	v21 =	vmax.f32 v21, v22;
	v29 =	vmax.f32 v29, v38;
	v22 =	vld [tilespmem:s17+$0x70]  }
0x190: {  	v33 =	vmax.f32 v62, v56;
	v30 =	vmax.f32 v30, v39;
	v63 =	vmax.f32 v29, v54;
	v29 =	vld [tilespmem:s17+$0x1C050]  }
0x191: {  	s18 =	simm.s32 $0x200;
	v33 =	vmax.f32 v33, v40;
	v32 =	vmax.f32 v30, v55;
	v30 =	vld [tilespmem:s17+$0x1C060];
	v31 =	vmax.f32 v63, v31  }
.LBB2_7:
0x192: {  	p0 =	sne.s32 s18, $0x7E00;
	v17 =	vmax.f32 v31, v17;
	v20 =	vmax.f32 v32, v20;
	v23 =	vmax.f32 v33, v23;
	v31 =	vld [tilespmem:s17+$0x1C070]  }
0x193: {  	v12 =	vmax.f32 v17, v12;
	v15 =	vmax.f32 v20, v15;
	v17 =	vmax.f32 v23, v19;
	v19 =	vld [tilespmem:s17+$0x2070]  }
0x194: {  	v6 =	vmax.f32 v12, v6;
	v10 =	vmax.f32 v15, v10;
	v12 =	vmax.f32 v17, v14;
	v14 =	vld [tilespmem:s17+$0x4070]  }
0x195: {  	v5 =	vmax.f32 v10, v5;
	v9 =	vmax.f32 v12, v9;
	v10 =	vmax.f32 v29, v27;
	v12 =	vld [tilespmem:s17+$0x6070]  }
0x196: {  	v4 =	vmax.f32 v9, v4;
	v9 =	vmax.f32 v10, v24;
	v10 =	vmax.f32 v30, v28;
	v15 =	vld [tilespmem:s17+$0x8070]  }
0x197: {  	[tilespmem:s17+$0x1C000] =	vst v26;
	v9 =	vmax.f32 v9, v18;
	v10 =	vmax.f32 v10, v25;
	v17 =	vmax.f32 v31, v22;
	v18 =	vld [tilespmem:s17+$0xA070]  }
0x198: {  	s19 =	sshra.s32 s18, $0x2;
	[tilespmem:s17+$0x1C010] =	vst v21;
	v9 =	vmax.f32 v9, v13;
	v10 =	vmax.f32 v10, v16;
	v13 =	vmax.f32 v17, v19;
	v16 =	vld [tilespmem:s17+$0xC070]  }
0x199: {  	v21 =	vld [tilespmem:s19+$0xC000];
	[tilespmem:s17+$0x1C020] =	vst v6;
	v6 =	vmax.f32 v9, v8;
	v8 =	vmax.f32 v10, v11;
	v9 =	vmax.f32 v13, v14  }
0x19a: {  	v22 =	vld [tilespmem:s19+$0xC010];
	[tilespmem:s17+$0x1C030] =	vst v5;
	v3 =	vmax.f32 v6, v3;
	v5 =	vmax.f32 v8, v7;
	v7 =	vmax.f32 v9, v12  }
0x19b: {  	v6 =	vld [tilespmem:s19+$0xC020];
	[tilespmem:s17+$0x1C040] =	vst v4;
	v1 =	vmax.f32 v3, v1;
	v2 =	vmax.f32 v5, v2;
	v3 =	vmax.f32 v7, v15  }
0x19c: {  	v5 =	vld [tilespmem:s19+$0xC030];
	[tilespmem:s17+$0x1C050] =	vst v1;
	v0 =	vmax.f32 v2, v0;
	v1 =	vmax.f32 v3, v18  }
0x19d: {  	v4 =	vld [tilespmem:s19+$0xC040];
	[tilespmem:s17+$0x1C060] =	vst v0;
	v0 =	vmax.f32 v1, v16  }
0x19e: {  	v1 =	vld [tilespmem:s19+$0xC050];
	[tilespmem:s17+$0x1C070] =	vst v0;
	s17 =	smov.u32 s19  }
0x19f: {  	v0 =	vld [tilespmem:s17+$0xC060]  }
0x1a0: {  	v26 =	vld [tilespmem:s17+$0xA000]  }
0x1a1: {  	v28 =	vld [tilespmem:s17+$0xA010]  }
0x1a2: {  	v12 =	vld [tilespmem:s17+$0xA020]  }
0x1a3: {  	v10 =	vld [tilespmem:s17+$0xA030]  }
0x1a4: {  	v9 =	vld [tilespmem:s17+$0xA040]  }
0x1a5: {  	v3 =	vld [tilespmem:s17+$0xA050]  }
0x1a6: {  	v2 =	vld [tilespmem:s17+$0xA060]  }
0x1a7: {  	v25 =	vld [tilespmem:s17+$0x8000]  }
0x1a8: {  	v27 =	vld [tilespmem:s17+$0x8010]  }
0x1a9: {  	v17 =	vld [tilespmem:s17+$0x8020]  }
0x1aa: {  	v15 =	vld [tilespmem:s17+$0x8030]  }
0x1ab: {  	v14 =	vld [tilespmem:s17+$0x8040]  }
0x1ac: {  	v8 =	vld [tilespmem:s17+$0x8050]  }
0x1ad: {  	v7 =	vld [tilespmem:s17+$0x8060]  }
0x1ae: {  	v29 =	vld [tilespmem:s17+$0x6000]  }
0x1af: {  	v30 =	vld [tilespmem:s17+$0x6010]  }
0x1b0: {  	v31 =	vld [tilespmem:s17+$0x6020]  }
0x1b1: {  	v20 =	vld [tilespmem:s17+$0x6030]  }
0x1b2: {  	v19 =	vld [tilespmem:s17+$0x6040]  }
0x1b3: {  	v13 =	vld [tilespmem:s17+$0x6050]  }
0x1b4: {  	v11 =	vld [tilespmem:s17+$0x6060]  }
0x1b5: {  	v32 =	vld [tilespmem:s17+$0x4000]  }
0x1b6: {  	v33 =	vld [tilespmem:s17+$0x4010]  }
0x1b7: {  	v34 =	vld [tilespmem:s17+$0x4020]  }
0x1b8: {  	v35 =	vld [tilespmem:s17+$0x4030]  }
0x1b9: {  	v23 =	vld [tilespmem:s17+$0x4040]  }
0x1ba: {  	v18 =	vld [tilespmem:s17+$0x4050]  }
0x1bb: {  	v16 =	vld [tilespmem:s17+$0x4060]  }
0x1bc: {  	v36 =	vld [tilespmem:s17+$0x2000]  }
0x1bd: {  	v37 =	vld [tilespmem:s17+$0x2010]  }
0x1be: {  	v38 =	vld [tilespmem:s17+$0x2020]  }
0x1bf: {  	v39 =	vld [tilespmem:s17+$0x2030]  }
0x1c0: {  	v40 =	vld [tilespmem:s17+$0x2040]  }
0x1c1: {  	v41 =	vld [tilespmem:s17+$0x0]  }
0x1c2: {  	v42 =	vld [tilespmem:s17+$0x10]  }
0x1c3: {  	v43 =	vld [tilespmem:s17+$0x1C000]  }
0x1c4: {  	v44 =	vld [tilespmem:s17+$0x1C010]  }
0x1c5: {  	v24 =	vld [tilespmem:s17+$0x2050]  }
0x1c6: {  	v45 =	vld [tilespmem:s17+$0x20]  }
0x1c7: {  	v46 =	vld [tilespmem:s17+$0x30]  }
0x1c8: {  	v41 =	vmax.f32 v43, v41;
	v43 =	vld [tilespmem:s17+$0x40]  }
0x1c9: {  	v36 =	vmax.f32 v41, v36;
	v41 =	vmax.f32 v44, v42;
	v42 =	vld [tilespmem:s17+$0x1C020]  }
0x1ca: {  	v32 =	vmax.f32 v36, v32;
	v36 =	vmax.f32 v41, v37;
	v37 =	vld [tilespmem:s17+$0x1C030]  }
0x1cb: {  	v29 =	vmax.f32 v32, v29;
	v32 =	vmax.f32 v36, v33;
	v33 =	vld [tilespmem:s17+$0x1C040]  }
0x1cc: {  	v29 =	vmax.f32 v29, v25;
	v30 =	vmax.f32 v32, v30;
	v25 =	vld [tilespmem:s17+$0x2060]  }
.Ltmp3:
0x1cd: {  	v26 =	vmax.f32 v29, v26;
	v29 =	vmax.f32 v30, v27;
	v27 =	vld [tilespmem:s17+$0x50];
	(pc) =	sbr.rel @p0 .LBB2_7-.Ltmp3, $4  }
0x1ce: {  	v26 =	vmax.f32 v26, v21;
	v21 =	vmax.f32 v29, v28;
	v29 =	vmax.f32 v42, v45;
	v28 =	vld [tilespmem:s17+$0x60]  }
0x1cf: {  	v21 =	vmax.f32 v21, v22;
	v29 =	vmax.f32 v29, v38;
	v30 =	vmax.f32 v37, v46;
	v22 =	vld [tilespmem:s17+$0x70]  }
0x1d0: {  	v32 =	vmax.f32 v29, v34;
	v30 =	vmax.f32 v30, v39;
	v33 =	vmax.f32 v33, v43;
	v29 =	vld [tilespmem:s17+$0x1C050]  }
0x1d1: {  	s18 =	sadd.s32 $0x200, s18;
	v31 =	vmax.f32 v32, v31;
	v32 =	vmax.f32 v30, v35;
	v33 =	vmax.f32 v33, v40;
	v30 =	vld [tilespmem:s17+$0x1C060]  }
0x1d2: {  	v34 =	vld [tilespmem:s17+$0x1C070];
	v17 =	vmax.f32 v31, v17;
	v20 =	vmax.f32 v32, v20;
	v23 =	vmax.f32 v33, v23  }
0x1d3: {  	v35 =	vld [tilespmem:s17+$0x2070];
	v12 =	vmax.f32 v17, v12;
	v15 =	vmax.f32 v20, v15;
	v17 =	vmax.f32 v23, v19  }
0x1d4: {  	v31 =	vld [tilespmem:s17+$0x4070];
	v6 =	vmax.f32 v12, v6;
	v10 =	vmax.f32 v15, v10;
	v12 =	vmax.f32 v17, v14  }
0x1d5: {  	v19 =	vld [tilespmem:s17+$0x6070];
	v5 =	vmax.f32 v10, v5;
	v9 =	vmax.f32 v12, v9;
	v10 =	vmax.f32 v29, v27  }
0x1d6: {  	v14 =	vld [tilespmem:s17+$0x8070];
	v4 =	vmax.f32 v9, v4;
	v9 =	vmax.f32 v10, v24;
	v10 =	vmax.f32 v30, v28  }
0x1d7: {  	[tilespmem:s17+$0x1C000] =	vst v26;
	v12 =	vld [tilespmem:s17+$0xA070];
	v9 =	vmax.f32 v9, v18;
	v10 =	vmax.f32 v10, v25;
	v15 =	vmax.f32 v34, v22  }
0x1d8: {  	[tilespmem:s17+$0x1C010] =	vst v21;
	v9 =	vmax.f32 v9, v13;
	v10 =	vmax.f32 v10, v16;
	v13 =	vmax.f32 v15, v35;
	v15 =	vld [tilespmem:s17+$0xC070]  }
0x1d9: {  	[tilespmem:s17+$0x1C020] =	vst v6;
	v6 =	vmax.f32 v9, v8;
	v8 =	vmax.f32 v10, v11;
	v9 =	vmax.f32 v13, v31  }
0x1da: {  	[tilespmem:s17+$0x1C030] =	vst v5;
	v3 =	vmax.f32 v6, v3;
	v5 =	vmax.f32 v8, v7;
	v6 =	vmax.f32 v9, v19  }
0x1db: {  	[tilespmem:s17+$0x1C040] =	vst v4;
	v1 =	vmax.f32 v3, v1;
	v2 =	vmax.f32 v5, v2;
	v3 =	vmax.f32 v6, v14  }
0x1dc: {  	[tilespmem:s17+$0x1C050] =	vst v1;
	v0 =	vmax.f32 v2, v0;
	v1 =	vmax.f32 v3, v12  }
0x1dd: {  	[tilespmem:s17+$0x1C060] =	vst v0;
	v0 =	vmax.f32 v1, v15  }
0x1de: {  	[tilespmem:s17+$0x1C070] =	vst v0  }
0x1df: {  	_ =	swait.ge [sflag:s13], $0xE000  }
0x1e0: {  	[sflag:s13] =	ssyncset.done $0x0  }
0x1e1: {  	s17 =	simm.s32 $0x0;
	[sflag:s13] =	ssyncadd.s32 $0xFFFF2000  }
0x1e2: {  	v21 =	vld [tilespmem:s17+$0x1A000]  }
0x1e3: {  	v22 =	vld [tilespmem:s17+$0x1A010]  }
0x1e4: {  	v6 =	vld [tilespmem:s17+$0x1A020]  }
0x1e5: {  	v5 =	vld [tilespmem:s17+$0x1A030]  }
0x1e6: {  	v4 =	vld [tilespmem:s17+$0x1A040]  }
0x1e7: {  	v1 =	vld [tilespmem:s17+$0x1A050]  }
0x1e8: {  	v0 =	vld [tilespmem:s17+$0x1A060]  }
0x1e9: {  	v26 =	vld [tilespmem:s17+$0x18000]  }
0x1ea: {  	v28 =	vld [tilespmem:s17+$0x18010]  }
0x1eb: {  	v12 =	vld [tilespmem:s17+$0x18020]  }
0x1ec: {  	v10 =	vld [tilespmem:s17+$0x18030]  }
0x1ed: {  	v9 =	vld [tilespmem:s17+$0x18040]  }
0x1ee: {  	v3 =	vld [tilespmem:s17+$0x18050]  }
0x1ef: {  	v2 =	vld [tilespmem:s17+$0x18060]  }
0x1f0: {  	v25 =	vld [tilespmem:s17+$0x16000]  }
0x1f1: {  	v27 =	vld [tilespmem:s17+$0x16010]  }
0x1f2: {  	v17 =	vld [tilespmem:s17+$0x16020]  }
0x1f3: {  	v15 =	vld [tilespmem:s17+$0x16030]  }
0x1f4: {  	v14 =	vld [tilespmem:s17+$0x16040]  }
0x1f5: {  	v8 =	vld [tilespmem:s17+$0x16050]  }
0x1f6: {  	v7 =	vld [tilespmem:s17+$0x16060]  }
0x1f7: {  	v29 =	vld [tilespmem:s17+$0x14000]  }
0x1f8: {  	v30 =	vld [tilespmem:s17+$0x14010]  }
0x1f9: {  	v31 =	vld [tilespmem:s17+$0x14020]  }
0x1fa: {  	v20 =	vld [tilespmem:s17+$0x14030]  }
0x1fb: {  	v19 =	vld [tilespmem:s17+$0x14040]  }
0x1fc: {  	v13 =	vld [tilespmem:s17+$0x14050]  }
0x1fd: {  	v11 =	vld [tilespmem:s17+$0x14060]  }
0x1fe: {  	v52 =	vld [tilespmem:s17+$0x12000]  }
0x1ff: {  	v53 =	vld [tilespmem:s17+$0x12010]  }
0x200: {  	v54 =	vld [tilespmem:s17+$0x12020]  }
0x201: {  	v55 =	vld [tilespmem:s17+$0x12030]  }
0x202: {  	v23 =	vld [tilespmem:s17+$0x12040]  }
0x203: {  	v18 =	vld [tilespmem:s17+$0x12050]  }
0x204: {  	v16 =	vld [tilespmem:s17+$0x12060]  }
0x205: {  	v36 =	vld [tilespmem:s17+$0x10000]  }
0x206: {  	v37 =	vld [tilespmem:s17+$0x10010]  }
0x207: {  	v38 =	vld [tilespmem:s17+$0x10020]  }
0x208: {  	v39 =	vld [tilespmem:s17+$0x10030]  }
0x209: {  	v40 =	vld [tilespmem:s17+$0x10040]  }
0x20a: {  	v41 =	vld [tilespmem:s17+$0xE000]  }
0x20b: {  	v42 =	vld [tilespmem:s17+$0xE010]  }
0x20c: {  	v43 =	vld [tilespmem:s17+$0x1C000]  }
0x20d: {  	v44 =	vld [tilespmem:s17+$0x1C010]  }
0x20e: {  	v24 =	vld [tilespmem:s17+$0x10050]  }
0x20f: {  	v45 =	vld [tilespmem:s17+$0xE020]  }
0x210: {  	v46 =	vld [tilespmem:s17+$0xE030]  }
0x211: {  	v56 =	vld [tilespmem:s17+$0xE040];
	v41 =	vmax.f32 v43, v41  }
0x212: {  	v58 =	vld [tilespmem:s17+$0x1C020];
	v57 =	vmax.f32 v44, v42;
	v36 =	vmax.f32 v41, v36  }
0x213: {  	v60 =	vld [tilespmem:s17+$0x1C030];
	v59 =	vmax.f32 v57, v37;
	v32 =	vmax.f32 v36, v52  }
0x214: {  	v62 =	vld [tilespmem:s17+$0x1C040];
	v61 =	vmax.f32 v59, v53;
	v29 =	vmax.f32 v32, v29  }
0x215: {  	v30 =	vmax.f32 v61, v30;
	v29 =	vmax.f32 v29, v25;
	v25 =	vld [tilespmem:s17+$0x10060]  }
0x216: {  	v26 =	vmax.f32 v29, v26;
	v29 =	vmax.f32 v30, v27;
	v27 =	vld [tilespmem:s17+$0xE050]  }
0x217: {  	v26 =	vmax.f32 v26, v21;
	v21 =	vmax.f32 v29, v28;
	v29 =	vmax.f32 v58, v45;
	v28 =	vld [tilespmem:s17+$0xE060]  }
0x218: {  	v30 =	vmax.f32 v60, v46;
	v21 =	vmax.f32 v21, v22;
	v29 =	vmax.f32 v29, v38;
	v22 =	vld [tilespmem:s17+$0xE070]  }
0x219: {  	v33 =	vmax.f32 v62, v56;
	v30 =	vmax.f32 v30, v39;
	v63 =	vmax.f32 v29, v54;
	v29 =	vld [tilespmem:s17+$0x1C050]  }
0x21a: {  	s18 =	simm.s32 $0x200;
	v33 =	vmax.f32 v33, v40;
	v32 =	vmax.f32 v30, v55;
	v30 =	vld [tilespmem:s17+$0x1C060];
	v31 =	vmax.f32 v63, v31  }
.LBB2_9:
0x21b: {  	p0 =	sne.s32 s18, $0x7E00;
	v17 =	vmax.f32 v31, v17;
	v20 =	vmax.f32 v32, v20;
	v23 =	vmax.f32 v33, v23;
	v31 =	vld [tilespmem:s17+$0x1C070]  }
0x21c: {  	v12 =	vmax.f32 v17, v12;
	v15 =	vmax.f32 v20, v15;
	v17 =	vmax.f32 v23, v19;
	v19 =	vld [tilespmem:s17+$0x10070]  }
0x21d: {  	v6 =	vmax.f32 v12, v6;
	v10 =	vmax.f32 v15, v10;
	v12 =	vmax.f32 v17, v14;
	v14 =	vld [tilespmem:s17+$0x12070]  }
0x21e: {  	v5 =	vmax.f32 v10, v5;
	v9 =	vmax.f32 v12, v9;
	v10 =	vmax.f32 v29, v27;
	v12 =	vld [tilespmem:s17+$0x14070]  }
0x21f: {  	v4 =	vmax.f32 v9, v4;
	v9 =	vmax.f32 v10, v24;
	v10 =	vmax.f32 v30, v28;
	v15 =	vld [tilespmem:s17+$0x16070]  }
0x220: {  	[tilespmem:s17+$0x1C000] =	vst v26;
	v9 =	vmax.f32 v9, v18;
	v10 =	vmax.f32 v10, v25;
	v17 =	vmax.f32 v31, v22;
	v18 =	vld [tilespmem:s17+$0x18070]  }
0x221: {  	s19 =	sshra.s32 s18, $0x2;
	[tilespmem:s17+$0x1C010] =	vst v21;
	v9 =	vmax.f32 v9, v13;
	v10 =	vmax.f32 v10, v16;
	v13 =	vmax.f32 v17, v19;
	v16 =	vld [tilespmem:s17+$0x1A070]  }
0x222: {  	v21 =	vld [tilespmem:s19+$0x1A000];
	[tilespmem:s17+$0x1C020] =	vst v6;
	v6 =	vmax.f32 v9, v8;
	v8 =	vmax.f32 v10, v11;
	v9 =	vmax.f32 v13, v14  }
0x223: {  	v22 =	vld [tilespmem:s19+$0x1A010];
	[tilespmem:s17+$0x1C030] =	vst v5;
	v3 =	vmax.f32 v6, v3;
	v5 =	vmax.f32 v8, v7;
	v7 =	vmax.f32 v9, v12  }
0x224: {  	v6 =	vld [tilespmem:s19+$0x1A020];
	[tilespmem:s17+$0x1C040] =	vst v4;
	v1 =	vmax.f32 v3, v1;
	v2 =	vmax.f32 v5, v2;
	v3 =	vmax.f32 v7, v15  }
0x225: {  	v5 =	vld [tilespmem:s19+$0x1A030];
	[tilespmem:s17+$0x1C050] =	vst v1;
	v0 =	vmax.f32 v2, v0;
	v1 =	vmax.f32 v3, v18  }
0x226: {  	v4 =	vld [tilespmem:s19+$0x1A040];
	[tilespmem:s17+$0x1C060] =	vst v0;
	v0 =	vmax.f32 v1, v16  }
0x227: {  	v1 =	vld [tilespmem:s19+$0x1A050];
	[tilespmem:s17+$0x1C070] =	vst v0;
	s17 =	smov.u32 s19  }
0x228: {  	v0 =	vld [tilespmem:s17+$0x1A060]  }
0x229: {  	v26 =	vld [tilespmem:s17+$0x18000]  }
0x22a: {  	v28 =	vld [tilespmem:s17+$0x18010]  }
0x22b: {  	v12 =	vld [tilespmem:s17+$0x18020]  }
0x22c: {  	v10 =	vld [tilespmem:s17+$0x18030]  }
0x22d: {  	v9 =	vld [tilespmem:s17+$0x18040]  }
0x22e: {  	v3 =	vld [tilespmem:s17+$0x18050]  }
0x22f: {  	v2 =	vld [tilespmem:s17+$0x18060]  }
0x230: {  	v25 =	vld [tilespmem:s17+$0x16000]  }
0x231: {  	v27 =	vld [tilespmem:s17+$0x16010]  }
0x232: {  	v17 =	vld [tilespmem:s17+$0x16020]  }
0x233: {  	v15 =	vld [tilespmem:s17+$0x16030]  }
0x234: {  	v14 =	vld [tilespmem:s17+$0x16040]  }
0x235: {  	v8 =	vld [tilespmem:s17+$0x16050]  }
0x236: {  	v7 =	vld [tilespmem:s17+$0x16060]  }
0x237: {  	v29 =	vld [tilespmem:s17+$0x14000]  }
0x238: {  	v30 =	vld [tilespmem:s17+$0x14010]  }
0x239: {  	v31 =	vld [tilespmem:s17+$0x14020]  }
0x23a: {  	v20 =	vld [tilespmem:s17+$0x14030]  }
0x23b: {  	v19 =	vld [tilespmem:s17+$0x14040]  }
0x23c: {  	v13 =	vld [tilespmem:s17+$0x14050]  }
0x23d: {  	v11 =	vld [tilespmem:s17+$0x14060]  }
0x23e: {  	v32 =	vld [tilespmem:s17+$0x12000]  }
0x23f: {  	v33 =	vld [tilespmem:s17+$0x12010]  }
0x240: {  	v34 =	vld [tilespmem:s17+$0x12020]  }
0x241: {  	v35 =	vld [tilespmem:s17+$0x12030]  }
0x242: {  	v23 =	vld [tilespmem:s17+$0x12040]  }
0x243: {  	v18 =	vld [tilespmem:s17+$0x12050]  }
0x244: {  	v16 =	vld [tilespmem:s17+$0x12060]  }
0x245: {  	v36 =	vld [tilespmem:s17+$0x10000]  }
0x246: {  	v37 =	vld [tilespmem:s17+$0x10010]  }
0x247: {  	v38 =	vld [tilespmem:s17+$0x10020]  }
0x248: {  	v39 =	vld [tilespmem:s17+$0x10030]  }
0x249: {  	v40 =	vld [tilespmem:s17+$0x10040]  }
0x24a: {  	v41 =	vld [tilespmem:s17+$0xE000]  }
0x24b: {  	v42 =	vld [tilespmem:s17+$0xE010]  }
0x24c: {  	v43 =	vld [tilespmem:s17+$0x1C000]  }
0x24d: {  	v44 =	vld [tilespmem:s17+$0x1C010]  }
0x24e: {  	v24 =	vld [tilespmem:s17+$0x10050]  }
0x24f: {  	v45 =	vld [tilespmem:s17+$0xE020]  }
0x250: {  	v46 =	vld [tilespmem:s17+$0xE030]  }
0x251: {  	v41 =	vmax.f32 v43, v41;
	v43 =	vld [tilespmem:s17+$0xE040]  }
0x252: {  	v36 =	vmax.f32 v41, v36;
	v41 =	vmax.f32 v44, v42;
	v42 =	vld [tilespmem:s17+$0x1C020]  }
0x253: {  	v32 =	vmax.f32 v36, v32;
	v36 =	vmax.f32 v41, v37;
	v37 =	vld [tilespmem:s17+$0x1C030]  }
0x254: {  	v29 =	vmax.f32 v32, v29;
	v32 =	vmax.f32 v36, v33;
	v33 =	vld [tilespmem:s17+$0x1C040]  }
0x255: {  	v29 =	vmax.f32 v29, v25;
	v30 =	vmax.f32 v32, v30;
	v25 =	vld [tilespmem:s17+$0x10060]  }
.Ltmp4:
0x256: {  	v26 =	vmax.f32 v29, v26;
	v29 =	vmax.f32 v30, v27;
	v27 =	vld [tilespmem:s17+$0xE050];
	(pc) =	sbr.rel @p0 .LBB2_9-.Ltmp4, $4  }
0x257: {  	v26 =	vmax.f32 v26, v21;
	v21 =	vmax.f32 v29, v28;
	v29 =	vmax.f32 v42, v45;
	v28 =	vld [tilespmem:s17+$0xE060]  }
0x258: {  	v21 =	vmax.f32 v21, v22;
	v29 =	vmax.f32 v29, v38;
	v30 =	vmax.f32 v37, v46;
	v22 =	vld [tilespmem:s17+$0xE070]  }
0x259: {  	v32 =	vmax.f32 v29, v34;
	v30 =	vmax.f32 v30, v39;
	v33 =	vmax.f32 v33, v43;
	v29 =	vld [tilespmem:s17+$0x1C050]  }
0x25a: {  	s18 =	sadd.s32 $0x200, s18;
	v31 =	vmax.f32 v32, v31;
	v32 =	vmax.f32 v30, v35;
	v33 =	vmax.f32 v33, v40;
	v30 =	vld [tilespmem:s17+$0x1C060]  }
0x25b: {  	v34 =	vld [tilespmem:s17+$0x1C070];
	v17 =	vmax.f32 v31, v17;
	v20 =	vmax.f32 v32, v20;
	v23 =	vmax.f32 v33, v23  }
0x25c: {  	v35 =	vld [tilespmem:s17+$0x10070];
	v12 =	vmax.f32 v17, v12;
	v15 =	vmax.f32 v20, v15;
	v45 =	vmax.f32 v23, v19  }
0x25d: {  	v44 =	vld [tilespmem:s17+$0x12070];
	v6 =	vmax.f32 v12, v6;
	v10 =	vmax.f32 v15, v10;
	v47 =	vmax.f32 v45, v14  }
0x25e: {  	v46 =	vld [tilespmem:s17+$0x14070];
	v5 =	vmax.f32 v10, v5;
	v9 =	vmax.f32 v47, v9;
	v49 =	vmax.f32 v29, v27  }
0x25f: {  	v48 =	vld [tilespmem:s17+$0x16070];
	v4 =	vmax.f32 v9, v4;
	v50 =	vmax.f32 v49, v24;
	v51 =	vmax.f32 v30, v28  }
0x260: {  	[tilespmem:s17+$0x1C000] =	vst v26;
	v52 =	vld [tilespmem:s17+$0x18070];
	v9 =	vmax.f32 v50, v18;
	v10 =	vmax.f32 v51, v25;
	v53 =	vmax.f32 v34, v22  }
0x261: {  	[tilespmem:s17+$0x1C010] =	vst v21;
	v55 =	vld [tilespmem:s17+$0x1A070];
	v9 =	vmax.f32 v9, v13;
	v10 =	vmax.f32 v10, v16;
	v54 =	vmax.f32 v53, v35  }
0x262: {  	[tilespmem:s17+$0x1C020] =	vst v6;
	v56 =	vmax.f32 v9, v8;
	v57 =	vmax.f32 v10, v11;
	v58 =	vmax.f32 v54, v44  }
0x263: {  	[tilespmem:s17+$0x1C030] =	vst v5;
	v3 =	vmax.f32 v56, v3;
	v59 =	vmax.f32 v57, v7;
	v60 =	vmax.f32 v58, v46  }
0x264: {  	[tilespmem:s17+$0x1C040] =	vst v4;
	v1 =	vmax.f32 v3, v1;
	v2 =	vmax.f32 v59, v2;
	v61 =	vmax.f32 v60, v48  }
0x265: {  	s2 =	sadd.s32 $0x1, s2;
	[tilespmem:s17+$0x1C050] =	vst v1;
	v0 =	vmax.f32 v2, v0;
	v62 =	vmax.f32 v61, v52  }
0x266: {  	p0 =	sne.s32 s2, s8;
	[tilespmem:s17+$0x1C060] =	vst v0;
	v63 =	vmax.f32 v62, v55  }
.Ltmp5:
0x267: {  	[tilespmem:s17+$0x1C070] =	vst v63;
	(pc) =	sbr.rel @p0 .LBB2_2-.Ltmp5, $4  }
0x268: {  	[hbm4b:s5+s9] =	stream.strided.scatter [tilespmem:s15], [sflag:$0x3], $0x2000, s14, s9, $0x38;
	[tilespmem:$0x1E000] =	vst v63  }
0x269: {  	_ =	swait.ge [sflag:s16], $0x2000  }
0x26a: {  	[sflag:s16] =	ssyncset.done $0x0  }
0x26b: {  	[sflag:s16] =	ssyncadd.s32 $0xFFFFE000  }
.LBB2_11:
0x26c: {  	_ =	sfence.sel $0x180000  }
0x26d: {  	[bflag:$0x0] =	sbarrier.arrive $0xFFFF  }
0x26e: {  	p0 =	sne.s32 s1, $0x0;
	_ =	strace $0x90000047  }
0x26f: {  	s0 =	sadd.s32 @!p0 $0x100000, s0;
	[bflag:$0x2] =	sbarrier.arrive $0xFFFF  }
0x270: {  	[sflag:s0] =	ssyncadd.tile.s32 @!p0 $0x1;
	_ =	shalt  }
.Lfunc_end2:
_tile_overlayer_lowered:
.L_overlay_start_2:
0x271: {  	(tag) =	ssettag $0x2  }
0x272: {  	s0 =	rddreg [dreg:$0x0];
	s2 =	stileid.u32  }
0x273: {  	s1 =	rddreg [dreg:$0x1];
	p0 =	sne.s32 s2, $0x0  }
0x274: {  	s3 =	rddreg [dreg:$0x2];
	[bflag:$0x3] =	sbarrier.arrive $0xFFFF;
	s2 =	simm.s32 @!p0 $0x1C03  }
0x275: {  	[timem:s3], [sflag:s2] =	dma.local @!p0 [hbm:s0], s1  }
0x276: {  	s0 =	simm.s32 @!p0 $0x3  }
0x277: {  	_ =	swait.ge @!p0 [sflag:s0], s1  }
0x278: {  	s1 =	ssub.s32 @!p0 $0x0, s1;
	[sflag:s0] =	ssyncset.done @!p0 $0x0  }
0x279: {  	[sflag:s0] =	ssyncadd.s32 @!p0 s1  }
0x27a: {  	[bflag:$0x3] =	sbarrier.arrive $0xFFFF  }
0x27b: {  	_ =	shalt  }

</sc_bundles>
